<compile_context>
chip_gen: v7x
topology: tpu7x:2x2x1
jax: 0.10.2.dev20260603
libtpu: 0.0.44.dev20260713+nightly
codegen_flags: <defaults>
</compile_context>

<pallas_src>
import functools

import jax
import jax.numpy as jnp
from jax import lax
from jax.experimental import pallas as pl
from jax.experimental.pallas import tpu as pltpu
from jax.experimental.pallas import tpu_sc as plsc

N = 10000
E = 320000
D = 128
H = 1
C = 128

NC = 2
NS = 16
NW = NC * NS
BLK = 32
EPW = (E + NW * BLK - 1) // (NW * BLK) * BLK
EPAD = NW * EPW
NBLK = EPW // BLK
NP = 10240
RPS = NP // NS
AW = C
DR = NP // 16
DRS = DR // NS
NG = BLK // 16
PADROW = NP - 1



def _prologue_body(x_ref, w_ref, asrc_w_ref, adst_w_ref,
                   h_ref, asrc_ref, adst_ref, xp_ref):
    x = x_ref[...]
    h = lax.dot_general(
        x, w_ref[...], (((1,), (0,)), ((), ())),
        preferred_element_type=jnp.float32, precision=lax.Precision.HIGHEST)
    h_ref[...] = h
    asrc = lax.dot_general(
        h, asrc_w_ref[...], (((1,), (1,)), ((), ())),
        preferred_element_type=jnp.float32, precision=lax.Precision.HIGHEST)
    adst = lax.dot_general(
        h, adst_w_ref[...], (((1,), (1,)), ((), ())),
        preferred_element_type=jnp.float32, precision=lax.Precision.HIGHEST)
    asrc_ref[...] = jnp.broadcast_to(asrc, (N, 16))
    adst_ref[0:N, :] = jnp.broadcast_to(adst, (N, 16))
    adst_ref[N:NP, :] = jnp.zeros((NP - N, 16), jnp.float32)
    xp_ref[0:N, :] = x
    xp_ref[N:NP, :] = jnp.zeros((NP - N, D), jnp.float32)



_MESH = plsc.VectorSubcoreMesh(core_axis_name="c", subcore_axis_name="s")

_SC_PARAMS = pltpu.CompilerParams(
    use_tc_tiling_on_sc=False, needs_layout_passes=False)


@functools.partial(
    pl.kernel,
    out_type=[
        jax.ShapeDtypeStruct((NC, NP, AW), jnp.float32),
        jax.ShapeDtypeStruct((NC, DR, 16), jnp.float32),
    ],
    mesh=_MESH,
    compiler_params=_SC_PARAMS,
    scratch_types=[
        pltpu.VMEM((BLK,), jnp.int32),
        pltpu.VMEM((BLK,), jnp.int32),
        pltpu.VMEM((BLK,), jnp.int32),
        pltpu.VMEM((BLK, D), jnp.float32),
        pltpu.VMEM((BLK, D), jnp.float32),
        pltpu.VMEM((BLK, D), jnp.float32),
        pltpu.VMEM((BLK, AW), jnp.float32),
        pltpu.VMEM((BLK, 16), jnp.float32),
        pltpu.VMEM((BLK, 16), jnp.float32),
        pltpu.VMEM((BLK, 16), jnp.float32),
        pltpu.VMEM((16, 16), jnp.float32),
        pltpu.VMEM((16,), jnp.float32),
        pltpu.VMEM((16,), jnp.float32),
        pltpu.VMEM_SHARED((NP, AW), jnp.float32),
        pltpu.VMEM_SHARED((DR, 16), jnp.float32),
        pltpu.SemaphoreType.DMA,
        pltpu.SemaphoreType.DMA,
        pltpu.SemaphoreType.DMA,
    ],
)
def _sc_edge_kernel(xp_hbm, h_hbm, asrc_hbm, adst_hbm, ce_hbm, src_hbm, dst_hbm,
                    out_hbm, den_hbm, sidx_v, didx_v, drow_v, xs_v, xd_v,
                    hs_v, msg_v, asrcr_v, adstr_v, denrow_v, sbuf_v, exbuf_v,
                    ce_v, acc_sh, den_sh, sem0, sem1, sem2):
    cid = lax.axis_index("c")
    sid = lax.axis_index("s")
    wid = cid * NS + sid

    zero16 = jnp.zeros((16,), jnp.float32)

    @pl.loop(0, BLK)
    def _zero_msg(r):
        for k in range(AW // 16):
            msg_v[r, pl.ds(16 * k, 16)] = zero16

    @pl.loop(0, BLK)
    def _zero_denrow(r):
        denrow_v[r, :] = zero16

    rbase = sid * RPS
    for i in range(RPS // BLK):
        pltpu.sync_copy(msg_v, acc_sh.at[pl.ds(rbase + i * BLK, BLK)])
    dbase = sid * DRS
    pltpu.sync_copy(denrow_v, den_sh.at[pl.ds(dbase, BLK)])
    pltpu.sync_copy(denrow_v.at[pl.ds(0, DRS - BLK)],
                    den_sh.at[pl.ds(dbase + BLK, DRS - BLK)])

    pltpu.sync_copy(ce_hbm, ce_v)
    ce = ce_v[...]

    plsc.subcore_barrier()

    ebase = wid * EPW
    iota16 = lax.iota(jnp.int32, 16)

    @pl.loop(0, NBLK)
    def _block(b):
        off = ebase + b * BLK
        pltpu.sync_copy(src_hbm.at[pl.ds(off, BLK)], sidx_v)
        pltpu.sync_copy(dst_hbm.at[pl.ds(off, BLK)], didx_v)
        cp0 = pltpu.async_copy(xp_hbm.at[sidx_v], xs_v, sem0)
        cp3 = pltpu.async_copy(asrc_hbm.at[sidx_v], asrcr_v, sem0)
        cp1 = pltpu.async_copy(xp_hbm.at[didx_v], xd_v, sem1)
        cp4 = pltpu.async_copy(adst_hbm.at[didx_v], adstr_v, sem1)
        cp2 = pltpu.async_copy(h_hbm.at[sidx_v], hs_v, sem2)
        cp0.wait()
        cp3.wait()
        cp1.wait()
        cp4.wait()
        cp2.wait()

        for g in range(NG):
            @pl.loop(0, 16)
            def _dist(j):
                e = g * 16 + j
                d0 = xs_v[e, pl.ds(0, 16)] - xd_v[e, pl.ds(0, 16)]
                acc = d0 * d0
                for k in range(1, D // 16):
                    dk = xs_v[e, pl.ds(16 * k, 16)] - xd_v[e, pl.ds(16 * k, 16)]
                    acc = acc + dk * dk
                plsc.store_scatter(
                    sbuf_v, [iota16, jnp.full((16,), j, jnp.int32)], acc)

            s2 = sbuf_v[0, :]
            for r in range(1, 16):
                s2 = s2 + sbuf_v[r, :]
            s2 = s2 + 1e-16
            seed = jnp.int32(0x5F3759DF) - (plsc.bitcast(s2, jnp.int32) >> 1)
            y = plsc.bitcast(seed, jnp.float32)
            for _ in range(3):
                y = y * (1.5 - 0.5 * s2 * y * y)
            r = s2 * y
            w = jnp.exp(-r)
            di = didx_v[pl.ds(g * 16, 16)]
            a0 = plsc.load_gather(
                asrcr_v, [g * 16 + iota16, jnp.zeros((16,), jnp.int32)])
            a1 = plsc.load_gather(
                adstr_v, [g * 16 + iota16, jnp.zeros((16,), jnp.int32)])
            a = a0 + a1 + ce * w
            a = jnp.where(a >= 0.0, a, 0.2 * a)
            ex = jnp.exp(a)
            exbuf_v[...] = ex
            plsc.store_scatter(
                denrow_v, [g * 16 + iota16, lax.bitwise_and(di, 15)], ex)
            drow_v[pl.ds(g * 16, 16)] = lax.shift_right_logical(di, 4)

            @pl.loop(0, 16)
            def _scale(j):
                e = g * 16 + j
                exs = plsc.load_gather(exbuf_v, [jnp.full((16,), j, jnp.int32)])
                for k in range(D // 16):
                    msg_v[e, pl.ds(16 * k, 16)] = hs_v[e, pl.ds(16 * k, 16)] * exs

        pltpu.sync_copy(msg_v, acc_sh.at[didx_v], add=True)
        pltpu.sync_copy(denrow_v, den_sh.at[drow_v], add=True)

        @pl.loop(0, BLK)
        def _rezero_denrow(r):
            denrow_v[r, :] = zero16

    plsc.subcore_barrier()

    for i in range(RPS // BLK):
        pltpu.sync_copy(acc_sh.at[pl.ds(rbase + i * BLK, BLK)],
                        out_hbm.at[cid, pl.ds(rbase + i * BLK, BLK)])
    pltpu.sync_copy(den_sh.at[pl.ds(dbase, BLK)],
                    den_hbm.at[cid, pl.ds(dbase, BLK)])
    pltpu.sync_copy(den_sh.at[pl.ds(dbase + BLK, DRS - BLK)],
                    den_hbm.at[cid, pl.ds(dbase + BLK, DRS - BLK)])



def _epilogue_body(acc_ref, den_ref, bias_ref, out_ref):
    msg = acc_ref[0, 0:N, :] + acc_ref[1, 0:N, :]
    den = den_ref[0, 0:N, :] + den_ref[1, 0:N, :]
    out_ref[...] = jnp.maximum(msg / (den + 1e-16) + bias_ref[...], 0.0)



def kernel(x, edge_index, W, att_src, att_dst, lin_edge_w, att_edge, bias):
    src = edge_index[0]
    dst = edge_index[1]
    srcp = jnp.concatenate([src, jnp.zeros((EPAD - E,), jnp.int32)])
    dstp = jnp.concatenate([dst, jnp.full((EPAD - E,), PADROW, jnp.int32)])
    c_edge = jnp.sum(lin_edge_w.reshape(-1) * att_edge.reshape(-1))
    ce = jnp.full((16,), c_edge, jnp.float32)

    h, asrc, adst, xp = pl.pallas_call(
        _prologue_body,
        out_shape=[
            jax.ShapeDtypeStruct((N, C), jnp.float32),
            jax.ShapeDtypeStruct((N, 16), jnp.float32),
            jax.ShapeDtypeStruct((NP, 16), jnp.float32),
            jax.ShapeDtypeStruct((NP, D), jnp.float32),
        ],
    )(x, W, att_src, att_dst)

    acc, den = _sc_edge_kernel(xp, h, asrc, adst, ce, srcp, dstp)

    out = pl.pallas_call(
        _epilogue_body,
        out_shape=jax.ShapeDtypeStruct((N, C), jnp.float32),
    )(acc, den.reshape(NC, NP, 1), bias[None, :])
    return out

# --- scband reference (transcript-rebuilt; emitter-appended) ---
"""Pipeline reference for scband-gatmodule-17300128268880 (READ-ONLY COPY).

The authoritative reference and input builder live on the scoring server;
editing this copy changes nothing except your own understanding.
"""

import jax, jax.numpy as jnp
import numpy as np

N = 10000
E = 320000
D = 128
H = 1
C = 128

def setup_inputs(seed: int = 0) -> dict:
    key = jax.random.key(seed)
    ks = jax.random.split(key, 8)
    x = jax.random.normal(ks[0], (N, D), dtype=jnp.float32)
    edge_index = jax.random.randint(ks[1], (2, E), 0, N, dtype=jnp.int32)
    s = 1.0 / np.sqrt(D)
    W = jax.random.normal(ks[2], (D, H * C), dtype=jnp.float32) * s
    att_src = jax.random.normal(ks[3], (H, C), dtype=jnp.float32) * s
    att_dst = jax.random.normal(ks[4], (H, C), dtype=jnp.float32) * s
    lin_edge_w = jax.random.normal(ks[5], (1, H * C), dtype=jnp.float32) * s
    att_edge = jax.random.normal(ks[6], (H, C), dtype=jnp.float32) * s
    bias = jnp.zeros((C,), dtype=jnp.float32)
    return {"x": x, "edge_index": edge_index, "W": W, "att_src": att_src, "att_dst": att_dst, "lin_edge_w": lin_edge_w, "att_edge": att_edge, "bias": bias}

def reference(x, edge_index, W, att_src, att_dst, lin_edge_w, att_edge, bias):
    src = edge_index[0]
    dst = edge_index[1]
    # compute_edge_weights: exp(-||x_src - x_dst||)
    diff = x[src] - x[dst]
    edge_weight = jnp.exp(-jnp.sqrt(jnp.sum(diff * diff, axis=-1) + 1e-16))
    # GATConv (eval mode, dropout disabled)
    h = (x @ W).reshape(N, H, C)
    alpha_src = jnp.sum(h * att_src[None, :, :], axis=-1)  # [N, H]
    alpha_dst = jnp.sum(h * att_dst[None, :, :], axis=-1)  # [N, H]
    # edge_attr (1-dim weight) projected via lin_edge, then attended
    edge_feat = (edge_weight[:, None] @ lin_edge_w).reshape(E, H, C)
    alpha_edge = jnp.sum(edge_feat * att_edge[None, :, :], axis=-1)  # [E, H]
    alpha = alpha_src[src] + alpha_dst[dst] + alpha_edge
    alpha = jax.nn.leaky_relu(alpha, negative_slope=0.2)
    # softmax over incoming edges per destination node
    amax = jax.ops.segment_max(alpha, dst, num_segments=N)
    amax = jnp.where(jnp.isfinite(amax), amax, 0.0)
    ex = jnp.exp(alpha - amax[dst])
    denom = jax.ops.segment_sum(ex, dst, num_segments=N)
    attw = ex / (denom[dst] + 1e-16)  # [E, H]
    msg = attw[:, :, None] * h[src]  # [E, H, C]
    out = jax.ops.segment_sum(msg, dst, num_segments=N)  # [N, H, C]
    out = jnp.mean(out, axis=1) + bias  # concat=False -> head mean
    return jax.nn.relu(out)

if __name__ == "__main__":
    import jax
    _d = setup_inputs()
    print(jax.jit(kernel)(*tuple(_d.values())))

</pallas_src>

<mosaic_0001>
#map = affine_map<(d0, d1) -> (0, 0)>
#map1 = affine_map<(d0, d1) -> (0)>
#map2 = affine_map<(d0, d1) -> (0, 0, 0)>
module attributes {stable_mosaic.version = 14 : i64} {
  func.func @_sc_edge_kernel(%arg0: i32, %arg1: i32, %arg2: memref<10240x128xf32, #tpu.memory_space<hbm>>, %arg3: memref<10000x128xf32, #tpu.memory_space<hbm>>, %arg4: memref<10000x16xf32, #tpu.memory_space<hbm>>, %arg5: memref<10240x16xf32, #tpu.memory_space<hbm>>, %arg6: memref<16xf32, #tpu.memory_space<hbm>>, %arg7: memref<320512xi32, #tpu.memory_space<hbm>>, %arg8: memref<320512xi32, #tpu.memory_space<hbm>>, %arg9: memref<2x10240x128xf32, #tpu.memory_space<hbm>>, %arg10: memref<2x640x16xf32, #tpu.memory_space<hbm>>, %arg11: memref<32xi32, #tpu.memory_space<vmem>>, %arg12: memref<32xi32, #tpu.memory_space<vmem>>, %arg13: memref<32xi32, #tpu.memory_space<vmem>>, %arg14: memref<32x128xf32, #tpu.memory_space<vmem>>, %arg15: memref<32x128xf32, #tpu.memory_space<vmem>>, %arg16: memref<32x128xf32, #tpu.memory_space<vmem>>, %arg17: memref<32x128xf32, #tpu.memory_space<vmem>>, %arg18: memref<32x16xf32, #tpu.memory_space<vmem>>, %arg19: memref<32x16xf32, #tpu.memory_space<vmem>>, %arg20: memref<32x16xf32, #tpu.memory_space<vmem>>, %arg21: memref<16x16xf32, #tpu.memory_space<vmem>>, %arg22: memref<16xf32, #tpu.memory_space<vmem>>, %arg23: memref<16xf32, #tpu.memory_space<vmem>>, %arg24: memref<10240x128xf32, #tpu.memory_space<vmem_shared>>, %arg25: memref<640x16xf32, #tpu.memory_space<vmem_shared>>, %arg26: memref<!tpu.dma_semaphore, #tpu.memory_space<semaphore_mem>>, %arg27: memref<!tpu.dma_semaphore, #tpu.memory_space<semaphore_mem>>, %arg28: memref<!tpu.dma_semaphore, #tpu.memory_space<semaphore_mem>>) attributes {dimension_semantics = [#tpu.dimension_semantics<core_parallel>, #tpu.dimension_semantics<subcore_parallel>], iteration_bounds = array<i64: 2, 16>, scalar_prefetch = 0 : i64, scratch_operands = 18 : i64, tpu.core_type = #tpu.core_type<sc_vector_subcore>, window_params = [{transform_indices = #map}, {transform_indices = #map}, {transform_indices = #map}, {transform_indices = #map}, {transform_indices = #map1}, {transform_indices = #map1}, {transform_indices = #map1}, {transform_indices = #map2}, {transform_indices = #map2}]} {
    %mul3A = arith.constant 16 : i32
    %mul3A_0 = arith.muli %arg0, %mul3A : i32
    %add3A = arith.addi %mul3A_0, %arg1 : i32
    %broadcast_in_dim3A = arith.constant 0.000000e+00 : f32
    %broadcast_in_dim3A_1 = vector.broadcast %broadcast_in_dim3A : f32 to vector<16xf32>
    %scan3A = arith.constant 0 : i32
    %scan3A_2 = arith.constant 32 : i32
    %scan3A_3 = arith.addi %scan3A, %scan3A_2 : i32
    %scan3A_4 = arith.constant 1 : i32
    scf.for %scan3A_150 = %scan3A to %scan3A_3 step %scan3A_4  : i32 {
      %mul3A_151 = arith.constant 1 : i32
      %mul3A_152 = arith.muli %scan3A_150, %mul3A_151 : i32
      %add3A_153 = arith.constant 0 : i32
      %add3A_154 = arith.addi %add3A_153, %mul3A_152 : i32
      %swap3A = arith.index_cast %add3A_154 : i32 to index
      %swap3A_155 = arith.constant 0 : index
      %swap3A_156 = tpu.vector_load %arg17[%swap3A, %swap3A_155] {strides = array<i32>} : memref<32x128xf32, #tpu.memory_space<vmem>>, vector<16xf32>,
      tpu.vector_store %arg17[%swap3A, %swap3A_155], %broadcast_in_dim3A_1 {strides = array<i32>} : memref<32x128xf32, #tpu.memory_space<vmem>>, vector<16xf32>,
      %swap3A_157 = arith.index_cast %add3A_154 : i32 to index
      %swap3A_158 = arith.constant 16 : index
      %swap3A_159 = tpu.vector_load %arg17[%swap3A_157, %swap3A_158] {strides = array<i32>} : memref<32x128xf32, #tpu.memory_space<vmem>>, vector<16xf32>,
      tpu.vector_store %arg17[%swap3A_157, %swap3A_158], %broadcast_in_dim3A_1 {strides = array<i32>} : memref<32x128xf32, #tpu.memory_space<vmem>>, vector<16xf32>,
      %swap3A_160 = arith.index_cast %add3A_154 : i32 to index
      %swap3A_161 = arith.constant 32 : index
      %swap3A_162 = tpu.vector_load %arg17[%swap3A_160, %swap3A_161] {strides = array<i32>} : memref<32x128xf32, #tpu.memory_space<vmem>>, vector<16xf32>,
      tpu.vector_store %arg17[%swap3A_160, %swap3A_161], %broadcast_in_dim3A_1 {strides = array<i32>} : memref<32x128xf32, #tpu.memory_space<vmem>>, vector<16xf32>,
      %swap3A_163 = arith.index_cast %add3A_154 : i32 to index
      %swap3A_164 = arith.constant 48 : index
      %swap3A_165 = tpu.vector_load %arg17[%swap3A_163, %swap3A_164] {strides = array<i32>} : memref<32x128xf32, #tpu.memory_space<vmem>>, vector<16xf32>,
      tpu.vector_store %arg17[%swap3A_163, %swap3A_164], %broadcast_in_dim3A_1 {strides = array<i32>} : memref<32x128xf32, #tpu.memory_space<vmem>>, vector<16xf32>,
      %swap3A_166 = arith.index_cast %add3A_154 : i32 to index
      %swap3A_167 = arith.constant 64 : index
      %swap3A_168 = tpu.vector_load %arg17[%swap3A_166, %swap3A_167] {strides = array<i32>} : memref<32x128xf32, #tpu.memory_space<vmem>>, vector<16xf32>,
      tpu.vector_store %arg17[%swap3A_166, %swap3A_167], %broadcast_in_dim3A_1 {strides = array<i32>} : memref<32x128xf32, #tpu.memory_space<vmem>>, vector<16xf32>,
      %swap3A_169 = arith.index_cast %add3A_154 : i32 to index
      %swap3A_170 = arith.constant 80 : index
      %swap3A_171 = tpu.vector_load %arg17[%swap3A_169, %swap3A_170] {strides = array<i32>} : memref<32x128xf32, #tpu.memory_space<vmem>>, vector<16xf32>,
      tpu.vector_store %arg17[%swap3A_169, %swap3A_170], %broadcast_in_dim3A_1 {strides = array<i32>} : memref<32x128xf32, #tpu.memory_space<vmem>>, vector<16xf32>,
      %swap3A_172 = arith.index_cast %add3A_154 : i32 to index
      %swap3A_173 = arith.constant 96 : index
      %swap3A_174 = tpu.vector_load %arg17[%swap3A_172, %swap3A_173] {strides = array<i32>} : memref<32x128xf32, #tpu.memory_space<vmem>>, vector<16xf32>,
      tpu.vector_store %arg17[%swap3A_172, %swap3A_173], %broadcast_in_dim3A_1 {strides = array<i32>} : memref<32x128xf32, #tpu.memory_space<vmem>>, vector<16xf32>,
      %swap3A_175 = arith.index_cast %add3A_154 : i32 to index
      %swap3A_176 = arith.constant 112 : index
      %swap3A_177 = tpu.vector_load %arg17[%swap3A_175, %swap3A_176] {strides = array<i32>} : memref<32x128xf32, #tpu.memory_space<vmem>>, vector<16xf32>,
      tpu.vector_store %arg17[%swap3A_175, %swap3A_176], %broadcast_in_dim3A_1 {strides = array<i32>} : memref<32x128xf32, #tpu.memory_space<vmem>>, vector<16xf32>,
    }
    %scan3A_5 = arith.constant 32 : i32
    %scan3A_6 = arith.constant 0 : i32
    %scan3A_7 = arith.constant 32 : i32
    %scan3A_8 = arith.addi %scan3A_6, %scan3A_7 : i32
    %scan3A_9 = arith.constant 1 : i32
    scf.for %scan3A_150 = %scan3A_6 to %scan3A_8 step %scan3A_9  : i32 {
      %mul3A_151 = arith.constant 1 : i32
      %mul3A_152 = arith.muli %scan3A_150, %mul3A_151 : i32
      %add3A_153 = arith.constant 0 : i32
      %add3A_154 = arith.addi %add3A_153, %mul3A_152 : i32
      %swap3A = arith.index_cast %add3A_154 : i32 to index
      %swap3A_155 = arith.constant 0 : index
      %swap3A_156 = tpu.vector_load %arg20[%swap3A, %swap3A_155] {strides = array<i32>} : memref<32x16xf32, #tpu.memory_space<vmem>>, vector<16xf32>,
      tpu.vector_store %arg20[%swap3A, %swap3A_155], %broadcast_in_dim3A_1 {strides = array<i32>} : memref<32x16xf32, #tpu.memory_space<vmem>>, vector<16xf32>,
    }
    %scan3A_10 = arith.constant 32 : i32
    %mul3A_11 = arith.constant 640 : i32
    %mul3A_12 = arith.muli %arg1, %mul3A_11 : i32
    %add3A_13 = arith.constant 0 : i32
    %add3A_14 = arith.addi %mul3A_12, %add3A_13 : i32
    "tpu.region"() ({
      %run_scoped3A = tpu.sem_alloc : memref<!tpu.dma_semaphore, #tpu.memory_space<semaphore_mem>>
      %dma_start3A = arith.constant 0 : i32
      %dma_start3A_150 = tpu.memref_slice %arg24[%add3A_14, %dma_start3A] : memref<10240x128xf32, #tpu.memory_space<vmem_shared>> -> memref<32x128xf32, #tpu.memory_space<vmem_shared>>
      %dma_start3A_151 = arith.constant 0 : i32
      %dma_start3A_152 = tpu.memref_slice %arg24[%add3A_14, %dma_start3A_151] : memref<10240x128xf32, #tpu.memory_space<vmem_shared>> -> memref<32x128xf32, #tpu.memory_space<vmem_shared>>
      tpu.enqueue_dma source(%arg17 : memref<32x128xf32, #tpu.memory_space<vmem>>) target(%dma_start3A_152 : memref<32x128xf32, #tpu.memory_space<vmem_shared>>) target_semaphore(%run_scoped3A : memref<!tpu.dma_semaphore, #tpu.memory_space<semaphore_mem>>)
      %dma_wait3A = arith.constant 0 : i32
      %dma_wait3A_153 = tpu.memref_slice %arg24[%add3A_14, %dma_wait3A] : memref<10240x128xf32, #tpu.memory_space<vmem_shared>> -> memref<32x128xf32, #tpu.memory_space<vmem_shared>>
      %dma_wait3A_154 = arith.constant 0 : i32
      %dma_wait3A_155 = tpu.memref_slice %arg24[%add3A_14, %dma_wait3A_154] : memref<10240x128xf32, #tpu.memory_space<vmem_shared>> -> memref<32x128xf32, #tpu.memory_space<vmem_shared>>
      tpu.wait_dma2 semaphore(%run_scoped3A : memref<!tpu.dma_semaphore, #tpu.memory_space<semaphore_mem>>) src(%arg17 : memref<32x128xf32, #tpu.memory_space<vmem>>) dst(%dma_wait3A_155 : memref<32x128xf32, #tpu.memory_space<vmem_shared>>)
      tpu.yield
    }) : () -> ()
    %add3A_15 = arith.constant 32 : i32
    %add3A_16 = arith.addi %mul3A_12, %add3A_15 : i32
    "tpu.region"() ({
      %run_scoped3A = tpu.sem_alloc : memref<!tpu.dma_semaphore, #tpu.memory_space<semaphore_mem>>
      %dma_start3A = arith.constant 0 : i32
      %dma_start3A_150 = tpu.memref_slice %arg24[%add3A_16, %dma_start3A] : memref<10240x128xf32, #tpu.memory_space<vmem_shared>> -> memref<32x128xf32, #tpu.memory_space<vmem_shared>>
      %dma_start3A_151 = arith.constant 0 : i32
      %dma_start3A_152 = tpu.memref_slice %arg24[%add3A_16, %dma_start3A_151] : memref<10240x128xf32, #tpu.memory_space<vmem_shared>> -> memref<32x128xf32, #tpu.memory_space<vmem_shared>>
      tpu.enqueue_dma source(%arg17 : memref<32x128xf32, #tpu.memory_space<vmem>>) target(%dma_start3A_152 : memref<32x128xf32, #tpu.memory_space<vmem_shared>>) target_semaphore(%run_scoped3A : memref<!tpu.dma_semaphore, #tpu.memory_space<semaphore_mem>>)
      %dma_wait3A = arith.constant 0 : i32
      %dma_wait3A_153 = tpu.memref_slice %arg24[%add3A_16, %dma_wait3A] : memref<10240x128xf32, #tpu.memory_space<vmem_shared>> -> memref<32x128xf32, #tpu.memory_space<vmem_shared>>
      %dma_wait3A_154 = arith.constant 0 : i32
      %dma_wait3A_155 = tpu.memref_slice %arg24[%add3A_16, %dma_wait3A_154] : memref<10240x128xf32, #tpu.memory_space<vmem_shared>> -> memref<32x128xf32, #tpu.memory_space<vmem_shared>>
      tpu.wait_dma2 semaphore(%run_scoped3A : memref<!tpu.dma_semaphore, #tpu.memory_space<semaphore_mem>>) src(%arg17 : memref<32x128xf32, #tpu.memory_space<vmem>>) dst(%dma_wait3A_155 : memref<32x128xf32, #tpu.memory_space<vmem_shared>>)
      tpu.yield
    }) : () -> ()
    %add3A_17 = arith.constant 64 : i32
    %add3A_18 = arith.addi %mul3A_12, %add3A_17 : i32
    "tpu.region"() ({
      %run_scoped3A = tpu.sem_alloc : memref<!tpu.dma_semaphore, #tpu.memory_space<semaphore_mem>>
      %dma_start3A = arith.constant 0 : i32
      %dma_start3A_150 = tpu.memref_slice %arg24[%add3A_18, %dma_start3A] : memref<10240x128xf32, #tpu.memory_space<vmem_shared>> -> memref<32x128xf32, #tpu.memory_space<vmem_shared>>
      %dma_start3A_151 = arith.constant 0 : i32
      %dma_start3A_152 = tpu.memref_slice %arg24[%add3A_18, %dma_start3A_151] : memref<10240x128xf32, #tpu.memory_space<vmem_shared>> -> memref<32x128xf32, #tpu.memory_space<vmem_shared>>
      tpu.enqueue_dma source(%arg17 : memref<32x128xf32, #tpu.memory_space<vmem>>) target(%dma_start3A_152 : memref<32x128xf32, #tpu.memory_space<vmem_shared>>) target_semaphore(%run_scoped3A : memref<!tpu.dma_semaphore, #tpu.memory_space<semaphore_mem>>)
      %dma_wait3A = arith.constant 0 : i32
      %dma_wait3A_153 = tpu.memref_slice %arg24[%add3A_18, %dma_wait3A] : memref<10240x128xf32, #tpu.memory_space<vmem_shared>> -> memref<32x128xf32, #tpu.memory_space<vmem_shared>>
      %dma_wait3A_154 = arith.constant 0 : i32
      %dma_wait3A_155 = tpu.memref_slice %arg24[%add3A_18, %dma_wait3A_154] : memref<10240x128xf32, #tpu.memory_space<vmem_shared>> -> memref<32x128xf32, #tpu.memory_space<vmem_shared>>
      tpu.wait_dma2 semaphore(%run_scoped3A : memref<!tpu.dma_semaphore, #tpu.memory_space<semaphore_mem>>) src(%arg17 : memref<32x128xf32, #tpu.memory_space<vmem>>) dst(%dma_wait3A_155 : memref<32x128xf32, #tpu.memory_space<vmem_shared>>)
      tpu.yield
    }) : () -> ()
    %add3A_19 = arith.constant 96 : i32
    %add3A_20 = arith.addi %mul3A_12, %add3A_19 : i32
    "tpu.region"() ({
      %run_scoped3A = tpu.sem_alloc : memref<!tpu.dma_semaphore, #tpu.memory_space<semaphore_mem>>
      %dma_start3A = arith.constant 0 : i32
      %dma_start3A_150 = tpu.memref_slice %arg24[%add3A_20, %dma_start3A] : memref<10240x128xf32, #tpu.memory_space<vmem_shared>> -> memref<32x128xf32, #tpu.memory_space<vmem_shared>>
      %dma_start3A_151 = arith.constant 0 : i32
      %dma_start3A_152 = tpu.memref_slice %arg24[%add3A_20, %dma_start3A_151] : memref<10240x128xf32, #tpu.memory_space<vmem_shared>> -> memref<32x128xf32, #tpu.memory_space<vmem_shared>>
      tpu.enqueue_dma source(%arg17 : memref<32x128xf32, #tpu.memory_space<vmem>>) target(%dma_start3A_152 : memref<32x128xf32, #tpu.memory_space<vmem_shared>>) target_semaphore(%run_scoped3A : memref<!tpu.dma_semaphore, #tpu.memory_space<semaphore_mem>>)
      %dma_wait3A = arith.constant 0 : i32
      %dma_wait3A_153 = tpu.memref_slice %arg24[%add3A_20, %dma_wait3A] : memref<10240x128xf32, #tpu.memory_space<vmem_shared>> -> memref<32x128xf32, #tpu.memory_space<vmem_shared>>
      %dma_wait3A_154 = arith.constant 0 : i32
      %dma_wait3A_155 = tpu.memref_slice %arg24[%add3A_20, %dma_wait3A_154] : memref<10240x128xf32, #tpu.memory_space<vmem_shared>> -> memref<32x128xf32, #tpu.memory_space<vmem_shared>>
      tpu.wait_dma2 semaphore(%run_scoped3A : memref<!tpu.dma_semaphore, #tpu.memory_space<semaphore_mem>>) src(%arg17 : memref<32x128xf32, #tpu.memory_space<vmem>>) dst(%dma_wait3A_155 : memref<32x128xf32, #tpu.memory_space<vmem_shared>>)
      tpu.yield
    }) : () -> ()
    %add3A_21 = arith.constant 128 : i32
    %add3A_22 = arith.addi %mul3A_12, %add3A_21 : i32
    "tpu.region"() ({
      %run_scoped3A = tpu.sem_alloc : memref<!tpu.dma_semaphore, #tpu.memory_space<semaphore_mem>>
      %dma_start3A = arith.constant 0 : i32
      %dma_start3A_150 = tpu.memref_slice %arg24[%add3A_22, %dma_start3A] : memref<10240x128xf32, #tpu.memory_space<vmem_shared>> -> memref<32x128xf32, #tpu.memory_space<vmem_shared>>
      %dma_start3A_151 = arith.constant 0 : i32
      %dma_start3A_152 = tpu.memref_slice %arg24[%add3A_22, %dma_start3A_151] : memref<10240x128xf32, #tpu.memory_space<vmem_shared>> -> memref<32x128xf32, #tpu.memory_space<vmem_shared>>
      tpu.enqueue_dma source(%arg17 : memref<32x128xf32, #tpu.memory_space<vmem>>) target(%dma_start3A_152 : memref<32x128xf32, #tpu.memory_space<vmem_shared>>) target_semaphore(%run_scoped3A : memref<!tpu.dma_semaphore, #tpu.memory_space<semaphore_mem>>)
      %dma_wait3A = arith.constant 0 : i32
      %dma_wait3A_153 = tpu.memref_slice %arg24[%add3A_22, %dma_wait3A] : memref<10240x128xf32, #tpu.memory_space<vmem_shared>> -> memref<32x128xf32, #tpu.memory_space<vmem_shared>>
      %dma_wait3A_154 = arith.constant 0 : i32
      %dma_wait3A_155 = tpu.memref_slice %arg24[%add3A_22, %dma_wait3A_154] : memref<10240x128xf32, #tpu.memory_space<vmem_shared>> -> memref<32x128xf32, #tpu.memory_space<vmem_shared>>
      tpu.wait_dma2 semaphore(%run_scoped3A : memref<!tpu.dma_semaphore, #tpu.memory_space<semaphore_mem>>) src(%arg17 : memref<32x128xf32, #tpu.memory_space<vmem>>) dst(%dma_wait3A_155 : memref<32x128xf32, #tpu.memory_space<vmem_shared>>)
      tpu.yield
    }) : () -> ()
    %add3A_23 = arith.constant 160 : i32
    %add3A_24 = arith.addi %mul3A_12, %add3A_23 : i32
    "tpu.region"() ({
      %run_scoped3A = tpu.sem_alloc : memref<!tpu.dma_semaphore, #tpu.memory_space<semaphore_mem>>
      %dma_start3A = arith.constant 0 : i32
      %dma_start3A_150 = tpu.memref_slice %arg24[%add3A_24, %dma_start3A] : memref<10240x128xf32, #tpu.memory_space<vmem_shared>> -> memref<32x128xf32, #tpu.memory_space<vmem_shared>>
      %dma_start3A_151 = arith.constant 0 : i32
      %dma_start3A_152 = tpu.memref_slice %arg24[%add3A_24, %dma_start3A_151] : memref<10240x128xf32, #tpu.memory_space<vmem_shared>> -> memref<32x128xf32, #tpu.memory_space<vmem_shared>>
      tpu.enqueue_dma source(%arg17 : memref<32x128xf32, #tpu.memory_space<vmem>>) target(%dma_start3A_152 : memref<32x128xf32, #tpu.memory_space<vmem_shared>>) target_semaphore(%run_scoped3A : memref<!tpu.dma_semaphore, #tpu.memory_space<semaphore_mem>>)
      %dma_wait3A = arith.constant 0 : i32
      %dma_wait3A_153 = tpu.memref_slice %arg24[%add3A_24, %dma_wait3A] : memref<10240x128xf32, #tpu.memory_space<vmem_shared>> -> memref<32x128xf32, #tpu.memory_space<vmem_shared>>
      %dma_wait3A_154 = arith.constant 0 : i32
      %dma_wait3A_155 = tpu.memref_slice %arg24[%add3A_24, %dma_wait3A_154] : memref<10240x128xf32, #tpu.memory_space<vmem_shared>> -> memref<32x128xf32, #tpu.memory_space<vmem_shared>>
      tpu.wait_dma2 semaphore(%run_scoped3A : memref<!tpu.dma_semaphore, #tpu.memory_space<semaphore_mem>>) src(%arg17 : memref<32x128xf32, #tpu.memory_space<vmem>>) dst(%dma_wait3A_155 : memref<32x128xf32, #tpu.memory_space<vmem_shared>>)
      tpu.yield
    }) : () -> ()
    %add3A_25 = arith.constant 192 : i32
    %add3A_26 = arith.addi %mul3A_12, %add3A_25 : i32
    "tpu.region"() ({
      %run_scoped3A = tpu.sem_alloc : memref<!tpu.dma_semaphore, #tpu.memory_space<semaphore_mem>>
      %dma_start3A = arith.constant 0 : i32
      %dma_start3A_150 = tpu.memref_slice %arg24[%add3A_26, %dma_start3A] : memref<10240x128xf32, #tpu.memory_space<vmem_shared>> -> memref<32x128xf32, #tpu.memory_space<vmem_shared>>
      %dma_start3A_151 = arith.constant 0 : i32
      %dma_start3A_152 = tpu.memref_slice %arg24[%add3A_26, %dma_start3A_151] : memref<10240x128xf32, #tpu.memory_space<vmem_shared>> -> memref<32x128xf32, #tpu.memory_space<vmem_shared>>
      tpu.enqueue_dma source(%arg17 : memref<32x128xf32, #tpu.memory_space<vmem>>) target(%dma_start3A_152 : memref<32x128xf32, #tpu.memory_space<vmem_shared>>) target_semaphore(%run_scoped3A : memref<!tpu.dma_semaphore, #tpu.memory_space<semaphore_mem>>)
      %dma_wait3A = arith.constant 0 : i32
      %dma_wait3A_153 = tpu.memref_slice %arg24[%add3A_26, %dma_wait3A] : memref<10240x128xf32, #tpu.memory_space<vmem_shared>> -> memref<32x128xf32, #tpu.memory_space<vmem_shared>>
      %dma_wait3A_154 = arith.constant 0 : i32
      %dma_wait3A_155 = tpu.memref_slice %arg24[%add3A_26, %dma_wait3A_154] : memref<10240x128xf32, #tpu.memory_space<vmem_shared>> -> memref<32x128xf32, #tpu.memory_space<vmem_shared>>
      tpu.wait_dma2 semaphore(%run_scoped3A : memref<!tpu.dma_semaphore, #tpu.memory_space<semaphore_mem>>) src(%arg17 : memref<32x128xf32, #tpu.memory_space<vmem>>) dst(%dma_wait3A_155 : memref<32x128xf32, #tpu.memory_space<vmem_shared>>)
      tpu.yield
    }) : () -> ()
    %add3A_27 = arith.constant 224 : i32
    %add3A_28 = arith.addi %mul3A_12, %add3A_27 : i32
    "tpu.region"() ({
      %run_scoped3A = tpu.sem_alloc : memref<!tpu.dma_semaphore, #tpu.memory_space<semaphore_mem>>
      %dma_start3A = arith.constant 0 : i32
      %dma_start3A_150 = tpu.memref_slice %arg24[%add3A_28, %dma_start3A] : memref<10240x128xf32, #tpu.memory_space<vmem_shared>> -> memref<32x128xf32, #tpu.memory_space<vmem_shared>>
      %dma_start3A_151 = arith.constant 0 : i32
      %dma_start3A_152 = tpu.memref_slice %arg24[%add3A_28, %dma_start3A_151] : memref<10240x128xf32, #tpu.memory_space<vmem_shared>> -> memref<32x128xf32, #tpu.memory_space<vmem_shared>>
      tpu.enqueue_dma source(%arg17 : memref<32x128xf32, #tpu.memory_space<vmem>>) target(%dma_start3A_152 : memref<32x128xf32, #tpu.memory_space<vmem_shared>>) target_semaphore(%run_scoped3A : memref<!tpu.dma_semaphore, #tpu.memory_space<semaphore_mem>>)
      %dma_wait3A = arith.constant 0 : i32
      %dma_wait3A_153 = tpu.memref_slice %arg24[%add3A_28, %dma_wait3A] : memref<10240x128xf32, #tpu.memory_space<vmem_shared>> -> memref<32x128xf32, #tpu.memory_space<vmem_shared>>
      %dma_wait3A_154 = arith.constant 0 : i32
      %dma_wait3A_155 = tpu.memref_slice %arg24[%add3A_28, %dma_wait3A_154] : memref<10240x128xf32, #tpu.memory_space<vmem_shared>> -> memref<32x128xf32, #tpu.memory_space<vmem_shared>>
      tpu.wait_dma2 semaphore(%run_scoped3A : memref<!tpu.dma_semaphore, #tpu.memory_space<semaphore_mem>>) src(%arg17 : memref<32x128xf32, #tpu.memory_space<vmem>>) dst(%dma_wait3A_155 : memref<32x128xf32, #tpu.memory_space<vmem_shared>>)
      tpu.yield
    }) : () -> ()
    %add3A_29 = arith.constant 256 : i32
    %add3A_30 = arith.addi %mul3A_12, %add3A_29 : i32
    "tpu.region"() ({
      %run_scoped3A = tpu.sem_alloc : memref<!tpu.dma_semaphore, #tpu.memory_space<semaphore_mem>>
      %dma_start3A = arith.constant 0 : i32
      %dma_start3A_150 = tpu.memref_slice %arg24[%add3A_30, %dma_start3A] : memref<10240x128xf32, #tpu.memory_space<vmem_shared>> -> memref<32x128xf32, #tpu.memory_space<vmem_shared>>
      %dma_start3A_151 = arith.constant 0 : i32
      %dma_start3A_152 = tpu.memref_slice %arg24[%add3A_30, %dma_start3A_151] : memref<10240x128xf32, #tpu.memory_space<vmem_shared>> -> memref<32x128xf32, #tpu.memory_space<vmem_shared>>
      tpu.enqueue_dma source(%arg17 : memref<32x128xf32, #tpu.memory_space<vmem>>) target(%dma_start3A_152 : memref<32x128xf32, #tpu.memory_space<vmem_shared>>) target_semaphore(%run_scoped3A : memref<!tpu.dma_semaphore, #tpu.memory_space<semaphore_mem>>)
      %dma_wait3A = arith.constant 0 : i32
      %dma_wait3A_153 = tpu.memref_slice %arg24[%add3A_30, %dma_wait3A] : memref<10240x128xf32, #tpu.memory_space<vmem_shared>> -> memref<32x128xf32, #tpu.memory_space<vmem_shared>>
      %dma_wait3A_154 = arith.constant 0 : i32
      %dma_wait3A_155 = tpu.memref_slice %arg24[%add3A_30, %dma_wait3A_154] : memref<10240x128xf32, #tpu.memory_space<vmem_shared>> -> memref<32x128xf32, #tpu.memory_space<vmem_shared>>
      tpu.wait_dma2 semaphore(%run_scoped3A : memref<!tpu.dma_semaphore, #tpu.memory_space<semaphore_mem>>) src(%arg17 : memref<32x128xf32, #tpu.memory_space<vmem>>) dst(%dma_wait3A_155 : memref<32x128xf32, #tpu.memory_space<vmem_shared>>)
      tpu.yield
    }) : () -> ()
    %add3A_31 = arith.constant 288 : i32
    %add3A_32 = arith.addi %mul3A_12, %add3A_31 : i32
    "tpu.region"() ({
      %run_scoped3A = tpu.sem_alloc : memref<!tpu.dma_semaphore, #tpu.memory_space<semaphore_mem>>
      %dma_start3A = arith.constant 0 : i32
      %dma_start3A_150 = tpu.memref_slice %arg24[%add3A_32, %dma_start3A] : memref<10240x128xf32, #tpu.memory_space<vmem_shared>> -> memref<32x128xf32, #tpu.memory_space<vmem_shared>>
      %dma_start3A_151 = arith.constant 0 : i32
      %dma_start3A_152 = tpu.memref_slice %arg24[%add3A_32, %dma_start3A_151] : memref<10240x128xf32, #tpu.memory_space<vmem_shared>> -> memref<32x128xf32, #tpu.memory_space<vmem_shared>>
      tpu.enqueue_dma source(%arg17 : memref<32x128xf32, #tpu.memory_space<vmem>>) target(%dma_start3A_152 : memref<32x128xf32, #tpu.memory_space<vmem_shared>>) target_semaphore(%run_scoped3A : memref<!tpu.dma_semaphore, #tpu.memory_space<semaphore_mem>>)
      %dma_wait3A = arith.constant 0 : i32
      %dma_wait3A_153 = tpu.memref_slice %arg24[%add3A_32, %dma_wait3A] : memref<10240x128xf32, #tpu.memory_space<vmem_shared>> -> memref<32x128xf32, #tpu.memory_space<vmem_shared>>
      %dma_wait3A_154 = arith.constant 0 : i32
      %dma_wait3A_155 = tpu.memref_slice %arg24[%add3A_32, %dma_wait3A_154] : memref<10240x128xf32, #tpu.memory_space<vmem_shared>> -> memref<32x128xf32, #tpu.memory_space<vmem_shared>>
      tpu.wait_dma2 semaphore(%run_scoped3A : memref<!tpu.dma_semaphore, #tpu.memory_space<semaphore_mem>>) src(%arg17 : memref<32x128xf32, #tpu.memory_space<vmem>>) dst(%dma_wait3A_155 : memref<32x128xf32, #tpu.memory_space<vmem_shared>>)
      tpu.yield
    }) : () -> ()
    %add3A_33 = arith.constant 320 : i32
    %add3A_34 = arith.addi %mul3A_12, %add3A_33 : i32
    "tpu.region"() ({
      %run_scoped3A = tpu.sem_alloc : memref<!tpu.dma_semaphore, #tpu.memory_space<semaphore_mem>>
      %dma_start3A = arith.constant 0 : i32
      %dma_start3A_150 = tpu.memref_slice %arg24[%add3A_34, %dma_start3A] : memref<10240x128xf32, #tpu.memory_space<vmem_shared>> -> memref<32x128xf32, #tpu.memory_space<vmem_shared>>
      %dma_start3A_151 = arith.constant 0 : i32
      %dma_start3A_152 = tpu.memref_slice %arg24[%add3A_34, %dma_start3A_151] : memref<10240x128xf32, #tpu.memory_space<vmem_shared>> -> memref<32x128xf32, #tpu.memory_space<vmem_shared>>
      tpu.enqueue_dma source(%arg17 : memref<32x128xf32, #tpu.memory_space<vmem>>) target(%dma_start3A_152 : memref<32x128xf32, #tpu.memory_space<vmem_shared>>) target_semaphore(%run_scoped3A : memref<!tpu.dma_semaphore, #tpu.memory_space<semaphore_mem>>)
      %dma_wait3A = arith.constant 0 : i32
      %dma_wait3A_153 = tpu.memref_slice %arg24[%add3A_34, %dma_wait3A] : memref<10240x128xf32, #tpu.memory_space<vmem_shared>> -> memref<32x128xf32, #tpu.memory_space<vmem_shared>>
      %dma_wait3A_154 = arith.constant 0 : i32
      %dma_wait3A_155 = tpu.memref_slice %arg24[%add3A_34, %dma_wait3A_154] : memref<10240x128xf32, #tpu.memory_space<vmem_shared>> -> memref<32x128xf32, #tpu.memory_space<vmem_shared>>
      tpu.wait_dma2 semaphore(%run_scoped3A : memref<!tpu.dma_semaphore, #tpu.memory_space<semaphore_mem>>) src(%arg17 : memref<32x128xf32, #tpu.memory_space<vmem>>) dst(%dma_wait3A_155 : memref<32x128xf32, #tpu.memory_space<vmem_shared>>)
      tpu.yield
    }) : () -> ()
    %add3A_35 = arith.constant 352 : i32
    %add3A_36 = arith.addi %mul3A_12, %add3A_35 : i32
    "tpu.region"() ({
      %run_scoped3A = tpu.sem_alloc : memref<!tpu.dma_semaphore, #tpu.memory_space<semaphore_mem>>
      %dma_start3A = arith.constant 0 : i32
      %dma_start3A_150 = tpu.memref_slice %arg24[%add3A_36, %dma_start3A] : memref<10240x128xf32, #tpu.memory_space<vmem_shared>> -> memref<32x128xf32, #tpu.memory_space<vmem_shared>>
      %dma_start3A_151 = arith.constant 0 : i32
      %dma_start3A_152 = tpu.memref_slice %arg24[%add3A_36, %dma_start3A_151] : memref<10240x128xf32, #tpu.memory_space<vmem_shared>> -> memref<32x128xf32, #tpu.memory_space<vmem_shared>>
      tpu.enqueue_dma source(%arg17 : memref<32x128xf32, #tpu.memory_space<vmem>>) target(%dma_start3A_152 : memref<32x128xf32, #tpu.memory_space<vmem_shared>>) target_semaphore(%run_scoped3A : memref<!tpu.dma_semaphore, #tpu.memory_space<semaphore_mem>>)
      %dma_wait3A = arith.constant 0 : i32
      %dma_wait3A_153 = tpu.memref_slice %arg24[%add3A_36, %dma_wait3A] : memref<10240x128xf32, #tpu.memory_space<vmem_shared>> -> memref<32x128xf32, #tpu.memory_space<vmem_shared>>
      %dma_wait3A_154 = arith.constant 0 : i32
      %dma_wait3A_155 = tpu.memref_slice %arg24[%add3A_36, %dma_wait3A_154] : memref<10240x128xf32, #tpu.memory_space<vmem_shared>> -> memref<32x128xf32, #tpu.memory_space<vmem_shared>>
      tpu.wait_dma2 semaphore(%run_scoped3A : memref<!tpu.dma_semaphore, #tpu.memory_space<semaphore_mem>>) src(%arg17 : memref<32x128xf32, #tpu.memory_space<vmem>>) dst(%dma_wait3A_155 : memref<32x128xf32, #tpu.memory_space<vmem_shared>>)
      tpu.yield
    }) : () -> ()
    %add3A_37 = arith.constant 384 : i32
    %add3A_38 = arith.addi %mul3A_12, %add3A_37 : i32
    "tpu.region"() ({
      %run_scoped3A = tpu.sem_alloc : memref<!tpu.dma_semaphore, #tpu.memory_space<semaphore_mem>>
      %dma_start3A = arith.constant 0 : i32
      %dma_start3A_150 = tpu.memref_slice %arg24[%add3A_38, %dma_start3A] : memref<10240x128xf32, #tpu.memory_space<vmem_shared>> -> memref<32x128xf32, #tpu.memory_space<vmem_shared>>
      %dma_start3A_151 = arith.constant 0 : i32
      %dma_start3A_152 = tpu.memref_slice %arg24[%add3A_38, %dma_start3A_151] : memref<10240x128xf32, #tpu.memory_space<vmem_shared>> -> memref<32x128xf32, #tpu.memory_space<vmem_shared>>
      tpu.enqueue_dma source(%arg17 : memref<32x128xf32, #tpu.memory_space<vmem>>) target(%dma_start3A_152 : memref<32x128xf32, #tpu.memory_space<vmem_shared>>) target_semaphore(%run_scoped3A : memref<!tpu.dma_semaphore, #tpu.memory_space<semaphore_mem>>)
      %dma_wait3A = arith.constant 0 : i32
      %dma_wait3A_153 = tpu.memref_slice %arg24[%add3A_38, %dma_wait3A] : memref<10240x128xf32, #tpu.memory_space<vmem_shared>> -> memref<32x128xf32, #tpu.memory_space<vmem_shared>>
      %dma_wait3A_154 = arith.constant 0 : i32
      %dma_wait3A_155 = tpu.memref_slice %arg24[%add3A_38, %dma_wait3A_154] : memref<10240x128xf32, #tpu.memory_space<vmem_shared>> -> memref<32x128xf32, #tpu.memory_space<vmem_shared>>
      tpu.wait_dma2 semaphore(%run_scoped3A : memref<!tpu.dma_semaphore, #tpu.memory_space<semaphore_mem>>) src(%arg17 : memref<32x128xf32, #tpu.memory_space<vmem>>) dst(%dma_wait3A_155 : memref<32x128xf32, #tpu.memory_space<vmem_shared>>)
      tpu.yield
    }) : () -> ()
    %add3A_39 = arith.constant 416 : i32
    %add3A_40 = arith.addi %mul3A_12, %add3A_39 : i32
    "tpu.region"() ({
      %run_scoped3A = tpu.sem_alloc : memref<!tpu.dma_semaphore, #tpu.memory_space<semaphore_mem>>
      %dma_start3A = arith.constant 0 : i32
      %dma_start3A_150 = tpu.memref_slice %arg24[%add3A_40, %dma_start3A] : memref<10240x128xf32, #tpu.memory_space<vmem_shared>> -> memref<32x128xf32, #tpu.memory_space<vmem_shared>>
      %dma_start3A_151 = arith.constant 0 : i32
      %dma_start3A_152 = tpu.memref_slice %arg24[%add3A_40, %dma_start3A_151] : memref<10240x128xf32, #tpu.memory_space<vmem_shared>> -> memref<32x128xf32, #tpu.memory_space<vmem_shared>>
      tpu.enqueue_dma source(%arg17 : memref<32x128xf32, #tpu.memory_space<vmem>>) target(%dma_start3A_152 : memref<32x128xf32, #tpu.memory_space<vmem_shared>>) target_semaphore(%run_scoped3A : memref<!tpu.dma_semaphore, #tpu.memory_space<semaphore_mem>>)
      %dma_wait3A = arith.constant 0 : i32
      %dma_wait3A_153 = tpu.memref_slice %arg24[%add3A_40, %dma_wait3A] : memref<10240x128xf32, #tpu.memory_space<vmem_shared>> -> memref<32x128xf32, #tpu.memory_space<vmem_shared>>
      %dma_wait3A_154 = arith.constant 0 : i32
      %dma_wait3A_155 = tpu.memref_slice %arg24[%add3A_40, %dma_wait3A_154] : memref<10240x128xf32, #tpu.memory_space<vmem_shared>> -> memref<32x128xf32, #tpu.memory_space<vmem_shared>>
      tpu.wait_dma2 semaphore(%run_scoped3A : memref<!tpu.dma_semaphore, #tpu.memory_space<semaphore_mem>>) src(%arg17 : memref<32x128xf32, #tpu.memory_space<vmem>>) dst(%dma_wait3A_155 : memref<32x128xf32, #tpu.memory_space<vmem_shared>>)
      tpu.yield
    }) : () -> ()
    %add3A_41 = arith.constant 448 : i32
    %add3A_42 = arith.addi %mul3A_12, %add3A_41 : i32
    "tpu.region"() ({
      %run_scoped3A = tpu.sem_alloc : memref<!tpu.dma_semaphore, #tpu.memory_space<semaphore_mem>>
      %dma_start3A = arith.constant 0 : i32
      %dma_start3A_150 = tpu.memref_slice %arg24[%add3A_42, %dma_start3A] : memref<10240x128xf32, #tpu.memory_space<vmem_shared>> -> memref<32x128xf32, #tpu.memory_space<vmem_shared>>
      %dma_start3A_151 = arith.constant 0 : i32
      %dma_start3A_152 = tpu.memref_slice %arg24[%add3A_42, %dma_start3A_151] : memref<10240x128xf32, #tpu.memory_space<vmem_shared>> -> memref<32x128xf32, #tpu.memory_space<vmem_shared>>
      tpu.enqueue_dma source(%arg17 : memref<32x128xf32, #tpu.memory_space<vmem>>) target(%dma_start3A_152 : memref<32x128xf32, #tpu.memory_space<vmem_shared>>) target_semaphore(%run_scoped3A : memref<!tpu.dma_semaphore, #tpu.memory_space<semaphore_mem>>)
      %dma_wait3A = arith.constant 0 : i32
      %dma_wait3A_153 = tpu.memref_slice %arg24[%add3A_42, %dma_wait3A] : memref<10240x128xf32, #tpu.memory_space<vmem_shared>> -> memref<32x128xf32, #tpu.memory_space<vmem_shared>>
      %dma_wait3A_154 = arith.constant 0 : i32
      %dma_wait3A_155 = tpu.memref_slice %arg24[%add3A_42, %dma_wait3A_154] : memref<10240x128xf32, #tpu.memory_space<vmem_shared>> -> memref<32x128xf32, #tpu.memory_space<vmem_shared>>
      tpu.wait_dma2 semaphore(%run_scoped3A : memref<!tpu.dma_semaphore, #tpu.memory_space<semaphore_mem>>) src(%arg17 : memref<32x128xf32, #tpu.memory_space<vmem>>) dst(%dma_wait3A_155 : memref<32x128xf32, #tpu.memory_space<vmem_shared>>)
      tpu.yield
    }) : () -> ()
    %add3A_43 = arith.constant 480 : i32
    %add3A_44 = arith.addi %mul3A_12, %add3A_43 : i32
    "tpu.region"() ({
      %run_scoped3A = tpu.sem_alloc : memref<!tpu.dma_semaphore, #tpu.memory_space<semaphore_mem>>
      %dma_start3A = arith.constant 0 : i32
      %dma_start3A_150 = tpu.memref_slice %arg24[%add3A_44, %dma_start3A] : memref<10240x128xf32, #tpu.memory_space<vmem_shared>> -> memref<32x128xf32, #tpu.memory_space<vmem_shared>>
      %dma_start3A_151 = arith.constant 0 : i32
      %dma_start3A_152 = tpu.memref_slice %arg24[%add3A_44, %dma_start3A_151] : memref<10240x128xf32, #tpu.memory_space<vmem_shared>> -> memref<32x128xf32, #tpu.memory_space<vmem_shared>>
      tpu.enqueue_dma source(%arg17 : memref<32x128xf32, #tpu.memory_space<vmem>>) target(%dma_start3A_152 : memref<32x128xf32, #tpu.memory_space<vmem_shared>>) target_semaphore(%run_scoped3A : memref<!tpu.dma_semaphore, #tpu.memory_space<semaphore_mem>>)
      %dma_wait3A = arith.constant 0 : i32
      %dma_wait3A_153 = tpu.memref_slice %arg24[%add3A_44, %dma_wait3A] : memref<10240x128xf32, #tpu.memory_space<vmem_shared>> -> memref<32x128xf32, #tpu.memory_space<vmem_shared>>
      %dma_wait3A_154 = arith.constant 0 : i32
      %dma_wait3A_155 = tpu.memref_slice %arg24[%add3A_44, %dma_wait3A_154] : memref<10240x128xf32, #tpu.memory_space<vmem_shared>> -> memref<32x128xf32, #tpu.memory_space<vmem_shared>>
      tpu.wait_dma2 semaphore(%run_scoped3A : memref<!tpu.dma_semaphore, #tpu.memory_space<semaphore_mem>>) src(%arg17 : memref<32x128xf32, #tpu.memory_space<vmem>>) dst(%dma_wait3A_155 : memref<32x128xf32, #tpu.memory_space<vmem_shared>>)
      tpu.yield
    }) : () -> ()
    %add3A_45 = arith.constant 512 : i32
    %add3A_46 = arith.addi %mul3A_12, %add3A_45 : i32
    "tpu.region"() ({
      %run_scoped3A = tpu.sem_alloc : memref<!tpu.dma_semaphore, #tpu.memory_space<semaphore_mem>>
      %dma_start3A = arith.constant 0 : i32
      %dma_start3A_150 = tpu.memref_slice %arg24[%add3A_46, %dma_start3A] : memref<10240x128xf32, #tpu.memory_space<vmem_shared>> -> memref<32x128xf32, #tpu.memory_space<vmem_shared>>
      %dma_start3A_151 = arith.constant 0 : i32
      %dma_start3A_152 = tpu.memref_slice %arg24[%add3A_46, %dma_start3A_151] : memref<10240x128xf32, #tpu.memory_space<vmem_shared>> -> memref<32x128xf32, #tpu.memory_space<vmem_shared>>
      tpu.enqueue_dma source(%arg17 : memref<32x128xf32, #tpu.memory_space<vmem>>) target(%dma_start3A_152 : memref<32x128xf32, #tpu.memory_space<vmem_shared>>) target_semaphore(%run_scoped3A : memref<!tpu.dma_semaphore, #tpu.memory_space<semaphore_mem>>)
      %dma_wait3A = arith.constant 0 : i32
      %dma_wait3A_153 = tpu.memref_slice %arg24[%add3A_46, %dma_wait3A] : memref<10240x128xf32, #tpu.memory_space<vmem_shared>> -> memref<32x128xf32, #tpu.memory_space<vmem_shared>>
      %dma_wait3A_154 = arith.constant 0 : i32
      %dma_wait3A_155 = tpu.memref_slice %arg24[%add3A_46, %dma_wait3A_154] : memref<10240x128xf32, #tpu.memory_space<vmem_shared>> -> memref<32x128xf32, #tpu.memory_space<vmem_shared>>
      tpu.wait_dma2 semaphore(%run_scoped3A : memref<!tpu.dma_semaphore, #tpu.memory_space<semaphore_mem>>) src(%arg17 : memref<32x128xf32, #tpu.memory_space<vmem>>) dst(%dma_wait3A_155 : memref<32x128xf32, #tpu.memory_space<vmem_shared>>)
      tpu.yield
    }) : () -> ()
    %add3A_47 = arith.constant 544 : i32
    %add3A_48 = arith.addi %mul3A_12, %add3A_47 : i32
    "tpu.region"() ({
      %run_scoped3A = tpu.sem_alloc : memref<!tpu.dma_semaphore, #tpu.memory_space<semaphore_mem>>
      %dma_start3A = arith.constant 0 : i32
      %dma_start3A_150 = tpu.memref_slice %arg24[%add3A_48, %dma_start3A] : memref<10240x128xf32, #tpu.memory_space<vmem_shared>> -> memref<32x128xf32, #tpu.memory_space<vmem_shared>>
      %dma_start3A_151 = arith.constant 0 : i32
      %dma_start3A_152 = tpu.memref_slice %arg24[%add3A_48, %dma_start3A_151] : memref<10240x128xf32, #tpu.memory_space<vmem_shared>> -> memref<32x128xf32, #tpu.memory_space<vmem_shared>>
      tpu.enqueue_dma source(%arg17 : memref<32x128xf32, #tpu.memory_space<vmem>>) target(%dma_start3A_152 : memref<32x128xf32, #tpu.memory_space<vmem_shared>>) target_semaphore(%run_scoped3A : memref<!tpu.dma_semaphore, #tpu.memory_space<semaphore_mem>>)
      %dma_wait3A = arith.constant 0 : i32
      %dma_wait3A_153 = tpu.memref_slice %arg24[%add3A_48, %dma_wait3A] : memref<10240x128xf32, #tpu.memory_space<vmem_shared>> -> memref<32x128xf32, #tpu.memory_space<vmem_shared>>
      %dma_wait3A_154 = arith.constant 0 : i32
      %dma_wait3A_155 = tpu.memref_slice %arg24[%add3A_48, %dma_wait3A_154] : memref<10240x128xf32, #tpu.memory_space<vmem_shared>> -> memref<32x128xf32, #tpu.memory_space<vmem_shared>>
      tpu.wait_dma2 semaphore(%run_scoped3A : memref<!tpu.dma_semaphore, #tpu.memory_space<semaphore_mem>>) src(%arg17 : memref<32x128xf32, #tpu.memory_space<vmem>>) dst(%dma_wait3A_155 : memref<32x128xf32, #tpu.memory_space<vmem_shared>>)
      tpu.yield
    }) : () -> ()
    %add3A_49 = arith.constant 576 : i32
    %add3A_50 = arith.addi %mul3A_12, %add3A_49 : i32
    "tpu.region"() ({
      %run_scoped3A = tpu.sem_alloc : memref<!tpu.dma_semaphore, #tpu.memory_space<semaphore_mem>>
      %dma_start3A = arith.constant 0 : i32
      %dma_start3A_150 = tpu.memref_slice %arg24[%add3A_50, %dma_start3A] : memref<10240x128xf32, #tpu.memory_space<vmem_shared>> -> memref<32x128xf32, #tpu.memory_space<vmem_shared>>
      %dma_start3A_151 = arith.constant 0 : i32
      %dma_start3A_152 = tpu.memref_slice %arg24[%add3A_50, %dma_start3A_151] : memref<10240x128xf32, #tpu.memory_space<vmem_shared>> -> memref<32x128xf32, #tpu.memory_space<vmem_shared>>
      tpu.enqueue_dma source(%arg17 : memref<32x128xf32, #tpu.memory_space<vmem>>) target(%dma_start3A_152 : memref<32x128xf32, #tpu.memory_space<vmem_shared>>) target_semaphore(%run_scoped3A : memref<!tpu.dma_semaphore, #tpu.memory_space<semaphore_mem>>)
      %dma_wait3A = arith.constant 0 : i32
      %dma_wait3A_153 = tpu.memref_slice %arg24[%add3A_50, %dma_wait3A] : memref<10240x128xf32, #tpu.memory_space<vmem_shared>> -> memref<32x128xf32, #tpu.memory_space<vmem_shared>>
      %dma_wait3A_154 = arith.constant 0 : i32
      %dma_wait3A_155 = tpu.memref_slice %arg24[%add3A_50, %dma_wait3A_154] : memref<10240x128xf32, #tpu.memory_space<vmem_shared>> -> memref<32x128xf32, #tpu.memory_space<vmem_shared>>
      tpu.wait_dma2 semaphore(%run_scoped3A : memref<!tpu.dma_semaphore, #tpu.memory_space<semaphore_mem>>) src(%arg17 : memref<32x128xf32, #tpu.memory_space<vmem>>) dst(%dma_wait3A_155 : memref<32x128xf32, #tpu.memory_space<vmem_shared>>)
      tpu.yield
    }) : () -> ()
    %add3A_51 = arith.constant 608 : i32
    %add3A_52 = arith.addi %mul3A_12, %add3A_51 : i32
    "tpu.region"() ({
      %run_scoped3A = tpu.sem_alloc : memref<!tpu.dma_semaphore, #tpu.memory_space<semaphore_mem>>
      %dma_start3A = arith.constant 0 : i32
      %dma_start3A_150 = tpu.memref_slice %arg24[%add3A_52, %dma_start3A] : memref<10240x128xf32, #tpu.memory_space<vmem_shared>> -> memref<32x128xf32, #tpu.memory_space<vmem_shared>>
      %dma_start3A_151 = arith.constant 0 : i32
      %dma_start3A_152 = tpu.memref_slice %arg24[%add3A_52, %dma_start3A_151] : memref<10240x128xf32, #tpu.memory_space<vmem_shared>> -> memref<32x128xf32, #tpu.memory_space<vmem_shared>>
      tpu.enqueue_dma source(%arg17 : memref<32x128xf32, #tpu.memory_space<vmem>>) target(%dma_start3A_152 : memref<32x128xf32, #tpu.memory_space<vmem_shared>>) target_semaphore(%run_scoped3A : memref<!tpu.dma_semaphore, #tpu.memory_space<semaphore_mem>>)
      %dma_wait3A = arith.constant 0 : i32
      %dma_wait3A_153 = tpu.memref_slice %arg24[%add3A_52, %dma_wait3A] : memref<10240x128xf32, #tpu.memory_space<vmem_shared>> -> memref<32x128xf32, #tpu.memory_space<vmem_shared>>
      %dma_wait3A_154 = arith.constant 0 : i32
      %dma_wait3A_155 = tpu.memref_slice %arg24[%add3A_52, %dma_wait3A_154] : memref<10240x128xf32, #tpu.memory_space<vmem_shared>> -> memref<32x128xf32, #tpu.memory_space<vmem_shared>>
      tpu.wait_dma2 semaphore(%run_scoped3A : memref<!tpu.dma_semaphore, #tpu.memory_space<semaphore_mem>>) src(%arg17 : memref<32x128xf32, #tpu.memory_space<vmem>>) dst(%dma_wait3A_155 : memref<32x128xf32, #tpu.memory_space<vmem_shared>>)
      tpu.yield
    }) : () -> ()
    %mul3A_53 = arith.constant 40 : i32
    %mul3A_54 = arith.muli %arg1, %mul3A_53 : i32
    "tpu.region"() ({
      %run_scoped3A = tpu.sem_alloc : memref<!tpu.dma_semaphore, #tpu.memory_space<semaphore_mem>>
      %dma_start3A = arith.constant 0 : i32
      %dma_start3A_150 = tpu.memref_slice %arg25[%mul3A_54, %dma_start3A] : memref<640x16xf32, #tpu.memory_space<vmem_shared>> -> memref<32x16xf32, #tpu.memory_space<vmem_shared>>
      %dma_start3A_151 = arith.constant 0 : i32
      %dma_start3A_152 = tpu.memref_slice %arg25[%mul3A_54, %dma_start3A_151] : memref<640x16xf32, #tpu.memory_space<vmem_shared>> -> memref<32x16xf32, #tpu.memory_space<vmem_shared>>
      tpu.enqueue_dma source(%arg20 : memref<32x16xf32, #tpu.memory_space<vmem>>) target(%dma_start3A_152 : memref<32x16xf32, #tpu.memory_space<vmem_shared>>) target_semaphore(%run_scoped3A : memref<!tpu.dma_semaphore, #tpu.memory_space<semaphore_mem>>)
      %dma_wait3A = arith.constant 0 : i32
      %dma_wait3A_153 = tpu.memref_slice %arg25[%mul3A_54, %dma_wait3A] : memref<640x16xf32, #tpu.memory_space<vmem_shared>> -> memref<32x16xf32, #tpu.memory_space<vmem_shared>>
      %dma_wait3A_154 = arith.constant 0 : i32
      %dma_wait3A_155 = tpu.memref_slice %arg25[%mul3A_54, %dma_wait3A_154] : memref<640x16xf32, #tpu.memory_space<vmem_shared>> -> memref<32x16xf32, #tpu.memory_space<vmem_shared>>
      tpu.wait_dma2 semaphore(%run_scoped3A : memref<!tpu.dma_semaphore, #tpu.memory_space<semaphore_mem>>) src(%arg20 : memref<32x16xf32, #tpu.memory_space<vmem>>) dst(%dma_wait3A_155 : memref<32x16xf32, #tpu.memory_space<vmem_shared>>)
      tpu.yield
    }) : () -> ()
    %add3A_55 = arith.constant 32 : i32
    %add3A_56 = arith.addi %mul3A_54, %add3A_55 : i32
    "tpu.region"() ({
      %run_scoped3A = tpu.sem_alloc : memref<!tpu.dma_semaphore, #tpu.memory_space<semaphore_mem>>
      %dma_start3A = arith.constant 0 : i32
      %dma_start3A_150 = arith.constant 0 : i32
      %dma_start3A_151 = tpu.memref_slice %arg20[%dma_start3A, %dma_start3A_150] : memref<32x16xf32, #tpu.memory_space<vmem>> -> memref<8x16xf32, #tpu.memory_space<vmem>>
      %dma_start3A_152 = arith.constant 0 : i32
      %dma_start3A_153 = tpu.memref_slice %arg25[%add3A_56, %dma_start3A_152] : memref<640x16xf32, #tpu.memory_space<vmem_shared>> -> memref<8x16xf32, #tpu.memory_space<vmem_shared>>
      %dma_start3A_154 = arith.constant 0 : i32
      %dma_start3A_155 = tpu.memref_slice %arg25[%add3A_56, %dma_start3A_154] : memref<640x16xf32, #tpu.memory_space<vmem_shared>> -> memref<8x16xf32, #tpu.memory_space<vmem_shared>>
      %dma_start3A_156 = arith.constant 0 : i32
      %dma_start3A_157 = arith.constant 0 : i32
      %dma_start3A_158 = tpu.memref_slice %arg20[%dma_start3A_156, %dma_start3A_157] : memref<32x16xf32, #tpu.memory_space<vmem>> -> memref<8x16xf32, #tpu.memory_space<vmem>>
      tpu.enqueue_dma source(%dma_start3A_158 : memref<8x16xf32, #tpu.memory_space<vmem>>) target(%dma_start3A_155 : memref<8x16xf32, #tpu.memory_space<vmem_shared>>) target_semaphore(%run_scoped3A : memref<!tpu.dma_semaphore, #tpu.memory_space<semaphore_mem>>)
      %dma_wait3A = arith.constant 0 : i32
      %dma_wait3A_159 = arith.constant 0 : i32
      %dma_wait3A_160 = tpu.memref_slice %arg20[%dma_wait3A, %dma_wait3A_159] : memref<32x16xf32, #tpu.memory_space<vmem>> -> memref<8x16xf32, #tpu.memory_space<vmem>>
      %dma_wait3A_161 = arith.constant 0 : i32
      %dma_wait3A_162 = tpu.memref_slice %arg25[%add3A_56, %dma_wait3A_161] : memref<640x16xf32, #tpu.memory_space<vmem_shared>> -> memref<8x16xf32, #tpu.memory_space<vmem_shared>>
      %dma_wait3A_163 = arith.constant 0 : i32
      %dma_wait3A_164 = tpu.memref_slice %arg25[%add3A_56, %dma_wait3A_163] : memref<640x16xf32, #tpu.memory_space<vmem_shared>> -> memref<8x16xf32, #tpu.memory_space<vmem_shared>>
      %dma_wait3A_165 = arith.constant 0 : i32
      %dma_wait3A_166 = arith.constant 0 : i32
      %dma_wait3A_167 = tpu.memref_slice %arg20[%dma_wait3A_165, %dma_wait3A_166] : memref<32x16xf32, #tpu.memory_space<vmem>> -> memref<8x16xf32, #tpu.memory_space<vmem>>
      tpu.wait_dma2 semaphore(%run_scoped3A : memref<!tpu.dma_semaphore, #tpu.memory_space<semaphore_mem>>) src(%dma_wait3A_167 : memref<8x16xf32, #tpu.memory_space<vmem>>) dst(%dma_wait3A_164 : memref<8x16xf32, #tpu.memory_space<vmem_shared>>)
      tpu.yield
    }) : () -> ()
    "tpu.region"() ({
      %run_scoped3A = tpu.sem_alloc : memref<!tpu.dma_semaphore, #tpu.memory_space<semaphore_mem>>
      tpu.enqueue_dma source(%arg6 : memref<16xf32, #tpu.memory_space<hbm>>) target(%arg23 : memref<16xf32, #tpu.memory_space<vmem>>) target_semaphore(%run_scoped3A : memref<!tpu.dma_semaphore, #tpu.memory_space<semaphore_mem>>)
      tpu.wait_dma2 semaphore(%run_scoped3A : memref<!tpu.dma_semaphore, #tpu.memory_space<semaphore_mem>>) src(%arg6 : memref<16xf32, #tpu.memory_space<hbm>>) dst(%arg23 : memref<16xf32, #tpu.memory_space<vmem>>)
      tpu.yield
    }) : () -> ()
    %get3A = arith.constant 0 : index
    %get3A_57 = tpu.vector_load %arg23[%get3A] {strides = array<i32>} : memref<16xf32, #tpu.memory_space<vmem>>, vector<16xf32>,
    %barrier3A = arith.constant 0 : index
    tpu.barrier barrier_id(%barrier3A)
    %mul3A_58 = arith.constant 10016 : i32
    %mul3A_59 = arith.muli %add3A, %mul3A_58 : i32
    %iota3A = tpu.iota {dimensions = array<i32: 0>} : vector<16xi32>
    %scan3A_60 = arith.constant 0 : i32
    %scan3A_61 = arith.constant 313 : i32
    %scan3A_62 = arith.addi %scan3A_60, %scan3A_61 : i32
    %scan3A_63 = arith.constant 1 : i32
    scf.for %scan3A_150 = %scan3A_60 to %scan3A_62 step %scan3A_63  : i32 {
      %mul3A_151 = arith.constant 1 : i32
      %mul3A_152 = arith.muli %scan3A_150, %mul3A_151 : i32
      %add3A_153 = arith.constant 0 : i32
      %add3A_154 = arith.addi %add3A_153, %mul3A_152 : i32
      %mul3A_155 = arith.constant 32 : i32
      %mul3A_156 = arith.muli %add3A_154, %mul3A_155 : i32
      %add3A_157 = arith.addi %mul3A_59, %mul3A_156 : i32
      "tpu.region"() ({
        %run_scoped3A = tpu.sem_alloc : memref<!tpu.dma_semaphore, #tpu.memory_space<semaphore_mem>>
        %dma_start3A_520 = tpu.memref_slice %arg7[%add3A_157] : memref<320512xi32, #tpu.memory_space<hbm>> -> memref<32xi32, #tpu.memory_space<hbm>>
        %dma_start3A_521 = tpu.memref_slice %arg7[%add3A_157] : memref<320512xi32, #tpu.memory_space<hbm>> -> memref<32xi32, #tpu.memory_space<hbm>>
        tpu.enqueue_dma source(%dma_start3A_521 : memref<32xi32, #tpu.memory_space<hbm>>) target(%arg11 : memref<32xi32, #tpu.memory_space<vmem>>) target_semaphore(%run_scoped3A : memref<!tpu.dma_semaphore, #tpu.memory_space<semaphore_mem>>)
        %dma_wait3A_522 = tpu.memref_slice %arg7[%add3A_157] : memref<320512xi32, #tpu.memory_space<hbm>> -> memref<32xi32, #tpu.memory_space<hbm>>
        %dma_wait3A_523 = tpu.memref_slice %arg7[%add3A_157] : memref<320512xi32, #tpu.memory_space<hbm>> -> memref<32xi32, #tpu.memory_space<hbm>>
        tpu.wait_dma2 semaphore(%run_scoped3A : memref<!tpu.dma_semaphore, #tpu.memory_space<semaphore_mem>>) src(%dma_wait3A_523 : memref<32xi32, #tpu.memory_space<hbm>>) dst(%arg11 : memref<32xi32, #tpu.memory_space<vmem>>)
        tpu.yield
      }) : () -> ()
      "tpu.region"() ({
        %run_scoped3A = tpu.sem_alloc : memref<!tpu.dma_semaphore, #tpu.memory_space<semaphore_mem>>
        %dma_start3A_520 = tpu.memref_slice %arg8[%add3A_157] : memref<320512xi32, #tpu.memory_space<hbm>> -> memref<32xi32, #tpu.memory_space<hbm>>
        %dma_start3A_521 = tpu.memref_slice %arg8[%add3A_157] : memref<320512xi32, #tpu.memory_space<hbm>> -> memref<32xi32, #tpu.memory_space<hbm>>
        tpu.enqueue_dma source(%dma_start3A_521 : memref<32xi32, #tpu.memory_space<hbm>>) target(%arg12 : memref<32xi32, #tpu.memory_space<vmem>>) target_semaphore(%run_scoped3A : memref<!tpu.dma_semaphore, #tpu.memory_space<semaphore_mem>>)
        %dma_wait3A_522 = tpu.memref_slice %arg8[%add3A_157] : memref<320512xi32, #tpu.memory_space<hbm>> -> memref<32xi32, #tpu.memory_space<hbm>>
        %dma_wait3A_523 = tpu.memref_slice %arg8[%add3A_157] : memref<320512xi32, #tpu.memory_space<hbm>> -> memref<32xi32, #tpu.memory_space<hbm>>
        tpu.wait_dma2 semaphore(%run_scoped3A : memref<!tpu.dma_semaphore, #tpu.memory_space<semaphore_mem>>) src(%dma_wait3A_523 : memref<32xi32, #tpu.memory_space<hbm>>) dst(%arg12 : memref<32xi32, #tpu.memory_space<vmem>>)
        tpu.yield
      }) : () -> ()
      %dma_start3A = arith.constant 0 : i32
      %dma_start3A_158 = arith.constant 0 : i32
      %dma_start3A_159 = tpu.memref_slice %arg2[%dma_start3A, %dma_start3A_158] : memref<10240x128xf32, #tpu.memory_space<hbm>> -> memref<10240x128xf32, #tpu.memory_space<hbm>>
      tpu.enqueue_indirect_dma source(%dma_start3A_159 : memref<10240x128xf32, #tpu.memory_space<hbm>>) target(%arg14 : memref<32x128xf32, #tpu.memory_space<vmem>>) offsets(%arg11 : memref<32xi32, #tpu.memory_space<vmem>>) semaphore(%arg26 : memref<!tpu.dma_semaphore, #tpu.memory_space<semaphore_mem>>)
      %dma_start3A_160 = arith.constant 0 : i32
      %dma_start3A_161 = arith.constant 0 : i32
      %dma_start3A_162 = tpu.memref_slice %arg4[%dma_start3A_160, %dma_start3A_161] : memref<10000x16xf32, #tpu.memory_space<hbm>> -> memref<10000x16xf32, #tpu.memory_space<hbm>>
      tpu.enqueue_indirect_dma source(%dma_start3A_162 : memref<10000x16xf32, #tpu.memory_space<hbm>>) target(%arg18 : memref<32x16xf32, #tpu.memory_space<vmem>>) offsets(%arg11 : memref<32xi32, #tpu.memory_space<vmem>>) semaphore(%arg26 : memref<!tpu.dma_semaphore, #tpu.memory_space<semaphore_mem>>)
      %dma_start3A_163 = arith.constant 0 : i32
      %dma_start3A_164 = arith.constant 0 : i32
      %dma_start3A_165 = tpu.memref_slice %arg2[%dma_start3A_163, %dma_start3A_164] : memref<10240x128xf32, #tpu.memory_space<hbm>> -> memref<10240x128xf32, #tpu.memory_space<hbm>>
      tpu.enqueue_indirect_dma source(%dma_start3A_165 : memref<10240x128xf32, #tpu.memory_space<hbm>>) target(%arg15 : memref<32x128xf32, #tpu.memory_space<vmem>>) offsets(%arg12 : memref<32xi32, #tpu.memory_space<vmem>>) semaphore(%arg27 : memref<!tpu.dma_semaphore, #tpu.memory_space<semaphore_mem>>)
      %dma_start3A_166 = arith.constant 0 : i32
      %dma_start3A_167 = arith.constant 0 : i32
      %dma_start3A_168 = tpu.memref_slice %arg5[%dma_start3A_166, %dma_start3A_167] : memref<10240x16xf32, #tpu.memory_space<hbm>> -> memref<10240x16xf32, #tpu.memory_space<hbm>>
      tpu.enqueue_indirect_dma source(%dma_start3A_168 : memref<10240x16xf32, #tpu.memory_space<hbm>>) target(%arg19 : memref<32x16xf32, #tpu.memory_space<vmem>>) offsets(%arg12 : memref<32xi32, #tpu.memory_space<vmem>>) semaphore(%arg27 : memref<!tpu.dma_semaphore, #tpu.memory_space<semaphore_mem>>)
      %dma_start3A_169 = arith.constant 0 : i32
      %dma_start3A_170 = arith.constant 0 : i32
      %dma_start3A_171 = tpu.memref_slice %arg3[%dma_start3A_169, %dma_start3A_170] : memref<10000x128xf32, #tpu.memory_space<hbm>> -> memref<10000x128xf32, #tpu.memory_space<hbm>>
      tpu.enqueue_indirect_dma source(%dma_start3A_171 : memref<10000x128xf32, #tpu.memory_space<hbm>>) target(%arg16 : memref<32x128xf32, #tpu.memory_space<vmem>>) offsets(%arg11 : memref<32xi32, #tpu.memory_space<vmem>>) semaphore(%arg28 : memref<!tpu.dma_semaphore, #tpu.memory_space<semaphore_mem>>)
      %dma_wait3A = arith.constant 0 : i32
      %dma_wait3A_172 = arith.constant 0 : i32
      %dma_wait3A_173 = tpu.memref_slice %arg2[%dma_wait3A, %dma_wait3A_172] : memref<10240x128xf32, #tpu.memory_space<hbm>> -> memref<10240x128xf32, #tpu.memory_space<hbm>>
      tpu.wait_indirect_dma semaphore(%arg26 : memref<!tpu.dma_semaphore, #tpu.memory_space<semaphore_mem>>) src(%dma_wait3A_173 : memref<10240x128xf32, #tpu.memory_space<hbm>>) dst(%arg14 : memref<32x128xf32, #tpu.memory_space<vmem>>)
      %dma_wait3A_174 = arith.constant 0 : i32
      %dma_wait3A_175 = arith.constant 0 : i32
      %dma_wait3A_176 = tpu.memref_slice %arg4[%dma_wait3A_174, %dma_wait3A_175] : memref<10000x16xf32, #tpu.memory_space<hbm>> -> memref<10000x16xf32, #tpu.memory_space<hbm>>
      tpu.wait_indirect_dma semaphore(%arg26 : memref<!tpu.dma_semaphore, #tpu.memory_space<semaphore_mem>>) src(%dma_wait3A_176 : memref<10000x16xf32, #tpu.memory_space<hbm>>) dst(%arg18 : memref<32x16xf32, #tpu.memory_space<vmem>>)
      %dma_wait3A_177 = arith.constant 0 : i32
      %dma_wait3A_178 = arith.constant 0 : i32
      %dma_wait3A_179 = tpu.memref_slice %arg2[%dma_wait3A_177, %dma_wait3A_178] : memref<10240x128xf32, #tpu.memory_space<hbm>> -> memref<10240x128xf32, #tpu.memory_space<hbm>>
      tpu.wait_indirect_dma semaphore(%arg27 : memref<!tpu.dma_semaphore, #tpu.memory_space<semaphore_mem>>) src(%dma_wait3A_179 : memref<10240x128xf32, #tpu.memory_space<hbm>>) dst(%arg15 : memref<32x128xf32, #tpu.memory_space<vmem>>)
      %dma_wait3A_180 = arith.constant 0 : i32
      %dma_wait3A_181 = arith.constant 0 : i32
      %dma_wait3A_182 = tpu.memref_slice %arg5[%dma_wait3A_180, %dma_wait3A_181] : memref<10240x16xf32, #tpu.memory_space<hbm>> -> memref<10240x16xf32, #tpu.memory_space<hbm>>
      tpu.wait_indirect_dma semaphore(%arg27 : memref<!tpu.dma_semaphore, #tpu.memory_space<semaphore_mem>>) src(%dma_wait3A_182 : memref<10240x16xf32, #tpu.memory_space<hbm>>) dst(%arg19 : memref<32x16xf32, #tpu.memory_space<vmem>>)
      %dma_wait3A_183 = arith.constant 0 : i32
      %dma_wait3A_184 = arith.constant 0 : i32
      %dma_wait3A_185 = tpu.memref_slice %arg3[%dma_wait3A_183, %dma_wait3A_184] : memref<10000x128xf32, #tpu.memory_space<hbm>> -> memref<10000x128xf32, #tpu.memory_space<hbm>>
      tpu.wait_indirect_dma semaphore(%arg28 : memref<!tpu.dma_semaphore, #tpu.memory_space<semaphore_mem>>) src(%dma_wait3A_185 : memref<10000x128xf32, #tpu.memory_space<hbm>>) dst(%arg16 : memref<32x128xf32, #tpu.memory_space<vmem>>)
      %scan3A_186 = arith.constant 0 : i32
      %scan3A_187 = arith.constant 16 : i32
      %scan3A_188 = arith.addi %scan3A_186, %scan3A_187 : i32
      %scan3A_189 = arith.constant 1 : i32
      scf.for %scan3A_520 = %scan3A_186 to %scan3A_188 step %scan3A_189  : i32 {
        %mul3A_521 = arith.constant 1 : i32
        %mul3A_522 = arith.muli %scan3A_520, %mul3A_521 : i32
        %add3A_523 = arith.constant 0 : i32
        %add3A_524 = arith.addi %add3A_523, %mul3A_522 : i32
        %add3A_525 = arith.constant 0 : i32
        %add3A_526 = arith.addi %add3A_525, %add3A_524 : i32
        %get3A_527 = arith.index_cast %add3A_526 : i32 to index
        %get3A_528 = arith.constant 0 : index
        %get3A_529 = tpu.vector_load %arg14[%get3A_527, %get3A_528] {strides = array<i32>} : memref<32x128xf32, #tpu.memory_space<vmem>>, vector<16xf32>,
        %get3A_530 = arith.index_cast %add3A_526 : i32 to index
        %get3A_531 = arith.constant 0 : index
        %get3A_532 = tpu.vector_load %arg15[%get3A_530, %get3A_531] {strides = array<i32>} : memref<32x128xf32, #tpu.memory_space<vmem>>, vector<16xf32>,
        %sub3A_533 = arith.subf %get3A_529, %get3A_532 : vector<16xf32>
        %mul3A_534 = arith.mulf %sub3A_533, %sub3A_533 : vector<16xf32>
        %get3A_535 = arith.index_cast %add3A_526 : i32 to index
        %get3A_536 = arith.constant 16 : index
        %get3A_537 = tpu.vector_load %arg14[%get3A_535, %get3A_536] {strides = array<i32>} : memref<32x128xf32, #tpu.memory_space<vmem>>, vector<16xf32>,
        %get3A_538 = arith.index_cast %add3A_526 : i32 to index
        %get3A_539 = arith.constant 16 : index
        %get3A_540 = tpu.vector_load %arg15[%get3A_538, %get3A_539] {strides = array<i32>} : memref<32x128xf32, #tpu.memory_space<vmem>>, vector<16xf32>,
        %sub3A_541 = arith.subf %get3A_537, %get3A_540 : vector<16xf32>
        %mul3A_542 = arith.mulf %sub3A_541, %sub3A_541 : vector<16xf32>
        %add3A_543 = arith.addf %mul3A_534, %mul3A_542 : vector<16xf32>
        %get3A_544 = arith.index_cast %add3A_526 : i32 to index
        %get3A_545 = arith.constant 32 : index
        %get3A_546 = tpu.vector_load %arg14[%get3A_544, %get3A_545] {strides = array<i32>} : memref<32x128xf32, #tpu.memory_space<vmem>>, vector<16xf32>,
        %get3A_547 = arith.index_cast %add3A_526 : i32 to index
        %get3A_548 = arith.constant 32 : index
        %get3A_549 = tpu.vector_load %arg15[%get3A_547, %get3A_548] {strides = array<i32>} : memref<32x128xf32, #tpu.memory_space<vmem>>, vector<16xf32>,
        %sub3A_550 = arith.subf %get3A_546, %get3A_549 : vector<16xf32>
        %mul3A_551 = arith.mulf %sub3A_550, %sub3A_550 : vector<16xf32>
        %add3A_552 = arith.addf %add3A_543, %mul3A_551 : vector<16xf32>
        %get3A_553 = arith.index_cast %add3A_526 : i32 to index
        %get3A_554 = arith.constant 48 : index
        %get3A_555 = tpu.vector_load %arg14[%get3A_553, %get3A_554] {strides = array<i32>} : memref<32x128xf32, #tpu.memory_space<vmem>>, vector<16xf32>,
        %get3A_556 = arith.index_cast %add3A_526 : i32 to index
        %get3A_557 = arith.constant 48 : index
        %get3A_558 = tpu.vector_load %arg15[%get3A_556, %get3A_557] {strides = array<i32>} : memref<32x128xf32, #tpu.memory_space<vmem>>, vector<16xf32>,
        %sub3A_559 = arith.subf %get3A_555, %get3A_558 : vector<16xf32>
        %mul3A_560 = arith.mulf %sub3A_559, %sub3A_559 : vector<16xf32>
        %add3A_561 = arith.addf %add3A_552, %mul3A_560 : vector<16xf32>
        %get3A_562 = arith.index_cast %add3A_526 : i32 to index
        %get3A_563 = arith.constant 64 : index
        %get3A_564 = tpu.vector_load %arg14[%get3A_562, %get3A_563] {strides = array<i32>} : memref<32x128xf32, #tpu.memory_space<vmem>>, vector<16xf32>,
        %get3A_565 = arith.index_cast %add3A_526 : i32 to index
        %get3A_566 = arith.constant 64 : index
        %get3A_567 = tpu.vector_load %arg15[%get3A_565, %get3A_566] {strides = array<i32>} : memref<32x128xf32, #tpu.memory_space<vmem>>, vector<16xf32>,
        %sub3A_568 = arith.subf %get3A_564, %get3A_567 : vector<16xf32>
        %mul3A_569 = arith.mulf %sub3A_568, %sub3A_568 : vector<16xf32>
        %add3A_570 = arith.addf %add3A_561, %mul3A_569 : vector<16xf32>
        %get3A_571 = arith.index_cast %add3A_526 : i32 to index
        %get3A_572 = arith.constant 80 : index
        %get3A_573 = tpu.vector_load %arg14[%get3A_571, %get3A_572] {strides = array<i32>} : memref<32x128xf32, #tpu.memory_space<vmem>>, vector<16xf32>,
        %get3A_574 = arith.index_cast %add3A_526 : i32 to index
        %get3A_575 = arith.constant 80 : index
        %get3A_576 = tpu.vector_load %arg15[%get3A_574, %get3A_575] {strides = array<i32>} : memref<32x128xf32, #tpu.memory_space<vmem>>, vector<16xf32>,
        %sub3A_577 = arith.subf %get3A_573, %get3A_576 : vector<16xf32>
        %mul3A_578 = arith.mulf %sub3A_577, %sub3A_577 : vector<16xf32>
        %add3A_579 = arith.addf %add3A_570, %mul3A_578 : vector<16xf32>
        %get3A_580 = arith.index_cast %add3A_526 : i32 to index
        %get3A_581 = arith.constant 96 : index
        %get3A_582 = tpu.vector_load %arg14[%get3A_580, %get3A_581] {strides = array<i32>} : memref<32x128xf32, #tpu.memory_space<vmem>>, vector<16xf32>,
        %get3A_583 = arith.index_cast %add3A_526 : i32 to index
        %get3A_584 = arith.constant 96 : index
        %get3A_585 = tpu.vector_load %arg15[%get3A_583, %get3A_584] {strides = array<i32>} : memref<32x128xf32, #tpu.memory_space<vmem>>, vector<16xf32>,
        %sub3A_586 = arith.subf %get3A_582, %get3A_585 : vector<16xf32>
        %mul3A_587 = arith.mulf %sub3A_586, %sub3A_586 : vector<16xf32>
        %add3A_588 = arith.addf %add3A_579, %mul3A_587 : vector<16xf32>
        %get3A_589 = arith.index_cast %add3A_526 : i32 to index
        %get3A_590 = arith.constant 112 : index
        %get3A_591 = tpu.vector_load %arg14[%get3A_589, %get3A_590] {strides = array<i32>} : memref<32x128xf32, #tpu.memory_space<vmem>>, vector<16xf32>,
        %get3A_592 = arith.index_cast %add3A_526 : i32 to index
        %get3A_593 = arith.constant 112 : index
        %get3A_594 = tpu.vector_load %arg15[%get3A_592, %get3A_593] {strides = array<i32>} : memref<32x128xf32, #tpu.memory_space<vmem>>, vector<16xf32>,
        %sub3A_595 = arith.subf %get3A_591, %get3A_594 : vector<16xf32>
        %mul3A_596 = arith.mulf %sub3A_595, %sub3A_595 : vector<16xf32>
        %add3A_597 = arith.addf %add3A_588, %mul3A_596 : vector<16xf32>
        %broadcast_in_dim3A_598 = vector.broadcast %add3A_524 : i32 to vector<16xi32>
        tpu.vector_store_idx %arg21[%iota3A, %broadcast_in_dim3A_598], %add3A_597 : memref<16x16xf32, #tpu.memory_space<vmem>>[vector<16xi32>, vector<16xi32>], vector<16xf32>,
      }
      %scan3A_190 = arith.constant 16 : i32
      %get3A_191 = arith.constant 0 : i32
      %get3A_192 = arith.index_cast %get3A_191 : i32 to index
      %get3A_193 = arith.constant 0 : index
      %get3A_194 = tpu.vector_load %arg21[%get3A_192, %get3A_193] {strides = array<i32>} : memref<16x16xf32, #tpu.memory_space<vmem>>, vector<16xf32>,
      %get3A_195 = arith.constant 1 : i32
      %get3A_196 = arith.index_cast %get3A_195 : i32 to index
      %get3A_197 = arith.constant 0 : index
      %get3A_198 = tpu.vector_load %arg21[%get3A_196, %get3A_197] {strides = array<i32>} : memref<16x16xf32, #tpu.memory_space<vmem>>, vector<16xf32>,
      %add3A_199 = arith.addf %get3A_194, %get3A_198 : vector<16xf32>
      %get3A_200 = arith.constant 2 : i32
      %get3A_201 = arith.index_cast %get3A_200 : i32 to index
      %get3A_202 = arith.constant 0 : index
      %get3A_203 = tpu.vector_load %arg21[%get3A_201, %get3A_202] {strides = array<i32>} : memref<16x16xf32, #tpu.memory_space<vmem>>, vector<16xf32>,
      %add3A_204 = arith.addf %add3A_199, %get3A_203 : vector<16xf32>
      %get3A_205 = arith.constant 3 : i32
      %get3A_206 = arith.index_cast %get3A_205 : i32 to index
      %get3A_207 = arith.constant 0 : index
      %get3A_208 = tpu.vector_load %arg21[%get3A_206, %get3A_207] {strides = array<i32>} : memref<16x16xf32, #tpu.memory_space<vmem>>, vector<16xf32>,
      %add3A_209 = arith.addf %add3A_204, %get3A_208 : vector<16xf32>
      %get3A_210 = arith.constant 4 : i32
      %get3A_211 = arith.index_cast %get3A_210 : i32 to index
      %get3A_212 = arith.constant 0 : index
      %get3A_213 = tpu.vector_load %arg21[%get3A_211, %get3A_212] {strides = array<i32>} : memref<16x16xf32, #tpu.memory_space<vmem>>, vector<16xf32>,
      %add3A_214 = arith.addf %add3A_209, %get3A_213 : vector<16xf32>
      %get3A_215 = arith.constant 5 : i32
      %get3A_216 = arith.index_cast %get3A_215 : i32 to index
      %get3A_217 = arith.constant 0 : index
      %get3A_218 = tpu.vector_load %arg21[%get3A_216, %get3A_217] {strides = array<i32>} : memref<16x16xf32, #tpu.memory_space<vmem>>, vector<16xf32>,
      %add3A_219 = arith.addf %add3A_214, %get3A_218 : vector<16xf32>
      %get3A_220 = arith.constant 6 : i32
      %get3A_221 = arith.index_cast %get3A_220 : i32 to index
      %get3A_222 = arith.constant 0 : index
      %get3A_223 = tpu.vector_load %arg21[%get3A_221, %get3A_222] {strides = array<i32>} : memref<16x16xf32, #tpu.memory_space<vmem>>, vector<16xf32>,
      %add3A_224 = arith.addf %add3A_219, %get3A_223 : vector<16xf32>
      %get3A_225 = arith.constant 7 : i32
      %get3A_226 = arith.index_cast %get3A_225 : i32 to index
      %get3A_227 = arith.constant 0 : index
      %get3A_228 = tpu.vector_load %arg21[%get3A_226, %get3A_227] {strides = array<i32>} : memref<16x16xf32, #tpu.memory_space<vmem>>, vector<16xf32>,
      %add3A_229 = arith.addf %add3A_224, %get3A_228 : vector<16xf32>
      %get3A_230 = arith.constant 8 : i32
      %get3A_231 = arith.index_cast %get3A_230 : i32 to index
      %get3A_232 = arith.constant 0 : index
      %get3A_233 = tpu.vector_load %arg21[%get3A_231, %get3A_232] {strides = array<i32>} : memref<16x16xf32, #tpu.memory_space<vmem>>, vector<16xf32>,
      %add3A_234 = arith.addf %add3A_229, %get3A_233 : vector<16xf32>
      %get3A_235 = arith.constant 9 : i32
      %get3A_236 = arith.index_cast %get3A_235 : i32 to index
      %get3A_237 = arith.constant 0 : index
      %get3A_238 = tpu.vector_load %arg21[%get3A_236, %get3A_237] {strides = array<i32>} : memref<16x16xf32, #tpu.memory_space<vmem>>, vector<16xf32>,
      %add3A_239 = arith.addf %add3A_234, %get3A_238 : vector<16xf32>
      %get3A_240 = arith.constant 10 : i32
      %get3A_241 = arith.index_cast %get3A_240 : i32 to index
      %get3A_242 = arith.constant 0 : index
      %get3A_243 = tpu.vector_load %arg21[%get3A_241, %get3A_242] {strides = array<i32>} : memref<16x16xf32, #tpu.memory_space<vmem>>, vector<16xf32>,
      %add3A_244 = arith.addf %add3A_239, %get3A_243 : vector<16xf32>
      %get3A_245 = arith.constant 11 : i32
      %get3A_246 = arith.index_cast %get3A_245 : i32 to index
      %get3A_247 = arith.constant 0 : index
      %get3A_248 = tpu.vector_load %arg21[%get3A_246, %get3A_247] {strides = array<i32>} : memref<16x16xf32, #tpu.memory_space<vmem>>, vector<16xf32>,
      %add3A_249 = arith.addf %add3A_244, %get3A_248 : vector<16xf32>
      %get3A_250 = arith.constant 12 : i32
      %get3A_251 = arith.index_cast %get3A_250 : i32 to index
      %get3A_252 = arith.constant 0 : index
      %get3A_253 = tpu.vector_load %arg21[%get3A_251, %get3A_252] {strides = array<i32>} : memref<16x16xf32, #tpu.memory_space<vmem>>, vector<16xf32>,
      %add3A_254 = arith.addf %add3A_249, %get3A_253 : vector<16xf32>
      %get3A_255 = arith.constant 13 : i32
      %get3A_256 = arith.index_cast %get3A_255 : i32 to index
      %get3A_257 = arith.constant 0 : index
      %get3A_258 = tpu.vector_load %arg21[%get3A_256, %get3A_257] {strides = array<i32>} : memref<16x16xf32, #tpu.memory_space<vmem>>, vector<16xf32>,
      %add3A_259 = arith.addf %add3A_254, %get3A_258 : vector<16xf32>
      %get3A_260 = arith.constant 14 : i32
      %get3A_261 = arith.index_cast %get3A_260 : i32 to index
      %get3A_262 = arith.constant 0 : index
      %get3A_263 = tpu.vector_load %arg21[%get3A_261, %get3A_262] {strides = array<i32>} : memref<16x16xf32, #tpu.memory_space<vmem>>, vector<16xf32>,
      %add3A_264 = arith.addf %add3A_259, %get3A_263 : vector<16xf32>
      %get3A_265 = arith.constant 15 : i32
      %get3A_266 = arith.index_cast %get3A_265 : i32 to index
      %get3A_267 = arith.constant 0 : index
      %get3A_268 = tpu.vector_load %arg21[%get3A_266, %get3A_267] {strides = array<i32>} : memref<16x16xf32, #tpu.memory_space<vmem>>, vector<16xf32>,
      %add3A_269 = arith.addf %add3A_264, %get3A_268 : vector<16xf32>
      %add3A_270 = arith.constant 1.000000e-16 : f32
      %add3A_271 = vector.broadcast %add3A_270 : f32 to vector<16xf32>
      %add3A_272 = arith.addf %add3A_269, %add3A_271 : vector<16xf32>
      %bitcast3A = vector.bitcast %add3A_272 : vector<16xf32> to vector<16xi32>
      %shift_right_arithmetic3A = arith.constant 1 : i32
      %shift_right_arithmetic3A_273 = vector.broadcast %shift_right_arithmetic3A : i32 to vector<16xi32>
      %shift_right_arithmetic3A_274 = arith.shrsi %bitcast3A, %shift_right_arithmetic3A_273 : vector<16xi32>
      %sub3A = arith.constant 1597463007 : i32
      %sub3A_275 = vector.broadcast %sub3A : i32 to vector<16xi32>
      %sub3A_276 = arith.subi %sub3A_275, %shift_right_arithmetic3A_274 : vector<16xi32>
      %bitcast3A_277 = vector.bitcast %sub3A_276 : vector<16xi32> to vector<16xf32>
      %mul3A_278 = arith.constant 5.000000e-01 : f32
      %mul3A_279 = vector.broadcast %mul3A_278 : f32 to vector<16xf32>
      %mul3A_280 = arith.mulf %mul3A_279, %add3A_272 : vector<16xf32>
      %mul3A_281 = arith.mulf %mul3A_280, %bitcast3A_277 : vector<16xf32>
      %mul3A_282 = arith.mulf %mul3A_281, %bitcast3A_277 : vector<16xf32>
      %sub3A_283 = arith.constant 1.500000e+00 : f32
      %sub3A_284 = vector.broadcast %sub3A_283 : f32 to vector<16xf32>
      %sub3A_285 = arith.subf %sub3A_284, %mul3A_282 : vector<16xf32>
      %mul3A_286 = arith.mulf %bitcast3A_277, %sub3A_285 : vector<16xf32>
      %mul3A_287 = arith.constant 5.000000e-01 : f32
      %mul3A_288 = vector.broadcast %mul3A_287 : f32 to vector<16xf32>
      %mul3A_289 = arith.mulf %mul3A_288, %add3A_272 : vector<16xf32>
      %mul3A_290 = arith.mulf %mul3A_289, %mul3A_286 : vector<16xf32>
      %mul3A_291 = arith.mulf %mul3A_290, %mul3A_286 : vector<16xf32>
      %sub3A_292 = arith.constant 1.500000e+00 : f32
      %sub3A_293 = vector.broadcast %sub3A_292 : f32 to vector<16xf32>
      %sub3A_294 = arith.subf %sub3A_293, %mul3A_291 : vector<16xf32>
      %mul3A_295 = arith.mulf %mul3A_286, %sub3A_294 : vector<16xf32>
      %mul3A_296 = arith.constant 5.000000e-01 : f32
      %mul3A_297 = vector.broadcast %mul3A_296 : f32 to vector<16xf32>
      %mul3A_298 = arith.mulf %mul3A_297, %add3A_272 : vector<16xf32>
      %mul3A_299 = arith.mulf %mul3A_298, %mul3A_295 : vector<16xf32>
      %mul3A_300 = arith.mulf %mul3A_299, %mul3A_295 : vector<16xf32>
      %sub3A_301 = arith.constant 1.500000e+00 : f32
      %sub3A_302 = vector.broadcast %sub3A_301 : f32 to vector<16xf32>
      %sub3A_303 = arith.subf %sub3A_302, %mul3A_300 : vector<16xf32>
      %mul3A_304 = arith.mulf %mul3A_295, %sub3A_303 : vector<16xf32>
      %mul3A_305 = arith.mulf %add3A_272, %mul3A_304 : vector<16xf32>
      %neg3A = arith.constant 0.000000e+00 : f32
      %neg3A_306 = vector.broadcast %neg3A : f32 to vector<16xf32>
      %neg3A_307 = arith.subf %neg3A_306, %mul3A_305 : vector<16xf32>
      %exp3A = math.exp %neg3A_307 : vector<16xf32>
      %get3A_308 = arith.constant 0 : index
      %get3A_309 = tpu.vector_load %arg12[%get3A_308] {strides = array<i32>} : memref<32xi32, #tpu.memory_space<vmem>>, vector<16xi32>,
      %add3A_310 = arith.constant 0 : i32
      %add3A_311 = vector.broadcast %add3A_310 : i32 to vector<16xi32>
      %add3A_312 = arith.addi %add3A_311, %iota3A : vector<16xi32>
      %broadcast_in_dim3A_313 = arith.constant 0 : i32
      %broadcast_in_dim3A_314 = vector.broadcast %broadcast_in_dim3A_313 : i32 to vector<16xi32>
      %gather3A = tpu.vector_load_idx %arg18[%add3A_312, %broadcast_in_dim3A_314] : memref<32x16xf32, #tpu.memory_space<vmem>>[vector<16xi32>, vector<16xi32>], vector<16xf32>,
      %add3A_315 = arith.constant 0 : i32
      %add3A_316 = vector.broadcast %add3A_315 : i32 to vector<16xi32>
      %add3A_317 = arith.addi %add3A_316, %iota3A : vector<16xi32>
      %broadcast_in_dim3A_318 = arith.constant 0 : i32
      %broadcast_in_dim3A_319 = vector.broadcast %broadcast_in_dim3A_318 : i32 to vector<16xi32>
      %gather3A_320 = tpu.vector_load_idx %arg19[%add3A_317, %broadcast_in_dim3A_319] : memref<32x16xf32, #tpu.memory_space<vmem>>[vector<16xi32>, vector<16xi32>], vector<16xf32>,
      %add3A_321 = arith.addf %gather3A, %gather3A_320 : vector<16xf32>
      %mul3A_322 = arith.mulf %get3A_57, %exp3A : vector<16xf32>
      %add3A_323 = arith.addf %add3A_321, %mul3A_322 : vector<16xf32>
      %ge3A = arith.constant 0.000000e+00 : f32
      %ge3A_324 = vector.broadcast %ge3A : f32 to vector<16xf32>
      %ge3A_325 = arith.cmpf oge, %add3A_323, %ge3A_324 : vector<16xf32>
      %mul3A_326 = arith.constant 2.000000e-01 : f32
      %mul3A_327 = vector.broadcast %mul3A_326 : f32 to vector<16xf32>
      %mul3A_328 = arith.mulf %mul3A_327, %add3A_323 : vector<16xf32>
      %select_n3A = arith.select %ge3A_325, %add3A_323, %mul3A_328 : vector<16xi1>, vector<16xf32>
      %exp3A_329 = math.exp %select_n3A : vector<16xf32>
      %swap3A = arith.constant 0 : index
      %swap3A_330 = tpu.vector_load %arg22[%swap3A] {strides = array<i32>} : memref<16xf32, #tpu.memory_space<vmem>>, vector<16xf32>,
      tpu.vector_store %arg22[%swap3A], %exp3A_329 {strides = array<i32>} : memref<16xf32, #tpu.memory_space<vmem>>, vector<16xf32>,
      %add3A_331 = arith.constant 0 : i32
      %add3A_332 = vector.broadcast %add3A_331 : i32 to vector<16xi32>
      %add3A_333 = arith.addi %add3A_332, %iota3A : vector<16xi32>
      %and3A = arith.constant 15 : i32
      %and3A_334 = vector.broadcast %and3A : i32 to vector<16xi32>
      %and3A_335 = arith.andi %get3A_309, %and3A_334 : vector<16xi32>
      tpu.vector_store_idx %arg20[%add3A_333, %and3A_335], %exp3A_329 : memref<32x16xf32, #tpu.memory_space<vmem>>[vector<16xi32>, vector<16xi32>], vector<16xf32>,
      %shift_right_logical3A = arith.constant 4 : i32
      %shift_right_logical3A_336 = vector.broadcast %shift_right_logical3A : i32 to vector<16xi32>
      %shift_right_logical3A_337 = arith.shrui %get3A_309, %shift_right_logical3A_336 : vector<16xi32>
      %swap3A_338 = arith.constant 0 : index
      %swap3A_339 = tpu.vector_load %arg13[%swap3A_338] {strides = array<i32>} : memref<32xi32, #tpu.memory_space<vmem>>, vector<16xi32>,
      tpu.vector_store %arg13[%swap3A_338], %shift_right_logical3A_337 {strides = array<i32>} : memref<32xi32, #tpu.memory_space<vmem>>, vector<16xi32>,
      %scan3A_340 = arith.constant 0 : i32
      %scan3A_341 = arith.constant 16 : i32
      %scan3A_342 = arith.addi %scan3A_340, %scan3A_341 : i32
      %scan3A_343 = arith.constant 1 : i32
      scf.for %scan3A_520 = %scan3A_340 to %scan3A_342 step %scan3A_343  : i32 {
        %mul3A_521 = arith.constant 1 : i32
        %mul3A_522 = arith.muli %scan3A_520, %mul3A_521 : i32
        %add3A_523 = arith.constant 0 : i32
        %add3A_524 = arith.addi %add3A_523, %mul3A_522 : i32
        %add3A_525 = arith.constant 0 : i32
        %add3A_526 = arith.addi %add3A_525, %add3A_524 : i32
        %broadcast_in_dim3A_527 = vector.broadcast %add3A_524 : i32 to vector<16xi32>
        %gather3A_528 = tpu.vector_load_idx %arg22[%broadcast_in_dim3A_527] : memref<16xf32, #tpu.memory_space<vmem>>[vector<16xi32>], vector<16xf32>,
        %get3A_529 = arith.index_cast %add3A_526 : i32 to index
        %get3A_530 = arith.constant 0 : index
        %get3A_531 = tpu.vector_load %arg16[%get3A_529, %get3A_530] {strides = array<i32>} : memref<32x128xf32, #tpu.memory_space<vmem>>, vector<16xf32>,
        %mul3A_532 = arith.mulf %get3A_531, %gather3A_528 : vector<16xf32>
        %swap3A_533 = arith.index_cast %add3A_526 : i32 to index
        %swap3A_534 = arith.constant 0 : index
        %swap3A_535 = tpu.vector_load %arg17[%swap3A_533, %swap3A_534] {strides = array<i32>} : memref<32x128xf32, #tpu.memory_space<vmem>>, vector<16xf32>,
        tpu.vector_store %arg17[%swap3A_533, %swap3A_534], %mul3A_532 {strides = array<i32>} : memref<32x128xf32, #tpu.memory_space<vmem>>, vector<16xf32>,
        %get3A_536 = arith.index_cast %add3A_526 : i32 to index
        %get3A_537 = arith.constant 16 : index
        %get3A_538 = tpu.vector_load %arg16[%get3A_536, %get3A_537] {strides = array<i32>} : memref<32x128xf32, #tpu.memory_space<vmem>>, vector<16xf32>,
        %mul3A_539 = arith.mulf %get3A_538, %gather3A_528 : vector<16xf32>
        %swap3A_540 = arith.index_cast %add3A_526 : i32 to index
        %swap3A_541 = arith.constant 16 : index
        %swap3A_542 = tpu.vector_load %arg17[%swap3A_540, %swap3A_541] {strides = array<i32>} : memref<32x128xf32, #tpu.memory_space<vmem>>, vector<16xf32>,
        tpu.vector_store %arg17[%swap3A_540, %swap3A_541], %mul3A_539 {strides = array<i32>} : memref<32x128xf32, #tpu.memory_space<vmem>>, vector<16xf32>,
        %get3A_543 = arith.index_cast %add3A_526 : i32 to index
        %get3A_544 = arith.constant 32 : index
        %get3A_545 = tpu.vector_load %arg16[%get3A_543, %get3A_544] {strides = array<i32>} : memref<32x128xf32, #tpu.memory_space<vmem>>, vector<16xf32>,
        %mul3A_546 = arith.mulf %get3A_545, %gather3A_528 : vector<16xf32>
        %swap3A_547 = arith.index_cast %add3A_526 : i32 to index
        %swap3A_548 = arith.constant 32 : index
        %swap3A_549 = tpu.vector_load %arg17[%swap3A_547, %swap3A_548] {strides = array<i32>} : memref<32x128xf32, #tpu.memory_space<vmem>>, vector<16xf32>,
        tpu.vector_store %arg17[%swap3A_547, %swap3A_548], %mul3A_546 {strides = array<i32>} : memref<32x128xf32, #tpu.memory_space<vmem>>, vector<16xf32>,
        %get3A_550 = arith.index_cast %add3A_526 : i32 to index
        %get3A_551 = arith.constant 48 : index
        %get3A_552 = tpu.vector_load %arg16[%get3A_550, %get3A_551] {strides = array<i32>} : memref<32x128xf32, #tpu.memory_space<vmem>>, vector<16xf32>,
        %mul3A_553 = arith.mulf %get3A_552, %gather3A_528 : vector<16xf32>
        %swap3A_554 = arith.index_cast %add3A_526 : i32 to index
        %swap3A_555 = arith.constant 48 : index
        %swap3A_556 = tpu.vector_load %arg17[%swap3A_554, %swap3A_555] {strides = array<i32>} : memref<32x128xf32, #tpu.memory_space<vmem>>, vector<16xf32>,
        tpu.vector_store %arg17[%swap3A_554, %swap3A_555], %mul3A_553 {strides = array<i32>} : memref<32x128xf32, #tpu.memory_space<vmem>>, vector<16xf32>,
        %get3A_557 = arith.index_cast %add3A_526 : i32 to index
        %get3A_558 = arith.constant 64 : index
        %get3A_559 = tpu.vector_load %arg16[%get3A_557, %get3A_558] {strides = array<i32>} : memref<32x128xf32, #tpu.memory_space<vmem>>, vector<16xf32>,
        %mul3A_560 = arith.mulf %get3A_559, %gather3A_528 : vector<16xf32>
        %swap3A_561 = arith.index_cast %add3A_526 : i32 to index
        %swap3A_562 = arith.constant 64 : index
        %swap3A_563 = tpu.vector_load %arg17[%swap3A_561, %swap3A_562] {strides = array<i32>} : memref<32x128xf32, #tpu.memory_space<vmem>>, vector<16xf32>,
        tpu.vector_store %arg17[%swap3A_561, %swap3A_562], %mul3A_560 {strides = array<i32>} : memref<32x128xf32, #tpu.memory_space<vmem>>, vector<16xf32>,
        %get3A_564 = arith.index_cast %add3A_526 : i32 to index
        %get3A_565 = arith.constant 80 : index
        %get3A_566 = tpu.vector_load %arg16[%get3A_564, %get3A_565] {strides = array<i32>} : memref<32x128xf32, #tpu.memory_space<vmem>>, vector<16xf32>,
        %mul3A_567 = arith.mulf %get3A_566, %gather3A_528 : vector<16xf32>
        %swap3A_568 = arith.index_cast %add3A_526 : i32 to index
        %swap3A_569 = arith.constant 80 : index
        %swap3A_570 = tpu.vector_load %arg17[%swap3A_568, %swap3A_569] {strides = array<i32>} : memref<32x128xf32, #tpu.memory_space<vmem>>, vector<16xf32>,
        tpu.vector_store %arg17[%swap3A_568, %swap3A_569], %mul3A_567 {strides = array<i32>} : memref<32x128xf32, #tpu.memory_space<vmem>>, vector<16xf32>,
        %get3A_571 = arith.index_cast %add3A_526 : i32 to index
        %get3A_572 = arith.constant 96 : index
        %get3A_573 = tpu.vector_load %arg16[%get3A_571, %get3A_572] {strides = array<i32>} : memref<32x128xf32, #tpu.memory_space<vmem>>, vector<16xf32>,
        %mul3A_574 = arith.mulf %get3A_573, %gather3A_528 : vector<16xf32>
        %swap3A_575 = arith.index_cast %add3A_526 : i32 to index
        %swap3A_576 = arith.constant 96 : index
        %swap3A_577 = tpu.vector_load %arg17[%swap3A_575, %swap3A_576] {strides = array<i32>} : memref<32x128xf32, #tpu.memory_space<vmem>>, vector<16xf32>,
        tpu.vector_store %arg17[%swap3A_575, %swap3A_576], %mul3A_574 {strides = array<i32>} : memref<32x128xf32, #tpu.memory_space<vmem>>, vector<16xf32>,
        %get3A_578 = arith.index_cast %add3A_526 : i32 to index
        %get3A_579 = arith.constant 112 : index
        %get3A_580 = tpu.vector_load %arg16[%get3A_578, %get3A_579] {strides = array<i32>} : memref<32x128xf32, #tpu.memory_space<vmem>>, vector<16xf32>,
        %mul3A_581 = arith.mulf %get3A_580, %gather3A_528 : vector<16xf32>
        %swap3A_582 = arith.index_cast %add3A_526 : i32 to index
        %swap3A_583 = arith.constant 112 : index
        %swap3A_584 = tpu.vector_load %arg17[%swap3A_582, %swap3A_583] {strides = array<i32>} : memref<32x128xf32, #tpu.memory_space<vmem>>, vector<16xf32>,
        tpu.vector_store %arg17[%swap3A_582, %swap3A_583], %mul3A_581 {strides = array<i32>} : memref<32x128xf32, #tpu.memory_space<vmem>>, vector<16xf32>,
      }
      %scan3A_344 = arith.constant 16 : i32
      %scan3A_345 = arith.constant 0 : i32
      %scan3A_346 = arith.constant 16 : i32
      %scan3A_347 = arith.addi %scan3A_345, %scan3A_346 : i32
      %scan3A_348 = arith.constant 1 : i32
      scf.for %scan3A_520 = %scan3A_345 to %scan3A_347 step %scan3A_348  : i32 {
        %mul3A_521 = arith.constant 1 : i32
        %mul3A_522 = arith.muli %scan3A_520, %mul3A_521 : i32
        %add3A_523 = arith.constant 0 : i32
        %add3A_524 = arith.addi %add3A_523, %mul3A_522 : i32
        %add3A_525 = arith.constant 16 : i32
        %add3A_526 = arith.addi %add3A_525, %add3A_524 : i32
        %get3A_527 = arith.index_cast %add3A_526 : i32 to index
        %get3A_528 = arith.constant 0 : index
        %get3A_529 = tpu.vector_load %arg14[%get3A_527, %get3A_528] {strides = array<i32>} : memref<32x128xf32, #tpu.memory_space<vmem>>, vector<16xf32>,
        %get3A_530 = arith.index_cast %add3A_526 : i32 to index
        %get3A_531 = arith.constant 0 : index
        %get3A_532 = tpu.vector_load %arg15[%get3A_530, %get3A_531] {strides = array<i32>} : memref<32x128xf32, #tpu.memory_space<vmem>>, vector<16xf32>,
        %sub3A_533 = arith.subf %get3A_529, %get3A_532 : vector<16xf32>
        %mul3A_534 = arith.mulf %sub3A_533, %sub3A_533 : vector<16xf32>
        %get3A_535 = arith.index_cast %add3A_526 : i32 to index
        %get3A_536 = arith.constant 16 : index
        %get3A_537 = tpu.vector_load %arg14[%get3A_535, %get3A_536] {strides = array<i32>} : memref<32x128xf32, #tpu.memory_space<vmem>>, vector<16xf32>,
        %get3A_538 = arith.index_cast %add3A_526 : i32 to index
        %get3A_539 = arith.constant 16 : index
        %get3A_540 = tpu.vector_load %arg15[%get3A_538, %get3A_539] {strides = array<i32>} : memref<32x128xf32, #tpu.memory_space<vmem>>, vector<16xf32>,
        %sub3A_541 = arith.subf %get3A_537, %get3A_540 : vector<16xf32>
        %mul3A_542 = arith.mulf %sub3A_541, %sub3A_541 : vector<16xf32>
        %add3A_543 = arith.addf %mul3A_534, %mul3A_542 : vector<16xf32>
        %get3A_544 = arith.index_cast %add3A_526 : i32 to index
        %get3A_545 = arith.constant 32 : index
        %get3A_546 = tpu.vector_load %arg14[%get3A_544, %get3A_545] {strides = array<i32>} : memref<32x128xf32, #tpu.memory_space<vmem>>, vector<16xf32>,
        %get3A_547 = arith.index_cast %add3A_526 : i32 to index
        %get3A_548 = arith.constant 32 : index
        %get3A_549 = tpu.vector_load %arg15[%get3A_547, %get3A_548] {strides = array<i32>} : memref<32x128xf32, #tpu.memory_space<vmem>>, vector<16xf32>,
        %sub3A_550 = arith.subf %get3A_546, %get3A_549 : vector<16xf32>
        %mul3A_551 = arith.mulf %sub3A_550, %sub3A_550 : vector<16xf32>
        %add3A_552 = arith.addf %add3A_543, %mul3A_551 : vector<16xf32>
        %get3A_553 = arith.index_cast %add3A_526 : i32 to index
        %get3A_554 = arith.constant 48 : index
        %get3A_555 = tpu.vector_load %arg14[%get3A_553, %get3A_554] {strides = array<i32>} : memref<32x128xf32, #tpu.memory_space<vmem>>, vector<16xf32>,
        %get3A_556 = arith.index_cast %add3A_526 : i32 to index
        %get3A_557 = arith.constant 48 : index
        %get3A_558 = tpu.vector_load %arg15[%get3A_556, %get3A_557] {strides = array<i32>} : memref<32x128xf32, #tpu.memory_space<vmem>>, vector<16xf32>,
        %sub3A_559 = arith.subf %get3A_555, %get3A_558 : vector<16xf32>
        %mul3A_560 = arith.mulf %sub3A_559, %sub3A_559 : vector<16xf32>
        %add3A_561 = arith.addf %add3A_552, %mul3A_560 : vector<16xf32>
        %get3A_562 = arith.index_cast %add3A_526 : i32 to index
        %get3A_563 = arith.constant 64 : index
        %get3A_564 = tpu.vector_load %arg14[%get3A_562, %get3A_563] {strides = array<i32>} : memref<32x128xf32, #tpu.memory_space<vmem>>, vector<16xf32>,
        %get3A_565 = arith.index_cast %add3A_526 : i32 to index
        %get3A_566 = arith.constant 64 : index
        %get3A_567 = tpu.vector_load %arg15[%get3A_565, %get3A_566] {strides = array<i32>} : memref<32x128xf32, #tpu.memory_space<vmem>>, vector<16xf32>,
        %sub3A_568 = arith.subf %get3A_564, %get3A_567 : vector<16xf32>
        %mul3A_569 = arith.mulf %sub3A_568, %sub3A_568 : vector<16xf32>
        %add3A_570 = arith.addf %add3A_561, %mul3A_569 : vector<16xf32>
        %get3A_571 = arith.index_cast %add3A_526 : i32 to index
        %get3A_572 = arith.constant 80 : index
        %get3A_573 = tpu.vector_load %arg14[%get3A_571, %get3A_572] {strides = array<i32>} : memref<32x128xf32, #tpu.memory_space<vmem>>, vector<16xf32>,
        %get3A_574 = arith.index_cast %add3A_526 : i32 to index
        %get3A_575 = arith.constant 80 : index
        %get3A_576 = tpu.vector_load %arg15[%get3A_574, %get3A_575] {strides = array<i32>} : memref<32x128xf32, #tpu.memory_space<vmem>>, vector<16xf32>,
        %sub3A_577 = arith.subf %get3A_573, %get3A_576 : vector<16xf32>
        %mul3A_578 = arith.mulf %sub3A_577, %sub3A_577 : vector<16xf32>
        %add3A_579 = arith.addf %add3A_570, %mul3A_578 : vector<16xf32>
        %get3A_580 = arith.index_cast %add3A_526 : i32 to index
        %get3A_581 = arith.constant 96 : index
        %get3A_582 = tpu.vector_load %arg14[%get3A_580, %get3A_581] {strides = array<i32>} : memref<32x128xf32, #tpu.memory_space<vmem>>, vector<16xf32>,
        %get3A_583 = arith.index_cast %add3A_526 : i32 to index
        %get3A_584 = arith.constant 96 : index
        %get3A_585 = tpu.vector_load %arg15[%get3A_583, %get3A_584] {strides = array<i32>} : memref<32x128xf32, #tpu.memory_space<vmem>>, vector<16xf32>,
        %sub3A_586 = arith.subf %get3A_582, %get3A_585 : vector<16xf32>
        %mul3A_587 = arith.mulf %sub3A_586, %sub3A_586 : vector<16xf32>
        %add3A_588 = arith.addf %add3A_579, %mul3A_587 : vector<16xf32>
        %get3A_589 = arith.index_cast %add3A_526 : i32 to index
        %get3A_590 = arith.constant 112 : index
        %get3A_591 = tpu.vector_load %arg14[%get3A_589, %get3A_590] {strides = array<i32>} : memref<32x128xf32, #tpu.memory_space<vmem>>, vector<16xf32>,
        %get3A_592 = arith.index_cast %add3A_526 : i32 to index
        %get3A_593 = arith.constant 112 : index
        %get3A_594 = tpu.vector_load %arg15[%get3A_592, %get3A_593] {strides = array<i32>} : memref<32x128xf32, #tpu.memory_space<vmem>>, vector<16xf32>,
        %sub3A_595 = arith.subf %get3A_591, %get3A_594 : vector<16xf32>
        %mul3A_596 = arith.mulf %sub3A_595, %sub3A_595 : vector<16xf32>
        %add3A_597 = arith.addf %add3A_588, %mul3A_596 : vector<16xf32>
        %broadcast_in_dim3A_598 = vector.broadcast %add3A_524 : i32 to vector<16xi32>
        tpu.vector_store_idx %arg21[%iota3A, %broadcast_in_dim3A_598], %add3A_597 : memref<16x16xf32, #tpu.memory_space<vmem>>[vector<16xi32>, vector<16xi32>], vector<16xf32>,
      }
      %scan3A_349 = arith.constant 16 : i32
      %get3A_350 = arith.constant 0 : i32
      %get3A_351 = arith.index_cast %get3A_350 : i32 to index
      %get3A_352 = arith.constant 0 : index
      %get3A_353 = tpu.vector_load %arg21[%get3A_351, %get3A_352] {strides = array<i32>} : memref<16x16xf32, #tpu.memory_space<vmem>>, vector<16xf32>,
      %get3A_354 = arith.constant 1 : i32
      %get3A_355 = arith.index_cast %get3A_354 : i32 to index
      %get3A_356 = arith.constant 0 : index
      %get3A_357 = tpu.vector_load %arg21[%get3A_355, %get3A_356] {strides = array<i32>} : memref<16x16xf32, #tpu.memory_space<vmem>>, vector<16xf32>,
      %add3A_358 = arith.addf %get3A_353, %get3A_357 : vector<16xf32>
      %get3A_359 = arith.constant 2 : i32
      %get3A_360 = arith.index_cast %get3A_359 : i32 to index
      %get3A_361 = arith.constant 0 : index
      %get3A_362 = tpu.vector_load %arg21[%get3A_360, %get3A_361] {strides = array<i32>} : memref<16x16xf32, #tpu.memory_space<vmem>>, vector<16xf32>,
      %add3A_363 = arith.addf %add3A_358, %get3A_362 : vector<16xf32>
      %get3A_364 = arith.constant 3 : i32
      %get3A_365 = arith.index_cast %get3A_364 : i32 to index
      %get3A_366 = arith.constant 0 : index
      %get3A_367 = tpu.vector_load %arg21[%get3A_365, %get3A_366] {strides = array<i32>} : memref<16x16xf32, #tpu.memory_space<vmem>>, vector<16xf32>,
      %add3A_368 = arith.addf %add3A_363, %get3A_367 : vector<16xf32>
      %get3A_369 = arith.constant 4 : i32
      %get3A_370 = arith.index_cast %get3A_369 : i32 to index
      %get3A_371 = arith.constant 0 : index
      %get3A_372 = tpu.vector_load %arg21[%get3A_370, %get3A_371] {strides = array<i32>} : memref<16x16xf32, #tpu.memory_space<vmem>>, vector<16xf32>,
      %add3A_373 = arith.addf %add3A_368, %get3A_372 : vector<16xf32>
      %get3A_374 = arith.constant 5 : i32
      %get3A_375 = arith.index_cast %get3A_374 : i32 to index
      %get3A_376 = arith.constant 0 : index
      %get3A_377 = tpu.vector_load %arg21[%get3A_375, %get3A_376] {strides = array<i32>} : memref<16x16xf32, #tpu.memory_space<vmem>>, vector<16xf32>,
      %add3A_378 = arith.addf %add3A_373, %get3A_377 : vector<16xf32>
      %get3A_379 = arith.constant 6 : i32
      %get3A_380 = arith.index_cast %get3A_379 : i32 to index
      %get3A_381 = arith.constant 0 : index
      %get3A_382 = tpu.vector_load %arg21[%get3A_380, %get3A_381] {strides = array<i32>} : memref<16x16xf32, #tpu.memory_space<vmem>>, vector<16xf32>,
      %add3A_383 = arith.addf %add3A_378, %get3A_382 : vector<16xf32>
      %get3A_384 = arith.constant 7 : i32
      %get3A_385 = arith.index_cast %get3A_384 : i32 to index
      %get3A_386 = arith.constant 0 : index
      %get3A_387 = tpu.vector_load %arg21[%get3A_385, %get3A_386] {strides = array<i32>} : memref<16x16xf32, #tpu.memory_space<vmem>>, vector<16xf32>,
      %add3A_388 = arith.addf %add3A_383, %get3A_387 : vector<16xf32>
      %get3A_389 = arith.constant 8 : i32
      %get3A_390 = arith.index_cast %get3A_389 : i32 to index
      %get3A_391 = arith.constant 0 : index
      %get3A_392 = tpu.vector_load %arg21[%get3A_390, %get3A_391] {strides = array<i32>} : memref<16x16xf32, #tpu.memory_space<vmem>>, vector<16xf32>,
      %add3A_393 = arith.addf %add3A_388, %get3A_392 : vector<16xf32>
      %get3A_394 = arith.constant 9 : i32
      %get3A_395 = arith.index_cast %get3A_394 : i32 to index
      %get3A_396 = arith.constant 0 : index
      %get3A_397 = tpu.vector_load %arg21[%get3A_395, %get3A_396] {strides = array<i32>} : memref<16x16xf32, #tpu.memory_space<vmem>>, vector<16xf32>,
      %add3A_398 = arith.addf %add3A_393, %get3A_397 : vector<16xf32>
      %get3A_399 = arith.constant 10 : i32
      %get3A_400 = arith.index_cast %get3A_399 : i32 to index
      %get3A_401 = arith.constant 0 : index
      %get3A_402 = tpu.vector_load %arg21[%get3A_400, %get3A_401] {strides = array<i32>} : memref<16x16xf32, #tpu.memory_space<vmem>>, vector<16xf32>,
      %add3A_403 = arith.addf %add3A_398, %get3A_402 : vector<16xf32>
      %get3A_404 = arith.constant 11 : i32
      %get3A_405 = arith.index_cast %get3A_404 : i32 to index
      %get3A_406 = arith.constant 0 : index
      %get3A_407 = tpu.vector_load %arg21[%get3A_405, %get3A_406] {strides = array<i32>} : memref<16x16xf32, #tpu.memory_space<vmem>>, vector<16xf32>,
      %add3A_408 = arith.addf %add3A_403, %get3A_407 : vector<16xf32>
      %get3A_409 = arith.constant 12 : i32
      %get3A_410 = arith.index_cast %get3A_409 : i32 to index
      %get3A_411 = arith.constant 0 : index
      %get3A_412 = tpu.vector_load %arg21[%get3A_410, %get3A_411] {strides = array<i32>} : memref<16x16xf32, #tpu.memory_space<vmem>>, vector<16xf32>,
      %add3A_413 = arith.addf %add3A_408, %get3A_412 : vector<16xf32>
      %get3A_414 = arith.constant 13 : i32
      %get3A_415 = arith.index_cast %get3A_414 : i32 to index
      %get3A_416 = arith.constant 0 : index
      %get3A_417 = tpu.vector_load %arg21[%get3A_415, %get3A_416] {strides = array<i32>} : memref<16x16xf32, #tpu.memory_space<vmem>>, vector<16xf32>,
      %add3A_418 = arith.addf %add3A_413, %get3A_417 : vector<16xf32>
      %get3A_419 = arith.constant 14 : i32
      %get3A_420 = arith.index_cast %get3A_419 : i32 to index
      %get3A_421 = arith.constant 0 : index
      %get3A_422 = tpu.vector_load %arg21[%get3A_420, %get3A_421] {strides = array<i32>} : memref<16x16xf32, #tpu.memory_space<vmem>>, vector<16xf32>,
      %add3A_423 = arith.addf %add3A_418, %get3A_422 : vector<16xf32>
      %get3A_424 = arith.constant 15 : i32
      %get3A_425 = arith.index_cast %get3A_424 : i32 to index
      %get3A_426 = arith.constant 0 : index
      %get3A_427 = tpu.vector_load %arg21[%get3A_425, %get3A_426] {strides = array<i32>} : memref<16x16xf32, #tpu.memory_space<vmem>>, vector<16xf32>,
      %add3A_428 = arith.addf %add3A_423, %get3A_427 : vector<16xf32>
      %add3A_429 = arith.constant 1.000000e-16 : f32
      %add3A_430 = vector.broadcast %add3A_429 : f32 to vector<16xf32>
      %add3A_431 = arith.addf %add3A_428, %add3A_430 : vector<16xf32>
      %bitcast3A_432 = vector.bitcast %add3A_431 : vector<16xf32> to vector<16xi32>
      %shift_right_arithmetic3A_433 = arith.constant 1 : i32
      %shift_right_arithmetic3A_434 = vector.broadcast %shift_right_arithmetic3A_433 : i32 to vector<16xi32>
      %shift_right_arithmetic3A_435 = arith.shrsi %bitcast3A_432, %shift_right_arithmetic3A_434 : vector<16xi32>
      %sub3A_436 = arith.constant 1597463007 : i32
      %sub3A_437 = vector.broadcast %sub3A_436 : i32 to vector<16xi32>
      %sub3A_438 = arith.subi %sub3A_437, %shift_right_arithmetic3A_435 : vector<16xi32>
      %bitcast3A_439 = vector.bitcast %sub3A_438 : vector<16xi32> to vector<16xf32>
      %mul3A_440 = arith.constant 5.000000e-01 : f32
      %mul3A_441 = vector.broadcast %mul3A_440 : f32 to vector<16xf32>
      %mul3A_442 = arith.mulf %mul3A_441, %add3A_431 : vector<16xf32>
      %mul3A_443 = arith.mulf %mul3A_442, %bitcast3A_439 : vector<16xf32>
      %mul3A_444 = arith.mulf %mul3A_443, %bitcast3A_439 : vector<16xf32>
      %sub3A_445 = arith.constant 1.500000e+00 : f32
      %sub3A_446 = vector.broadcast %sub3A_445 : f32 to vector<16xf32>
      %sub3A_447 = arith.subf %sub3A_446, %mul3A_444 : vector<16xf32>
      %mul3A_448 = arith.mulf %bitcast3A_439, %sub3A_447 : vector<16xf32>
      %mul3A_449 = arith.constant 5.000000e-01 : f32
      %mul3A_450 = vector.broadcast %mul3A_449 : f32 to vector<16xf32>
      %mul3A_451 = arith.mulf %mul3A_450, %add3A_431 : vector<16xf32>
      %mul3A_452 = arith.mulf %mul3A_451, %mul3A_448 : vector<16xf32>
      %mul3A_453 = arith.mulf %mul3A_452, %mul3A_448 : vector<16xf32>
      %sub3A_454 = arith.constant 1.500000e+00 : f32
      %sub3A_455 = vector.broadcast %sub3A_454 : f32 to vector<16xf32>
      %sub3A_456 = arith.subf %sub3A_455, %mul3A_453 : vector<16xf32>
      %mul3A_457 = arith.mulf %mul3A_448, %sub3A_456 : vector<16xf32>
      %mul3A_458 = arith.constant 5.000000e-01 : f32
      %mul3A_459 = vector.broadcast %mul3A_458 : f32 to vector<16xf32>
      %mul3A_460 = arith.mulf %mul3A_459, %add3A_431 : vector<16xf32>
      %mul3A_461 = arith.mulf %mul3A_460, %mul3A_457 : vector<16xf32>
      %mul3A_462 = arith.mulf %mul3A_461, %mul3A_457 : vector<16xf32>
      %sub3A_463 = arith.constant 1.500000e+00 : f32
      %sub3A_464 = vector.broadcast %sub3A_463 : f32 to vector<16xf32>
      %sub3A_465 = arith.subf %sub3A_464, %mul3A_462 : vector<16xf32>
      %mul3A_466 = arith.mulf %mul3A_457, %sub3A_465 : vector<16xf32>
      %mul3A_467 = arith.mulf %add3A_431, %mul3A_466 : vector<16xf32>
      %neg3A_468 = arith.constant 0.000000e+00 : f32
      %neg3A_469 = vector.broadcast %neg3A_468 : f32 to vector<16xf32>
      %neg3A_470 = arith.subf %neg3A_469, %mul3A_467 : vector<16xf32>
      %exp3A_471 = math.exp %neg3A_470 : vector<16xf32>
      %get3A_472 = arith.constant 16 : index
      %get3A_473 = tpu.vector_load %arg12[%get3A_472] {strides = array<i32>} : memref<32xi32, #tpu.memory_space<vmem>>, vector<16xi32>,
      %add3A_474 = arith.constant 16 : i32
      %add3A_475 = vector.broadcast %add3A_474 : i32 to vector<16xi32>
      %add3A_476 = arith.addi %add3A_475, %iota3A : vector<16xi32>
      %broadcast_in_dim3A_477 = arith.constant 0 : i32
      %broadcast_in_dim3A_478 = vector.broadcast %broadcast_in_dim3A_477 : i32 to vector<16xi32>
      %gather3A_479 = tpu.vector_load_idx %arg18[%add3A_476, %broadcast_in_dim3A_478] : memref<32x16xf32, #tpu.memory_space<vmem>>[vector<16xi32>, vector<16xi32>], vector<16xf32>,
      %add3A_480 = arith.constant 16 : i32
      %add3A_481 = vector.broadcast %add3A_480 : i32 to vector<16xi32>
      %add3A_482 = arith.addi %add3A_481, %iota3A : vector<16xi32>
      %broadcast_in_dim3A_483 = arith.constant 0 : i32
      %broadcast_in_dim3A_484 = vector.broadcast %broadcast_in_dim3A_483 : i32 to vector<16xi32>
      %gather3A_485 = tpu.vector_load_idx %arg19[%add3A_482, %broadcast_in_dim3A_484] : memref<32x16xf32, #tpu.memory_space<vmem>>[vector<16xi32>, vector<16xi32>], vector<16xf32>,
      %add3A_486 = arith.addf %gather3A_479, %gather3A_485 : vector<16xf32>
      %mul3A_487 = arith.mulf %get3A_57, %exp3A_471 : vector<16xf32>
      %add3A_488 = arith.addf %add3A_486, %mul3A_487 : vector<16xf32>
      %ge3A_489 = arith.constant 0.000000e+00 : f32
      %ge3A_490 = vector.broadcast %ge3A_489 : f32 to vector<16xf32>
      %ge3A_491 = arith.cmpf oge, %add3A_488, %ge3A_490 : vector<16xf32>
      %mul3A_492 = arith.constant 2.000000e-01 : f32
      %mul3A_493 = vector.broadcast %mul3A_492 : f32 to vector<16xf32>
      %mul3A_494 = arith.mulf %mul3A_493, %add3A_488 : vector<16xf32>
      %select_n3A_495 = arith.select %ge3A_491, %add3A_488, %mul3A_494 : vector<16xi1>, vector<16xf32>
      %exp3A_496 = math.exp %select_n3A_495 : vector<16xf32>
      %swap3A_497 = arith.constant 0 : index
      %swap3A_498 = tpu.vector_load %arg22[%swap3A_497] {strides = array<i32>} : memref<16xf32, #tpu.memory_space<vmem>>, vector<16xf32>,
      tpu.vector_store %arg22[%swap3A_497], %exp3A_496 {strides = array<i32>} : memref<16xf32, #tpu.memory_space<vmem>>, vector<16xf32>,
      %add3A_499 = arith.constant 16 : i32
      %add3A_500 = vector.broadcast %add3A_499 : i32 to vector<16xi32>
      %add3A_501 = arith.addi %add3A_500, %iota3A : vector<16xi32>
      %and3A_502 = arith.constant 15 : i32
      %and3A_503 = vector.broadcast %and3A_502 : i32 to vector<16xi32>
      %and3A_504 = arith.andi %get3A_473, %and3A_503 : vector<16xi32>
      tpu.vector_store_idx %arg20[%add3A_501, %and3A_504], %exp3A_496 : memref<32x16xf32, #tpu.memory_space<vmem>>[vector<16xi32>, vector<16xi32>], vector<16xf32>,
      %shift_right_logical3A_505 = arith.constant 4 : i32
      %shift_right_logical3A_506 = vector.broadcast %shift_right_logical3A_505 : i32 to vector<16xi32>
      %shift_right_logical3A_507 = arith.shrui %get3A_473, %shift_right_logical3A_506 : vector<16xi32>
      %swap3A_508 = arith.constant 16 : index
      %swap3A_509 = tpu.vector_load %arg13[%swap3A_508] {strides = array<i32>} : memref<32xi32, #tpu.memory_space<vmem>>, vector<16xi32>,
      tpu.vector_store %arg13[%swap3A_508], %shift_right_logical3A_507 {strides = array<i32>} : memref<32xi32, #tpu.memory_space<vmem>>, vector<16xi32>,
      %scan3A_510 = arith.constant 0 : i32
      %scan3A_511 = arith.constant 16 : i32
      %scan3A_512 = arith.addi %scan3A_510, %scan3A_511 : i32
      %scan3A_513 = arith.constant 1 : i32
      scf.for %scan3A_520 = %scan3A_510 to %scan3A_512 step %scan3A_513  : i32 {
        %mul3A_521 = arith.constant 1 : i32
        %mul3A_522 = arith.muli %scan3A_520, %mul3A_521 : i32
        %add3A_523 = arith.constant 0 : i32
        %add3A_524 = arith.addi %add3A_523, %mul3A_522 : i32
        %add3A_525 = arith.constant 16 : i32
        %add3A_526 = arith.addi %add3A_525, %add3A_524 : i32
        %broadcast_in_dim3A_527 = vector.broadcast %add3A_524 : i32 to vector<16xi32>
        %gather3A_528 = tpu.vector_load_idx %arg22[%broadcast_in_dim3A_527] : memref<16xf32, #tpu.memory_space<vmem>>[vector<16xi32>], vector<16xf32>,
        %get3A_529 = arith.index_cast %add3A_526 : i32 to index
        %get3A_530 = arith.constant 0 : index
        %get3A_531 = tpu.vector_load %arg16[%get3A_529, %get3A_530] {strides = array<i32>} : memref<32x128xf32, #tpu.memory_space<vmem>>, vector<16xf32>,
        %mul3A_532 = arith.mulf %get3A_531, %gather3A_528 : vector<16xf32>
        %swap3A_533 = arith.index_cast %add3A_526 : i32 to index
        %swap3A_534 = arith.constant 0 : index
        %swap3A_535 = tpu.vector_load %arg17[%swap3A_533, %swap3A_534] {strides = array<i32>} : memref<32x128xf32, #tpu.memory_space<vmem>>, vector<16xf32>,
        tpu.vector_store %arg17[%swap3A_533, %swap3A_534], %mul3A_532 {strides = array<i32>} : memref<32x128xf32, #tpu.memory_space<vmem>>, vector<16xf32>,
        %get3A_536 = arith.index_cast %add3A_526 : i32 to index
        %get3A_537 = arith.constant 16 : index
        %get3A_538 = tpu.vector_load %arg16[%get3A_536, %get3A_537] {strides = array<i32>} : memref<32x128xf32, #tpu.memory_space<vmem>>, vector<16xf32>,
        %mul3A_539 = arith.mulf %get3A_538, %gather3A_528 : vector<16xf32>
        %swap3A_540 = arith.index_cast %add3A_526 : i32 to index
        %swap3A_541 = arith.constant 16 : index
        %swap3A_542 = tpu.vector_load %arg17[%swap3A_540, %swap3A_541] {strides = array<i32>} : memref<32x128xf32, #tpu.memory_space<vmem>>, vector<16xf32>,
        tpu.vector_store %arg17[%swap3A_540, %swap3A_541], %mul3A_539 {strides = array<i32>} : memref<32x128xf32, #tpu.memory_space<vmem>>, vector<16xf32>,
        %get3A_543 = arith.index_cast %add3A_526 : i32 to index
        %get3A_544 = arith.constant 32 : index
        %get3A_545 = tpu.vector_load %arg16[%get3A_543, %get3A_544] {strides = array<i32>} : memref<32x128xf32, #tpu.memory_space<vmem>>, vector<16xf32>,
        %mul3A_546 = arith.mulf %get3A_545, %gather3A_528 : vector<16xf32>
        %swap3A_547 = arith.index_cast %add3A_526 : i32 to index
        %swap3A_548 = arith.constant 32 : index
        %swap3A_549 = tpu.vector_load %arg17[%swap3A_547, %swap3A_548] {strides = array<i32>} : memref<32x128xf32, #tpu.memory_space<vmem>>, vector<16xf32>,
        tpu.vector_store %arg17[%swap3A_547, %swap3A_548], %mul3A_546 {strides = array<i32>} : memref<32x128xf32, #tpu.memory_space<vmem>>, vector<16xf32>,
        %get3A_550 = arith.index_cast %add3A_526 : i32 to index
        %get3A_551 = arith.constant 48 : index
        %get3A_552 = tpu.vector_load %arg16[%get3A_550, %get3A_551] {strides = array<i32>} : memref<32x128xf32, #tpu.memory_space<vmem>>, vector<16xf32>,
        %mul3A_553 = arith.mulf %get3A_552, %gather3A_528 : vector<16xf32>
        %swap3A_554 = arith.index_cast %add3A_526 : i32 to index
        %swap3A_555 = arith.constant 48 : index
        %swap3A_556 = tpu.vector_load %arg17[%swap3A_554, %swap3A_555] {strides = array<i32>} : memref<32x128xf32, #tpu.memory_space<vmem>>, vector<16xf32>,
        tpu.vector_store %arg17[%swap3A_554, %swap3A_555], %mul3A_553 {strides = array<i32>} : memref<32x128xf32, #tpu.memory_space<vmem>>, vector<16xf32>,
        %get3A_557 = arith.index_cast %add3A_526 : i32 to index
        %get3A_558 = arith.constant 64 : index
        %get3A_559 = tpu.vector_load %arg16[%get3A_557, %get3A_558] {strides = array<i32>} : memref<32x128xf32, #tpu.memory_space<vmem>>, vector<16xf32>,
        %mul3A_560 = arith.mulf %get3A_559, %gather3A_528 : vector<16xf32>
        %swap3A_561 = arith.index_cast %add3A_526 : i32 to index
        %swap3A_562 = arith.constant 64 : index
        %swap3A_563 = tpu.vector_load %arg17[%swap3A_561, %swap3A_562] {strides = array<i32>} : memref<32x128xf32, #tpu.memory_space<vmem>>, vector<16xf32>,
        tpu.vector_store %arg17[%swap3A_561, %swap3A_562], %mul3A_560 {strides = array<i32>} : memref<32x128xf32, #tpu.memory_space<vmem>>, vector<16xf32>,
        %get3A_564 = arith.index_cast %add3A_526 : i32 to index
        %get3A_565 = arith.constant 80 : index
        %get3A_566 = tpu.vector_load %arg16[%get3A_564, %get3A_565] {strides = array<i32>} : memref<32x128xf32, #tpu.memory_space<vmem>>, vector<16xf32>,
        %mul3A_567 = arith.mulf %get3A_566, %gather3A_528 : vector<16xf32>
        %swap3A_568 = arith.index_cast %add3A_526 : i32 to index
        %swap3A_569 = arith.constant 80 : index
        %swap3A_570 = tpu.vector_load %arg17[%swap3A_568, %swap3A_569] {strides = array<i32>} : memref<32x128xf32, #tpu.memory_space<vmem>>, vector<16xf32>,
        tpu.vector_store %arg17[%swap3A_568, %swap3A_569], %mul3A_567 {strides = array<i32>} : memref<32x128xf32, #tpu.memory_space<vmem>>, vector<16xf32>,
        %get3A_571 = arith.index_cast %add3A_526 : i32 to index
        %get3A_572 = arith.constant 96 : index
        %get3A_573 = tpu.vector_load %arg16[%get3A_571, %get3A_572] {strides = array<i32>} : memref<32x128xf32, #tpu.memory_space<vmem>>, vector<16xf32>,
        %mul3A_574 = arith.mulf %get3A_573, %gather3A_528 : vector<16xf32>
        %swap3A_575 = arith.index_cast %add3A_526 : i32 to index
        %swap3A_576 = arith.constant 96 : index
        %swap3A_577 = tpu.vector_load %arg17[%swap3A_575, %swap3A_576] {strides = array<i32>} : memref<32x128xf32, #tpu.memory_space<vmem>>, vector<16xf32>,
        tpu.vector_store %arg17[%swap3A_575, %swap3A_576], %mul3A_574 {strides = array<i32>} : memref<32x128xf32, #tpu.memory_space<vmem>>, vector<16xf32>,
        %get3A_578 = arith.index_cast %add3A_526 : i32 to index
        %get3A_579 = arith.constant 112 : index
        %get3A_580 = tpu.vector_load %arg16[%get3A_578, %get3A_579] {strides = array<i32>} : memref<32x128xf32, #tpu.memory_space<vmem>>, vector<16xf32>,
        %mul3A_581 = arith.mulf %get3A_580, %gather3A_528 : vector<16xf32>
        %swap3A_582 = arith.index_cast %add3A_526 : i32 to index
        %swap3A_583 = arith.constant 112 : index
        %swap3A_584 = tpu.vector_load %arg17[%swap3A_582, %swap3A_583] {strides = array<i32>} : memref<32x128xf32, #tpu.memory_space<vmem>>, vector<16xf32>,
        tpu.vector_store %arg17[%swap3A_582, %swap3A_583], %mul3A_581 {strides = array<i32>} : memref<32x128xf32, #tpu.memory_space<vmem>>, vector<16xf32>,
      }
      %scan3A_514 = arith.constant 16 : i32
      "tpu.region"() ({
        %run_scoped3A = tpu.sem_alloc : memref<!tpu.dma_semaphore, #tpu.memory_space<semaphore_mem>>
        %dma_start3A_520 = arith.constant 0 : i32
        %dma_start3A_521 = arith.constant 0 : i32
        %dma_start3A_522 = tpu.memref_slice %arg24[%dma_start3A_520, %dma_start3A_521] : memref<10240x128xf32, #tpu.memory_space<vmem_shared>> -> memref<10240x128xf32, #tpu.memory_space<vmem_shared>>
        tpu.enqueue_indirect_dma source(%arg17 : memref<32x128xf32, #tpu.memory_space<vmem>>) target(%dma_start3A_522 : memref<10240x128xf32, #tpu.memory_space<vmem_shared>>) offsets(%arg12 : memref<32xi32, #tpu.memory_space<vmem>>) semaphore(%run_scoped3A : memref<!tpu.dma_semaphore, #tpu.memory_space<semaphore_mem>>) {add = true}
        %dma_wait3A_523 = arith.constant 0 : i32
        %dma_wait3A_524 = arith.constant 0 : i32
        %dma_wait3A_525 = tpu.memref_slice %arg24[%dma_wait3A_523, %dma_wait3A_524] : memref<10240x128xf32, #tpu.memory_space<vmem_shared>> -> memref<10240x128xf32, #tpu.memory_space<vmem_shared>>
        tpu.wait_indirect_dma semaphore(%run_scoped3A : memref<!tpu.dma_semaphore, #tpu.memory_space<semaphore_mem>>) src(%arg17 : memref<32x128xf32, #tpu.memory_space<vmem>>) dst(%dma_wait3A_525 : memref<10240x128xf32, #tpu.memory_space<vmem_shared>>)
        tpu.yield
      }) : () -> ()
      "tpu.region"() ({
        %run_scoped3A = tpu.sem_alloc : memref<!tpu.dma_semaphore, #tpu.memory_space<semaphore_mem>>
        %dma_start3A_520 = arith.constant 0 : i32
        %dma_start3A_521 = arith.constant 0 : i32
        %dma_start3A_522 = tpu.memref_slice %arg25[%dma_start3A_520, %dma_start3A_521] : memref<640x16xf32, #tpu.memory_space<vmem_shared>> -> memref<640x16xf32, #tpu.memory_space<vmem_shared>>
        tpu.enqueue_indirect_dma source(%arg20 : memref<32x16xf32, #tpu.memory_space<vmem>>) target(%dma_start3A_522 : memref<640x16xf32, #tpu.memory_space<vmem_shared>>) offsets(%arg13 : memref<32xi32, #tpu.memory_space<vmem>>) semaphore(%run_scoped3A : memref<!tpu.dma_semaphore, #tpu.memory_space<semaphore_mem>>) {add = true}
        %dma_wait3A_523 = arith.constant 0 : i32
        %dma_wait3A_524 = arith.constant 0 : i32
        %dma_wait3A_525 = tpu.memref_slice %arg25[%dma_wait3A_523, %dma_wait3A_524] : memref<640x16xf32, #tpu.memory_space<vmem_shared>> -> memref<640x16xf32, #tpu.memory_space<vmem_shared>>
        tpu.wait_indirect_dma semaphore(%run_scoped3A : memref<!tpu.dma_semaphore, #tpu.memory_space<semaphore_mem>>) src(%arg20 : memref<32x16xf32, #tpu.memory_space<vmem>>) dst(%dma_wait3A_525 : memref<640x16xf32, #tpu.memory_space<vmem_shared>>)
        tpu.yield
      }) : () -> ()
      %scan3A_515 = arith.constant 0 : i32
      %scan3A_516 = arith.constant 32 : i32
      %scan3A_517 = arith.addi %scan3A_515, %scan3A_516 : i32
      %scan3A_518 = arith.constant 1 : i32
      scf.for %scan3A_520 = %scan3A_515 to %scan3A_517 step %scan3A_518  : i32 {
        %mul3A_521 = arith.constant 1 : i32
        %mul3A_522 = arith.muli %scan3A_520, %mul3A_521 : i32
        %add3A_523 = arith.constant 0 : i32
        %add3A_524 = arith.addi %add3A_523, %mul3A_522 : i32
        %swap3A_525 = arith.index_cast %add3A_524 : i32 to index
        %swap3A_526 = arith.constant 0 : index
        %swap3A_527 = tpu.vector_load %arg20[%swap3A_525, %swap3A_526] {strides = array<i32>} : memref<32x16xf32, #tpu.memory_space<vmem>>, vector<16xf32>,
        tpu.vector_store %arg20[%swap3A_525, %swap3A_526], %broadcast_in_dim3A_1 {strides = array<i32>} : memref<32x16xf32, #tpu.memory_space<vmem>>, vector<16xf32>,
      }
      %scan3A_519 = arith.constant 32 : i32
    }
    %scan3A_64 = arith.constant 313 : i32
    %barrier3A_65 = arith.constant 0 : index
    tpu.barrier barrier_id(%barrier3A_65)
    %add3A_66 = arith.constant 0 : i32
    %add3A_67 = arith.addi %mul3A_12, %add3A_66 : i32
    %add3A_68 = arith.constant 0 : i32
    %add3A_69 = arith.addi %mul3A_12, %add3A_68 : i32
    "tpu.region"() ({
      %run_scoped3A = tpu.sem_alloc : memref<!tpu.dma_semaphore, #tpu.memory_space<semaphore_mem>>
      %dma_start3A = arith.constant 0 : i32
      %dma_start3A_150 = tpu.memref_slice %arg9[%arg0, %add3A_69, %dma_start3A] : memref<2x10240x128xf32, #tpu.memory_space<hbm>> -> memref<1x32x128xf32, #tpu.memory_space<hbm>>
      %dma_start3A_151 = tpu.memref_squeeze %dma_start3A_150 : memref<1x32x128xf32, #tpu.memory_space<hbm>> -> memref<32x128xf32, #tpu.memory_space<hbm>>
      %dma_start3A_152 = arith.constant 0 : i32
      %dma_start3A_153 = tpu.memref_slice %arg24[%add3A_67, %dma_start3A_152] : memref<10240x128xf32, #tpu.memory_space<vmem_shared>> -> memref<32x128xf32, #tpu.memory_space<vmem_shared>>
      tpu.enqueue_dma source(%dma_start3A_153 : memref<32x128xf32, #tpu.memory_space<vmem_shared>>) target(%dma_start3A_151 : memref<32x128xf32, #tpu.memory_space<hbm>>) target_semaphore(%run_scoped3A : memref<!tpu.dma_semaphore, #tpu.memory_space<semaphore_mem>>)
      %dma_wait3A = arith.constant 0 : i32
      %dma_wait3A_154 = tpu.memref_slice %arg9[%arg0, %add3A_69, %dma_wait3A] : memref<2x10240x128xf32, #tpu.memory_space<hbm>> -> memref<1x32x128xf32, #tpu.memory_space<hbm>>
      %dma_wait3A_155 = tpu.memref_squeeze %dma_wait3A_154 : memref<1x32x128xf32, #tpu.memory_space<hbm>> -> memref<32x128xf32, #tpu.memory_space<hbm>>
      %dma_wait3A_156 = arith.constant 0 : i32
      %dma_wait3A_157 = tpu.memref_slice %arg24[%add3A_67, %dma_wait3A_156] : memref<10240x128xf32, #tpu.memory_space<vmem_shared>> -> memref<32x128xf32, #tpu.memory_space<vmem_shared>>
      tpu.wait_dma2 semaphore(%run_scoped3A : memref<!tpu.dma_semaphore, #tpu.memory_space<semaphore_mem>>) src(%dma_wait3A_157 : memref<32x128xf32, #tpu.memory_space<vmem_shared>>) dst(%dma_wait3A_155 : memref<32x128xf32, #tpu.memory_space<hbm>>)
      tpu.yield
    }) : () -> ()
    %add3A_70 = arith.constant 32 : i32
    %add3A_71 = arith.addi %mul3A_12, %add3A_70 : i32
    %add3A_72 = arith.constant 32 : i32
    %add3A_73 = arith.addi %mul3A_12, %add3A_72 : i32
    "tpu.region"() ({
      %run_scoped3A = tpu.sem_alloc : memref<!tpu.dma_semaphore, #tpu.memory_space<semaphore_mem>>
      %dma_start3A = arith.constant 0 : i32
      %dma_start3A_150 = tpu.memref_slice %arg9[%arg0, %add3A_73, %dma_start3A] : memref<2x10240x128xf32, #tpu.memory_space<hbm>> -> memref<1x32x128xf32, #tpu.memory_space<hbm>>
      %dma_start3A_151 = tpu.memref_squeeze %dma_start3A_150 : memref<1x32x128xf32, #tpu.memory_space<hbm>> -> memref<32x128xf32, #tpu.memory_space<hbm>>
      %dma_start3A_152 = arith.constant 0 : i32
      %dma_start3A_153 = tpu.memref_slice %arg24[%add3A_71, %dma_start3A_152] : memref<10240x128xf32, #tpu.memory_space<vmem_shared>> -> memref<32x128xf32, #tpu.memory_space<vmem_shared>>
      tpu.enqueue_dma source(%dma_start3A_153 : memref<32x128xf32, #tpu.memory_space<vmem_shared>>) target(%dma_start3A_151 : memref<32x128xf32, #tpu.memory_space<hbm>>) target_semaphore(%run_scoped3A : memref<!tpu.dma_semaphore, #tpu.memory_space<semaphore_mem>>)
      %dma_wait3A = arith.constant 0 : i32
      %dma_wait3A_154 = tpu.memref_slice %arg9[%arg0, %add3A_73, %dma_wait3A] : memref<2x10240x128xf32, #tpu.memory_space<hbm>> -> memref<1x32x128xf32, #tpu.memory_space<hbm>>
      %dma_wait3A_155 = tpu.memref_squeeze %dma_wait3A_154 : memref<1x32x128xf32, #tpu.memory_space<hbm>> -> memref<32x128xf32, #tpu.memory_space<hbm>>
      %dma_wait3A_156 = arith.constant 0 : i32
      %dma_wait3A_157 = tpu.memref_slice %arg24[%add3A_71, %dma_wait3A_156] : memref<10240x128xf32, #tpu.memory_space<vmem_shared>> -> memref<32x128xf32, #tpu.memory_space<vmem_shared>>
      tpu.wait_dma2 semaphore(%run_scoped3A : memref<!tpu.dma_semaphore, #tpu.memory_space<semaphore_mem>>) src(%dma_wait3A_157 : memref<32x128xf32, #tpu.memory_space<vmem_shared>>) dst(%dma_wait3A_155 : memref<32x128xf32, #tpu.memory_space<hbm>>)
      tpu.yield
    }) : () -> ()
    %add3A_74 = arith.constant 64 : i32
    %add3A_75 = arith.addi %mul3A_12, %add3A_74 : i32
    %add3A_76 = arith.constant 64 : i32
    %add3A_77 = arith.addi %mul3A_12, %add3A_76 : i32
    "tpu.region"() ({
      %run_scoped3A = tpu.sem_alloc : memref<!tpu.dma_semaphore, #tpu.memory_space<semaphore_mem>>
      %dma_start3A = arith.constant 0 : i32
      %dma_start3A_150 = tpu.memref_slice %arg9[%arg0, %add3A_77, %dma_start3A] : memref<2x10240x128xf32, #tpu.memory_space<hbm>> -> memref<1x32x128xf32, #tpu.memory_space<hbm>>
      %dma_start3A_151 = tpu.memref_squeeze %dma_start3A_150 : memref<1x32x128xf32, #tpu.memory_space<hbm>> -> memref<32x128xf32, #tpu.memory_space<hbm>>
      %dma_start3A_152 = arith.constant 0 : i32
      %dma_start3A_153 = tpu.memref_slice %arg24[%add3A_75, %dma_start3A_152] : memref<10240x128xf32, #tpu.memory_space<vmem_shared>> -> memref<32x128xf32, #tpu.memory_space<vmem_shared>>
      tpu.enqueue_dma source(%dma_start3A_153 : memref<32x128xf32, #tpu.memory_space<vmem_shared>>) target(%dma_start3A_151 : memref<32x128xf32, #tpu.memory_space<hbm>>) target_semaphore(%run_scoped3A : memref<!tpu.dma_semaphore, #tpu.memory_space<semaphore_mem>>)
      %dma_wait3A = arith.constant 0 : i32
      %dma_wait3A_154 = tpu.memref_slice %arg9[%arg0, %add3A_77, %dma_wait3A] : memref<2x10240x128xf32, #tpu.memory_space<hbm>> -> memref<1x32x128xf32, #tpu.memory_space<hbm>>
      %dma_wait3A_155 = tpu.memref_squeeze %dma_wait3A_154 : memref<1x32x128xf32, #tpu.memory_space<hbm>> -> memref<32x128xf32, #tpu.memory_space<hbm>>
      %dma_wait3A_156 = arith.constant 0 : i32
      %dma_wait3A_157 = tpu.memref_slice %arg24[%add3A_75, %dma_wait3A_156] : memref<10240x128xf32, #tpu.memory_space<vmem_shared>> -> memref<32x128xf32, #tpu.memory_space<vmem_shared>>
      tpu.wait_dma2 semaphore(%run_scoped3A : memref<!tpu.dma_semaphore, #tpu.memory_space<semaphore_mem>>) src(%dma_wait3A_157 : memref<32x128xf32, #tpu.memory_space<vmem_shared>>) dst(%dma_wait3A_155 : memref<32x128xf32, #tpu.memory_space<hbm>>)
      tpu.yield
    }) : () -> ()
    %add3A_78 = arith.constant 96 : i32
    %add3A_79 = arith.addi %mul3A_12, %add3A_78 : i32
    %add3A_80 = arith.constant 96 : i32
    %add3A_81 = arith.addi %mul3A_12, %add3A_80 : i32
    "tpu.region"() ({
      %run_scoped3A = tpu.sem_alloc : memref<!tpu.dma_semaphore, #tpu.memory_space<semaphore_mem>>
      %dma_start3A = arith.constant 0 : i32
      %dma_start3A_150 = tpu.memref_slice %arg9[%arg0, %add3A_81, %dma_start3A] : memref<2x10240x128xf32, #tpu.memory_space<hbm>> -> memref<1x32x128xf32, #tpu.memory_space<hbm>>
      %dma_start3A_151 = tpu.memref_squeeze %dma_start3A_150 : memref<1x32x128xf32, #tpu.memory_space<hbm>> -> memref<32x128xf32, #tpu.memory_space<hbm>>
      %dma_start3A_152 = arith.constant 0 : i32
      %dma_start3A_153 = tpu.memref_slice %arg24[%add3A_79, %dma_start3A_152] : memref<10240x128xf32, #tpu.memory_space<vmem_shared>> -> memref<32x128xf32, #tpu.memory_space<vmem_shared>>
      tpu.enqueue_dma source(%dma_start3A_153 : memref<32x128xf32, #tpu.memory_space<vmem_shared>>) target(%dma_start3A_151 : memref<32x128xf32, #tpu.memory_space<hbm>>) target_semaphore(%run_scoped3A : memref<!tpu.dma_semaphore, #tpu.memory_space<semaphore_mem>>)
      %dma_wait3A = arith.constant 0 : i32
      %dma_wait3A_154 = tpu.memref_slice %arg9[%arg0, %add3A_81, %dma_wait3A] : memref<2x10240x128xf32, #tpu.memory_space<hbm>> -> memref<1x32x128xf32, #tpu.memory_space<hbm>>
      %dma_wait3A_155 = tpu.memref_squeeze %dma_wait3A_154 : memref<1x32x128xf32, #tpu.memory_space<hbm>> -> memref<32x128xf32, #tpu.memory_space<hbm>>
      %dma_wait3A_156 = arith.constant 0 : i32
      %dma_wait3A_157 = tpu.memref_slice %arg24[%add3A_79, %dma_wait3A_156] : memref<10240x128xf32, #tpu.memory_space<vmem_shared>> -> memref<32x128xf32, #tpu.memory_space<vmem_shared>>
      tpu.wait_dma2 semaphore(%run_scoped3A : memref<!tpu.dma_semaphore, #tpu.memory_space<semaphore_mem>>) src(%dma_wait3A_157 : memref<32x128xf32, #tpu.memory_space<vmem_shared>>) dst(%dma_wait3A_155 : memref<32x128xf32, #tpu.memory_space<hbm>>)
      tpu.yield
    }) : () -> ()
    %add3A_82 = arith.constant 128 : i32
    %add3A_83 = arith.addi %mul3A_12, %add3A_82 : i32
    %add3A_84 = arith.constant 128 : i32
    %add3A_85 = arith.addi %mul3A_12, %add3A_84 : i32
    "tpu.region"() ({
      %run_scoped3A = tpu.sem_alloc : memref<!tpu.dma_semaphore, #tpu.memory_space<semaphore_mem>>
      %dma_start3A = arith.constant 0 : i32
      %dma_start3A_150 = tpu.memref_slice %arg9[%arg0, %add3A_85, %dma_start3A] : memref<2x10240x128xf32, #tpu.memory_space<hbm>> -> memref<1x32x128xf32, #tpu.memory_space<hbm>>
      %dma_start3A_151 = tpu.memref_squeeze %dma_start3A_150 : memref<1x32x128xf32, #tpu.memory_space<hbm>> -> memref<32x128xf32, #tpu.memory_space<hbm>>
      %dma_start3A_152 = arith.constant 0 : i32
      %dma_start3A_153 = tpu.memref_slice %arg24[%add3A_83, %dma_start3A_152] : memref<10240x128xf32, #tpu.memory_space<vmem_shared>> -> memref<32x128xf32, #tpu.memory_space<vmem_shared>>
      tpu.enqueue_dma source(%dma_start3A_153 : memref<32x128xf32, #tpu.memory_space<vmem_shared>>) target(%dma_start3A_151 : memref<32x128xf32, #tpu.memory_space<hbm>>) target_semaphore(%run_scoped3A : memref<!tpu.dma_semaphore, #tpu.memory_space<semaphore_mem>>)
      %dma_wait3A = arith.constant 0 : i32
      %dma_wait3A_154 = tpu.memref_slice %arg9[%arg0, %add3A_85, %dma_wait3A] : memref<2x10240x128xf32, #tpu.memory_space<hbm>> -> memref<1x32x128xf32, #tpu.memory_space<hbm>>
      %dma_wait3A_155 = tpu.memref_squeeze %dma_wait3A_154 : memref<1x32x128xf32, #tpu.memory_space<hbm>> -> memref<32x128xf32, #tpu.memory_space<hbm>>
      %dma_wait3A_156 = arith.constant 0 : i32
      %dma_wait3A_157 = tpu.memref_slice %arg24[%add3A_83, %dma_wait3A_156] : memref<10240x128xf32, #tpu.memory_space<vmem_shared>> -> memref<32x128xf32, #tpu.memory_space<vmem_shared>>
      tpu.wait_dma2 semaphore(%run_scoped3A : memref<!tpu.dma_semaphore, #tpu.memory_space<semaphore_mem>>) src(%dma_wait3A_157 : memref<32x128xf32, #tpu.memory_space<vmem_shared>>) dst(%dma_wait3A_155 : memref<32x128xf32, #tpu.memory_space<hbm>>)
      tpu.yield
    }) : () -> ()
    %add3A_86 = arith.constant 160 : i32
    %add3A_87 = arith.addi %mul3A_12, %add3A_86 : i32
    %add3A_88 = arith.constant 160 : i32
    %add3A_89 = arith.addi %mul3A_12, %add3A_88 : i32
    "tpu.region"() ({
      %run_scoped3A = tpu.sem_alloc : memref<!tpu.dma_semaphore, #tpu.memory_space<semaphore_mem>>
      %dma_start3A = arith.constant 0 : i32
      %dma_start3A_150 = tpu.memref_slice %arg9[%arg0, %add3A_89, %dma_start3A] : memref<2x10240x128xf32, #tpu.memory_space<hbm>> -> memref<1x32x128xf32, #tpu.memory_space<hbm>>
      %dma_start3A_151 = tpu.memref_squeeze %dma_start3A_150 : memref<1x32x128xf32, #tpu.memory_space<hbm>> -> memref<32x128xf32, #tpu.memory_space<hbm>>
      %dma_start3A_152 = arith.constant 0 : i32
      %dma_start3A_153 = tpu.memref_slice %arg24[%add3A_87, %dma_start3A_152] : memref<10240x128xf32, #tpu.memory_space<vmem_shared>> -> memref<32x128xf32, #tpu.memory_space<vmem_shared>>
      tpu.enqueue_dma source(%dma_start3A_153 : memref<32x128xf32, #tpu.memory_space<vmem_shared>>) target(%dma_start3A_151 : memref<32x128xf32, #tpu.memory_space<hbm>>) target_semaphore(%run_scoped3A : memref<!tpu.dma_semaphore, #tpu.memory_space<semaphore_mem>>)
      %dma_wait3A = arith.constant 0 : i32
      %dma_wait3A_154 = tpu.memref_slice %arg9[%arg0, %add3A_89, %dma_wait3A] : memref<2x10240x128xf32, #tpu.memory_space<hbm>> -> memref<1x32x128xf32, #tpu.memory_space<hbm>>
      %dma_wait3A_155 = tpu.memref_squeeze %dma_wait3A_154 : memref<1x32x128xf32, #tpu.memory_space<hbm>> -> memref<32x128xf32, #tpu.memory_space<hbm>>
      %dma_wait3A_156 = arith.constant 0 : i32
      %dma_wait3A_157 = tpu.memref_slice %arg24[%add3A_87, %dma_wait3A_156] : memref<10240x128xf32, #tpu.memory_space<vmem_shared>> -> memref<32x128xf32, #tpu.memory_space<vmem_shared>>
      tpu.wait_dma2 semaphore(%run_scoped3A : memref<!tpu.dma_semaphore, #tpu.memory_space<semaphore_mem>>) src(%dma_wait3A_157 : memref<32x128xf32, #tpu.memory_space<vmem_shared>>) dst(%dma_wait3A_155 : memref<32x128xf32, #tpu.memory_space<hbm>>)
      tpu.yield
    }) : () -> ()
    %add3A_90 = arith.constant 192 : i32
    %add3A_91 = arith.addi %mul3A_12, %add3A_90 : i32
    %add3A_92 = arith.constant 192 : i32
    %add3A_93 = arith.addi %mul3A_12, %add3A_92 : i32
    "tpu.region"() ({
      %run_scoped3A = tpu.sem_alloc : memref<!tpu.dma_semaphore, #tpu.memory_space<semaphore_mem>>
      %dma_start3A = arith.constant 0 : i32
      %dma_start3A_150 = tpu.memref_slice %arg9[%arg0, %add3A_93, %dma_start3A] : memref<2x10240x128xf32, #tpu.memory_space<hbm>> -> memref<1x32x128xf32, #tpu.memory_space<hbm>>
      %dma_start3A_151 = tpu.memref_squeeze %dma_start3A_150 : memref<1x32x128xf32, #tpu.memory_space<hbm>> -> memref<32x128xf32, #tpu.memory_space<hbm>>
      %dma_start3A_152 = arith.constant 0 : i32
      %dma_start3A_153 = tpu.memref_slice %arg24[%add3A_91, %dma_start3A_152] : memref<10240x128xf32, #tpu.memory_space<vmem_shared>> -> memref<32x128xf32, #tpu.memory_space<vmem_shared>>
      tpu.enqueue_dma source(%dma_start3A_153 : memref<32x128xf32, #tpu.memory_space<vmem_shared>>) target(%dma_start3A_151 : memref<32x128xf32, #tpu.memory_space<hbm>>) target_semaphore(%run_scoped3A : memref<!tpu.dma_semaphore, #tpu.memory_space<semaphore_mem>>)
      %dma_wait3A = arith.constant 0 : i32
      %dma_wait3A_154 = tpu.memref_slice %arg9[%arg0, %add3A_93, %dma_wait3A] : memref<2x10240x128xf32, #tpu.memory_space<hbm>> -> memref<1x32x128xf32, #tpu.memory_space<hbm>>
      %dma_wait3A_155 = tpu.memref_squeeze %dma_wait3A_154 : memref<1x32x128xf32, #tpu.memory_space<hbm>> -> memref<32x128xf32, #tpu.memory_space<hbm>>
      %dma_wait3A_156 = arith.constant 0 : i32
      %dma_wait3A_157 = tpu.memref_slice %arg24[%add3A_91, %dma_wait3A_156] : memref<10240x128xf32, #tpu.memory_space<vmem_shared>> -> memref<32x128xf32, #tpu.memory_space<vmem_shared>>
      tpu.wait_dma2 semaphore(%run_scoped3A : memref<!tpu.dma_semaphore, #tpu.memory_space<semaphore_mem>>) src(%dma_wait3A_157 : memref<32x128xf32, #tpu.memory_space<vmem_shared>>) dst(%dma_wait3A_155 : memref<32x128xf32, #tpu.memory_space<hbm>>)
      tpu.yield
    }) : () -> ()
    %add3A_94 = arith.constant 224 : i32
    %add3A_95 = arith.addi %mul3A_12, %add3A_94 : i32
    %add3A_96 = arith.constant 224 : i32
    %add3A_97 = arith.addi %mul3A_12, %add3A_96 : i32
    "tpu.region"() ({
      %run_scoped3A = tpu.sem_alloc : memref<!tpu.dma_semaphore, #tpu.memory_space<semaphore_mem>>
      %dma_start3A = arith.constant 0 : i32
      %dma_start3A_150 = tpu.memref_slice %arg9[%arg0, %add3A_97, %dma_start3A] : memref<2x10240x128xf32, #tpu.memory_space<hbm>> -> memref<1x32x128xf32, #tpu.memory_space<hbm>>
      %dma_start3A_151 = tpu.memref_squeeze %dma_start3A_150 : memref<1x32x128xf32, #tpu.memory_space<hbm>> -> memref<32x128xf32, #tpu.memory_space<hbm>>
      %dma_start3A_152 = arith.constant 0 : i32
      %dma_start3A_153 = tpu.memref_slice %arg24[%add3A_95, %dma_start3A_152] : memref<10240x128xf32, #tpu.memory_space<vmem_shared>> -> memref<32x128xf32, #tpu.memory_space<vmem_shared>>
      tpu.enqueue_dma source(%dma_start3A_153 : memref<32x128xf32, #tpu.memory_space<vmem_shared>>) target(%dma_start3A_151 : memref<32x128xf32, #tpu.memory_space<hbm>>) target_semaphore(%run_scoped3A : memref<!tpu.dma_semaphore, #tpu.memory_space<semaphore_mem>>)
      %dma_wait3A = arith.constant 0 : i32
      %dma_wait3A_154 = tpu.memref_slice %arg9[%arg0, %add3A_97, %dma_wait3A] : memref<2x10240x128xf32, #tpu.memory_space<hbm>> -> memref<1x32x128xf32, #tpu.memory_space<hbm>>
      %dma_wait3A_155 = tpu.memref_squeeze %dma_wait3A_154 : memref<1x32x128xf32, #tpu.memory_space<hbm>> -> memref<32x128xf32, #tpu.memory_space<hbm>>
      %dma_wait3A_156 = arith.constant 0 : i32
      %dma_wait3A_157 = tpu.memref_slice %arg24[%add3A_95, %dma_wait3A_156] : memref<10240x128xf32, #tpu.memory_space<vmem_shared>> -> memref<32x128xf32, #tpu.memory_space<vmem_shared>>
      tpu.wait_dma2 semaphore(%run_scoped3A : memref<!tpu.dma_semaphore, #tpu.memory_space<semaphore_mem>>) src(%dma_wait3A_157 : memref<32x128xf32, #tpu.memory_space<vmem_shared>>) dst(%dma_wait3A_155 : memref<32x128xf32, #tpu.memory_space<hbm>>)
      tpu.yield
    }) : () -> ()
    %add3A_98 = arith.constant 256 : i32
    %add3A_99 = arith.addi %mul3A_12, %add3A_98 : i32
    %add3A_100 = arith.constant 256 : i32
    %add3A_101 = arith.addi %mul3A_12, %add3A_100 : i32
    "tpu.region"() ({
      %run_scoped3A = tpu.sem_alloc : memref<!tpu.dma_semaphore, #tpu.memory_space<semaphore_mem>>
      %dma_start3A = arith.constant 0 : i32
      %dma_start3A_150 = tpu.memref_slice %arg9[%arg0, %add3A_101, %dma_start3A] : memref<2x10240x128xf32, #tpu.memory_space<hbm>> -> memref<1x32x128xf32, #tpu.memory_space<hbm>>
      %dma_start3A_151 = tpu.memref_squeeze %dma_start3A_150 : memref<1x32x128xf32, #tpu.memory_space<hbm>> -> memref<32x128xf32, #tpu.memory_space<hbm>>
      %dma_start3A_152 = arith.constant 0 : i32
      %dma_start3A_153 = tpu.memref_slice %arg24[%add3A_99, %dma_start3A_152] : memref<10240x128xf32, #tpu.memory_space<vmem_shared>> -> memref<32x128xf32, #tpu.memory_space<vmem_shared>>
      tpu.enqueue_dma source(%dma_start3A_153 : memref<32x128xf32, #tpu.memory_space<vmem_shared>>) target(%dma_start3A_151 : memref<32x128xf32, #tpu.memory_space<hbm>>) target_semaphore(%run_scoped3A : memref<!tpu.dma_semaphore, #tpu.memory_space<semaphore_mem>>)
      %dma_wait3A = arith.constant 0 : i32
      %dma_wait3A_154 = tpu.memref_slice %arg9[%arg0, %add3A_101, %dma_wait3A] : memref<2x10240x128xf32, #tpu.memory_space<hbm>> -> memref<1x32x128xf32, #tpu.memory_space<hbm>>
      %dma_wait3A_155 = tpu.memref_squeeze %dma_wait3A_154 : memref<1x32x128xf32, #tpu.memory_space<hbm>> -> memref<32x128xf32, #tpu.memory_space<hbm>>
      %dma_wait3A_156 = arith.constant 0 : i32
      %dma_wait3A_157 = tpu.memref_slice %arg24[%add3A_99, %dma_wait3A_156] : memref<10240x128xf32, #tpu.memory_space<vmem_shared>> -> memref<32x128xf32, #tpu.memory_space<vmem_shared>>
      tpu.wait_dma2 semaphore(%run_scoped3A : memref<!tpu.dma_semaphore, #tpu.memory_space<semaphore_mem>>) src(%dma_wait3A_157 : memref<32x128xf32, #tpu.memory_space<vmem_shared>>) dst(%dma_wait3A_155 : memref<32x128xf32, #tpu.memory_space<hbm>>)
      tpu.yield
    }) : () -> ()
    %add3A_102 = arith.constant 288 : i32
    %add3A_103 = arith.addi %mul3A_12, %add3A_102 : i32
    %add3A_104 = arith.constant 288 : i32
    %add3A_105 = arith.addi %mul3A_12, %add3A_104 : i32
    "tpu.region"() ({
      %run_scoped3A = tpu.sem_alloc : memref<!tpu.dma_semaphore, #tpu.memory_space<semaphore_mem>>
      %dma_start3A = arith.constant 0 : i32
      %dma_start3A_150 = tpu.memref_slice %arg9[%arg0, %add3A_105, %dma_start3A] : memref<2x10240x128xf32, #tpu.memory_space<hbm>> -> memref<1x32x128xf32, #tpu.memory_space<hbm>>
      %dma_start3A_151 = tpu.memref_squeeze %dma_start3A_150 : memref<1x32x128xf32, #tpu.memory_space<hbm>> -> memref<32x128xf32, #tpu.memory_space<hbm>>
      %dma_start3A_152 = arith.constant 0 : i32
      %dma_start3A_153 = tpu.memref_slice %arg24[%add3A_103, %dma_start3A_152] : memref<10240x128xf32, #tpu.memory_space<vmem_shared>> -> memref<32x128xf32, #tpu.memory_space<vmem_shared>>
      tpu.enqueue_dma source(%dma_start3A_153 : memref<32x128xf32, #tpu.memory_space<vmem_shared>>) target(%dma_start3A_151 : memref<32x128xf32, #tpu.memory_space<hbm>>) target_semaphore(%run_scoped3A : memref<!tpu.dma_semaphore, #tpu.memory_space<semaphore_mem>>)
      %dma_wait3A = arith.constant 0 : i32
      %dma_wait3A_154 = tpu.memref_slice %arg9[%arg0, %add3A_105, %dma_wait3A] : memref<2x10240x128xf32, #tpu.memory_space<hbm>> -> memref<1x32x128xf32, #tpu.memory_space<hbm>>
      %dma_wait3A_155 = tpu.memref_squeeze %dma_wait3A_154 : memref<1x32x128xf32, #tpu.memory_space<hbm>> -> memref<32x128xf32, #tpu.memory_space<hbm>>
      %dma_wait3A_156 = arith.constant 0 : i32
      %dma_wait3A_157 = tpu.memref_slice %arg24[%add3A_103, %dma_wait3A_156] : memref<10240x128xf32, #tpu.memory_space<vmem_shared>> -> memref<32x128xf32, #tpu.memory_space<vmem_shared>>
      tpu.wait_dma2 semaphore(%run_scoped3A : memref<!tpu.dma_semaphore, #tpu.memory_space<semaphore_mem>>) src(%dma_wait3A_157 : memref<32x128xf32, #tpu.memory_space<vmem_shared>>) dst(%dma_wait3A_155 : memref<32x128xf32, #tpu.memory_space<hbm>>)
      tpu.yield
    }) : () -> ()
    %add3A_106 = arith.constant 320 : i32
    %add3A_107 = arith.addi %mul3A_12, %add3A_106 : i32
    %add3A_108 = arith.constant 320 : i32
    %add3A_109 = arith.addi %mul3A_12, %add3A_108 : i32
    "tpu.region"() ({
      %run_scoped3A = tpu.sem_alloc : memref<!tpu.dma_semaphore, #tpu.memory_space<semaphore_mem>>
      %dma_start3A = arith.constant 0 : i32
      %dma_start3A_150 = tpu.memref_slice %arg9[%arg0, %add3A_109, %dma_start3A] : memref<2x10240x128xf32, #tpu.memory_space<hbm>> -> memref<1x32x128xf32, #tpu.memory_space<hbm>>
      %dma_start3A_151 = tpu.memref_squeeze %dma_start3A_150 : memref<1x32x128xf32, #tpu.memory_space<hbm>> -> memref<32x128xf32, #tpu.memory_space<hbm>>
      %dma_start3A_152 = arith.constant 0 : i32
      %dma_start3A_153 = tpu.memref_slice %arg24[%add3A_107, %dma_start3A_152] : memref<10240x128xf32, #tpu.memory_space<vmem_shared>> -> memref<32x128xf32, #tpu.memory_space<vmem_shared>>
      tpu.enqueue_dma source(%dma_start3A_153 : memref<32x128xf32, #tpu.memory_space<vmem_shared>>) target(%dma_start3A_151 : memref<32x128xf32, #tpu.memory_space<hbm>>) target_semaphore(%run_scoped3A : memref<!tpu.dma_semaphore, #tpu.memory_space<semaphore_mem>>)
      %dma_wait3A = arith.constant 0 : i32
      %dma_wait3A_154 = tpu.memref_slice %arg9[%arg0, %add3A_109, %dma_wait3A] : memref<2x10240x128xf32, #tpu.memory_space<hbm>> -> memref<1x32x128xf32, #tpu.memory_space<hbm>>
      %dma_wait3A_155 = tpu.memref_squeeze %dma_wait3A_154 : memref<1x32x128xf32, #tpu.memory_space<hbm>> -> memref<32x128xf32, #tpu.memory_space<hbm>>
      %dma_wait3A_156 = arith.constant 0 : i32
      %dma_wait3A_157 = tpu.memref_slice %arg24[%add3A_107, %dma_wait3A_156] : memref<10240x128xf32, #tpu.memory_space<vmem_shared>> -> memref<32x128xf32, #tpu.memory_space<vmem_shared>>
      tpu.wait_dma2 semaphore(%run_scoped3A : memref<!tpu.dma_semaphore, #tpu.memory_space<semaphore_mem>>) src(%dma_wait3A_157 : memref<32x128xf32, #tpu.memory_space<vmem_shared>>) dst(%dma_wait3A_155 : memref<32x128xf32, #tpu.memory_space<hbm>>)
      tpu.yield
    }) : () -> ()
    %add3A_110 = arith.constant 352 : i32
    %add3A_111 = arith.addi %mul3A_12, %add3A_110 : i32
    %add3A_112 = arith.constant 352 : i32
    %add3A_113 = arith.addi %mul3A_12, %add3A_112 : i32
    "tpu.region"() ({
      %run_scoped3A = tpu.sem_alloc : memref<!tpu.dma_semaphore, #tpu.memory_space<semaphore_mem>>
      %dma_start3A = arith.constant 0 : i32
      %dma_start3A_150 = tpu.memref_slice %arg9[%arg0, %add3A_113, %dma_start3A] : memref<2x10240x128xf32, #tpu.memory_space<hbm>> -> memref<1x32x128xf32, #tpu.memory_space<hbm>>
      %dma_start3A_151 = tpu.memref_squeeze %dma_start3A_150 : memref<1x32x128xf32, #tpu.memory_space<hbm>> -> memref<32x128xf32, #tpu.memory_space<hbm>>
      %dma_start3A_152 = arith.constant 0 : i32
      %dma_start3A_153 = tpu.memref_slice %arg24[%add3A_111, %dma_start3A_152] : memref<10240x128xf32, #tpu.memory_space<vmem_shared>> -> memref<32x128xf32, #tpu.memory_space<vmem_shared>>
      tpu.enqueue_dma source(%dma_start3A_153 : memref<32x128xf32, #tpu.memory_space<vmem_shared>>) target(%dma_start3A_151 : memref<32x128xf32, #tpu.memory_space<hbm>>) target_semaphore(%run_scoped3A : memref<!tpu.dma_semaphore, #tpu.memory_space<semaphore_mem>>)
      %dma_wait3A = arith.constant 0 : i32
      %dma_wait3A_154 = tpu.memref_slice %arg9[%arg0, %add3A_113, %dma_wait3A] : memref<2x10240x128xf32, #tpu.memory_space<hbm>> -> memref<1x32x128xf32, #tpu.memory_space<hbm>>
      %dma_wait3A_155 = tpu.memref_squeeze %dma_wait3A_154 : memref<1x32x128xf32, #tpu.memory_space<hbm>> -> memref<32x128xf32, #tpu.memory_space<hbm>>
      %dma_wait3A_156 = arith.constant 0 : i32
      %dma_wait3A_157 = tpu.memref_slice %arg24[%add3A_111, %dma_wait3A_156] : memref<10240x128xf32, #tpu.memory_space<vmem_shared>> -> memref<32x128xf32, #tpu.memory_space<vmem_shared>>
      tpu.wait_dma2 semaphore(%run_scoped3A : memref<!tpu.dma_semaphore, #tpu.memory_space<semaphore_mem>>) src(%dma_wait3A_157 : memref<32x128xf32, #tpu.memory_space<vmem_shared>>) dst(%dma_wait3A_155 : memref<32x128xf32, #tpu.memory_space<hbm>>)
      tpu.yield
    }) : () -> ()
    %add3A_114 = arith.constant 384 : i32
    %add3A_115 = arith.addi %mul3A_12, %add3A_114 : i32
    %add3A_116 = arith.constant 384 : i32
    %add3A_117 = arith.addi %mul3A_12, %add3A_116 : i32
    "tpu.region"() ({
      %run_scoped3A = tpu.sem_alloc : memref<!tpu.dma_semaphore, #tpu.memory_space<semaphore_mem>>
      %dma_start3A = arith.constant 0 : i32
      %dma_start3A_150 = tpu.memref_slice %arg9[%arg0, %add3A_117, %dma_start3A] : memref<2x10240x128xf32, #tpu.memory_space<hbm>> -> memref<1x32x128xf32, #tpu.memory_space<hbm>>
      %dma_start3A_151 = tpu.memref_squeeze %dma_start3A_150 : memref<1x32x128xf32, #tpu.memory_space<hbm>> -> memref<32x128xf32, #tpu.memory_space<hbm>>
      %dma_start3A_152 = arith.constant 0 : i32
      %dma_start3A_153 = tpu.memref_slice %arg24[%add3A_115, %dma_start3A_152] : memref<10240x128xf32, #tpu.memory_space<vmem_shared>> -> memref<32x128xf32, #tpu.memory_space<vmem_shared>>
      tpu.enqueue_dma source(%dma_start3A_153 : memref<32x128xf32, #tpu.memory_space<vmem_shared>>) target(%dma_start3A_151 : memref<32x128xf32, #tpu.memory_space<hbm>>) target_semaphore(%run_scoped3A : memref<!tpu.dma_semaphore, #tpu.memory_space<semaphore_mem>>)
      %dma_wait3A = arith.constant 0 : i32
      %dma_wait3A_154 = tpu.memref_slice %arg9[%arg0, %add3A_117, %dma_wait3A] : memref<2x10240x128xf32, #tpu.memory_space<hbm>> -> memref<1x32x128xf32, #tpu.memory_space<hbm>>
      %dma_wait3A_155 = tpu.memref_squeeze %dma_wait3A_154 : memref<1x32x128xf32, #tpu.memory_space<hbm>> -> memref<32x128xf32, #tpu.memory_space<hbm>>
      %dma_wait3A_156 = arith.constant 0 : i32
      %dma_wait3A_157 = tpu.memref_slice %arg24[%add3A_115, %dma_wait3A_156] : memref<10240x128xf32, #tpu.memory_space<vmem_shared>> -> memref<32x128xf32, #tpu.memory_space<vmem_shared>>
      tpu.wait_dma2 semaphore(%run_scoped3A : memref<!tpu.dma_semaphore, #tpu.memory_space<semaphore_mem>>) src(%dma_wait3A_157 : memref<32x128xf32, #tpu.memory_space<vmem_shared>>) dst(%dma_wait3A_155 : memref<32x128xf32, #tpu.memory_space<hbm>>)
      tpu.yield
    }) : () -> ()
    %add3A_118 = arith.constant 416 : i32
    %add3A_119 = arith.addi %mul3A_12, %add3A_118 : i32
    %add3A_120 = arith.constant 416 : i32
    %add3A_121 = arith.addi %mul3A_12, %add3A_120 : i32
    "tpu.region"() ({
      %run_scoped3A = tpu.sem_alloc : memref<!tpu.dma_semaphore, #tpu.memory_space<semaphore_mem>>
      %dma_start3A = arith.constant 0 : i32
      %dma_start3A_150 = tpu.memref_slice %arg9[%arg0, %add3A_121, %dma_start3A] : memref<2x10240x128xf32, #tpu.memory_space<hbm>> -> memref<1x32x128xf32, #tpu.memory_space<hbm>>
      %dma_start3A_151 = tpu.memref_squeeze %dma_start3A_150 : memref<1x32x128xf32, #tpu.memory_space<hbm>> -> memref<32x128xf32, #tpu.memory_space<hbm>>
      %dma_start3A_152 = arith.constant 0 : i32
      %dma_start3A_153 = tpu.memref_slice %arg24[%add3A_119, %dma_start3A_152] : memref<10240x128xf32, #tpu.memory_space<vmem_shared>> -> memref<32x128xf32, #tpu.memory_space<vmem_shared>>
      tpu.enqueue_dma source(%dma_start3A_153 : memref<32x128xf32, #tpu.memory_space<vmem_shared>>) target(%dma_start3A_151 : memref<32x128xf32, #tpu.memory_space<hbm>>) target_semaphore(%run_scoped3A : memref<!tpu.dma_semaphore, #tpu.memory_space<semaphore_mem>>)
      %dma_wait3A = arith.constant 0 : i32
      %dma_wait3A_154 = tpu.memref_slice %arg9[%arg0, %add3A_121, %dma_wait3A] : memref<2x10240x128xf32, #tpu.memory_space<hbm>> -> memref<1x32x128xf32, #tpu.memory_space<hbm>>
      %dma_wait3A_155 = tpu.memref_squeeze %dma_wait3A_154 : memref<1x32x128xf32, #tpu.memory_space<hbm>> -> memref<32x128xf32, #tpu.memory_space<hbm>>
      %dma_wait3A_156 = arith.constant 0 : i32
      %dma_wait3A_157 = tpu.memref_slice %arg24[%add3A_119, %dma_wait3A_156] : memref<10240x128xf32, #tpu.memory_space<vmem_shared>> -> memref<32x128xf32, #tpu.memory_space<vmem_shared>>
      tpu.wait_dma2 semaphore(%run_scoped3A : memref<!tpu.dma_semaphore, #tpu.memory_space<semaphore_mem>>) src(%dma_wait3A_157 : memref<32x128xf32, #tpu.memory_space<vmem_shared>>) dst(%dma_wait3A_155 : memref<32x128xf32, #tpu.memory_space<hbm>>)
      tpu.yield
    }) : () -> ()
    %add3A_122 = arith.constant 448 : i32
    %add3A_123 = arith.addi %mul3A_12, %add3A_122 : i32
    %add3A_124 = arith.constant 448 : i32
    %add3A_125 = arith.addi %mul3A_12, %add3A_124 : i32
    "tpu.region"() ({
      %run_scoped3A = tpu.sem_alloc : memref<!tpu.dma_semaphore, #tpu.memory_space<semaphore_mem>>
      %dma_start3A = arith.constant 0 : i32
      %dma_start3A_150 = tpu.memref_slice %arg9[%arg0, %add3A_125, %dma_start3A] : memref<2x10240x128xf32, #tpu.memory_space<hbm>> -> memref<1x32x128xf32, #tpu.memory_space<hbm>>
      %dma_start3A_151 = tpu.memref_squeeze %dma_start3A_150 : memref<1x32x128xf32, #tpu.memory_space<hbm>> -> memref<32x128xf32, #tpu.memory_space<hbm>>
      %dma_start3A_152 = arith.constant 0 : i32
      %dma_start3A_153 = tpu.memref_slice %arg24[%add3A_123, %dma_start3A_152] : memref<10240x128xf32, #tpu.memory_space<vmem_shared>> -> memref<32x128xf32, #tpu.memory_space<vmem_shared>>
      tpu.enqueue_dma source(%dma_start3A_153 : memref<32x128xf32, #tpu.memory_space<vmem_shared>>) target(%dma_start3A_151 : memref<32x128xf32, #tpu.memory_space<hbm>>) target_semaphore(%run_scoped3A : memref<!tpu.dma_semaphore, #tpu.memory_space<semaphore_mem>>)
      %dma_wait3A = arith.constant 0 : i32
      %dma_wait3A_154 = tpu.memref_slice %arg9[%arg0, %add3A_125, %dma_wait3A] : memref<2x10240x128xf32, #tpu.memory_space<hbm>> -> memref<1x32x128xf32, #tpu.memory_space<hbm>>
      %dma_wait3A_155 = tpu.memref_squeeze %dma_wait3A_154 : memref<1x32x128xf32, #tpu.memory_space<hbm>> -> memref<32x128xf32, #tpu.memory_space<hbm>>
      %dma_wait3A_156 = arith.constant 0 : i32
      %dma_wait3A_157 = tpu.memref_slice %arg24[%add3A_123, %dma_wait3A_156] : memref<10240x128xf32, #tpu.memory_space<vmem_shared>> -> memref<32x128xf32, #tpu.memory_space<vmem_shared>>
      tpu.wait_dma2 semaphore(%run_scoped3A : memref<!tpu.dma_semaphore, #tpu.memory_space<semaphore_mem>>) src(%dma_wait3A_157 : memref<32x128xf32, #tpu.memory_space<vmem_shared>>) dst(%dma_wait3A_155 : memref<32x128xf32, #tpu.memory_space<hbm>>)
      tpu.yield
    }) : () -> ()
    %add3A_126 = arith.constant 480 : i32
    %add3A_127 = arith.addi %mul3A_12, %add3A_126 : i32
    %add3A_128 = arith.constant 480 : i32
    %add3A_129 = arith.addi %mul3A_12, %add3A_128 : i32
    "tpu.region"() ({
      %run_scoped3A = tpu.sem_alloc : memref<!tpu.dma_semaphore, #tpu.memory_space<semaphore_mem>>
      %dma_start3A = arith.constant 0 : i32
      %dma_start3A_150 = tpu.memref_slice %arg9[%arg0, %add3A_129, %dma_start3A] : memref<2x10240x128xf32, #tpu.memory_space<hbm>> -> memref<1x32x128xf32, #tpu.memory_space<hbm>>
      %dma_start3A_151 = tpu.memref_squeeze %dma_start3A_150 : memref<1x32x128xf32, #tpu.memory_space<hbm>> -> memref<32x128xf32, #tpu.memory_space<hbm>>
      %dma_start3A_152 = arith.constant 0 : i32
      %dma_start3A_153 = tpu.memref_slice %arg24[%add3A_127, %dma_start3A_152] : memref<10240x128xf32, #tpu.memory_space<vmem_shared>> -> memref<32x128xf32, #tpu.memory_space<vmem_shared>>
      tpu.enqueue_dma source(%dma_start3A_153 : memref<32x128xf32, #tpu.memory_space<vmem_shared>>) target(%dma_start3A_151 : memref<32x128xf32, #tpu.memory_space<hbm>>) target_semaphore(%run_scoped3A : memref<!tpu.dma_semaphore, #tpu.memory_space<semaphore_mem>>)
      %dma_wait3A = arith.constant 0 : i32
      %dma_wait3A_154 = tpu.memref_slice %arg9[%arg0, %add3A_129, %dma_wait3A] : memref<2x10240x128xf32, #tpu.memory_space<hbm>> -> memref<1x32x128xf32, #tpu.memory_space<hbm>>
      %dma_wait3A_155 = tpu.memref_squeeze %dma_wait3A_154 : memref<1x32x128xf32, #tpu.memory_space<hbm>> -> memref<32x128xf32, #tpu.memory_space<hbm>>
      %dma_wait3A_156 = arith.constant 0 : i32
      %dma_wait3A_157 = tpu.memref_slice %arg24[%add3A_127, %dma_wait3A_156] : memref<10240x128xf32, #tpu.memory_space<vmem_shared>> -> memref<32x128xf32, #tpu.memory_space<vmem_shared>>
      tpu.wait_dma2 semaphore(%run_scoped3A : memref<!tpu.dma_semaphore, #tpu.memory_space<semaphore_mem>>) src(%dma_wait3A_157 : memref<32x128xf32, #tpu.memory_space<vmem_shared>>) dst(%dma_wait3A_155 : memref<32x128xf32, #tpu.memory_space<hbm>>)
      tpu.yield
    }) : () -> ()
    %add3A_130 = arith.constant 512 : i32
    %add3A_131 = arith.addi %mul3A_12, %add3A_130 : i32
    %add3A_132 = arith.constant 512 : i32
    %add3A_133 = arith.addi %mul3A_12, %add3A_132 : i32
    "tpu.region"() ({
      %run_scoped3A = tpu.sem_alloc : memref<!tpu.dma_semaphore, #tpu.memory_space<semaphore_mem>>
      %dma_start3A = arith.constant 0 : i32
      %dma_start3A_150 = tpu.memref_slice %arg9[%arg0, %add3A_133, %dma_start3A] : memref<2x10240x128xf32, #tpu.memory_space<hbm>> -> memref<1x32x128xf32, #tpu.memory_space<hbm>>
      %dma_start3A_151 = tpu.memref_squeeze %dma_start3A_150 : memref<1x32x128xf32, #tpu.memory_space<hbm>> -> memref<32x128xf32, #tpu.memory_space<hbm>>
      %dma_start3A_152 = arith.constant 0 : i32
      %dma_start3A_153 = tpu.memref_slice %arg24[%add3A_131, %dma_start3A_152] : memref<10240x128xf32, #tpu.memory_space<vmem_shared>> -> memref<32x128xf32, #tpu.memory_space<vmem_shared>>
      tpu.enqueue_dma source(%dma_start3A_153 : memref<32x128xf32, #tpu.memory_space<vmem_shared>>) target(%dma_start3A_151 : memref<32x128xf32, #tpu.memory_space<hbm>>) target_semaphore(%run_scoped3A : memref<!tpu.dma_semaphore, #tpu.memory_space<semaphore_mem>>)
      %dma_wait3A = arith.constant 0 : i32
      %dma_wait3A_154 = tpu.memref_slice %arg9[%arg0, %add3A_133, %dma_wait3A] : memref<2x10240x128xf32, #tpu.memory_space<hbm>> -> memref<1x32x128xf32, #tpu.memory_space<hbm>>
      %dma_wait3A_155 = tpu.memref_squeeze %dma_wait3A_154 : memref<1x32x128xf32, #tpu.memory_space<hbm>> -> memref<32x128xf32, #tpu.memory_space<hbm>>
      %dma_wait3A_156 = arith.constant 0 : i32
      %dma_wait3A_157 = tpu.memref_slice %arg24[%add3A_131, %dma_wait3A_156] : memref<10240x128xf32, #tpu.memory_space<vmem_shared>> -> memref<32x128xf32, #tpu.memory_space<vmem_shared>>
      tpu.wait_dma2 semaphore(%run_scoped3A : memref<!tpu.dma_semaphore, #tpu.memory_space<semaphore_mem>>) src(%dma_wait3A_157 : memref<32x128xf32, #tpu.memory_space<vmem_shared>>) dst(%dma_wait3A_155 : memref<32x128xf32, #tpu.memory_space<hbm>>)
      tpu.yield
    }) : () -> ()
    %add3A_134 = arith.constant 544 : i32
    %add3A_135 = arith.addi %mul3A_12, %add3A_134 : i32
    %add3A_136 = arith.constant 544 : i32
    %add3A_137 = arith.addi %mul3A_12, %add3A_136 : i32
    "tpu.region"() ({
      %run_scoped3A = tpu.sem_alloc : memref<!tpu.dma_semaphore, #tpu.memory_space<semaphore_mem>>
      %dma_start3A = arith.constant 0 : i32
      %dma_start3A_150 = tpu.memref_slice %arg9[%arg0, %add3A_137, %dma_start3A] : memref<2x10240x128xf32, #tpu.memory_space<hbm>> -> memref<1x32x128xf32, #tpu.memory_space<hbm>>
      %dma_start3A_151 = tpu.memref_squeeze %dma_start3A_150 : memref<1x32x128xf32, #tpu.memory_space<hbm>> -> memref<32x128xf32, #tpu.memory_space<hbm>>
      %dma_start3A_152 = arith.constant 0 : i32
      %dma_start3A_153 = tpu.memref_slice %arg24[%add3A_135, %dma_start3A_152] : memref<10240x128xf32, #tpu.memory_space<vmem_shared>> -> memref<32x128xf32, #tpu.memory_space<vmem_shared>>
      tpu.enqueue_dma source(%dma_start3A_153 : memref<32x128xf32, #tpu.memory_space<vmem_shared>>) target(%dma_start3A_151 : memref<32x128xf32, #tpu.memory_space<hbm>>) target_semaphore(%run_scoped3A : memref<!tpu.dma_semaphore, #tpu.memory_space<semaphore_mem>>)
      %dma_wait3A = arith.constant 0 : i32
      %dma_wait3A_154 = tpu.memref_slice %arg9[%arg0, %add3A_137, %dma_wait3A] : memref<2x10240x128xf32, #tpu.memory_space<hbm>> -> memref<1x32x128xf32, #tpu.memory_space<hbm>>
      %dma_wait3A_155 = tpu.memref_squeeze %dma_wait3A_154 : memref<1x32x128xf32, #tpu.memory_space<hbm>> -> memref<32x128xf32, #tpu.memory_space<hbm>>
      %dma_wait3A_156 = arith.constant 0 : i32
      %dma_wait3A_157 = tpu.memref_slice %arg24[%add3A_135, %dma_wait3A_156] : memref<10240x128xf32, #tpu.memory_space<vmem_shared>> -> memref<32x128xf32, #tpu.memory_space<vmem_shared>>
      tpu.wait_dma2 semaphore(%run_scoped3A : memref<!tpu.dma_semaphore, #tpu.memory_space<semaphore_mem>>) src(%dma_wait3A_157 : memref<32x128xf32, #tpu.memory_space<vmem_shared>>) dst(%dma_wait3A_155 : memref<32x128xf32, #tpu.memory_space<hbm>>)
      tpu.yield
    }) : () -> ()
    %add3A_138 = arith.constant 576 : i32
    %add3A_139 = arith.addi %mul3A_12, %add3A_138 : i32
    %add3A_140 = arith.constant 576 : i32
    %add3A_141 = arith.addi %mul3A_12, %add3A_140 : i32
    "tpu.region"() ({
      %run_scoped3A = tpu.sem_alloc : memref<!tpu.dma_semaphore, #tpu.memory_space<semaphore_mem>>
      %dma_start3A = arith.constant 0 : i32
      %dma_start3A_150 = tpu.memref_slice %arg9[%arg0, %add3A_141, %dma_start3A] : memref<2x10240x128xf32, #tpu.memory_space<hbm>> -> memref<1x32x128xf32, #tpu.memory_space<hbm>>
      %dma_start3A_151 = tpu.memref_squeeze %dma_start3A_150 : memref<1x32x128xf32, #tpu.memory_space<hbm>> -> memref<32x128xf32, #tpu.memory_space<hbm>>
      %dma_start3A_152 = arith.constant 0 : i32
      %dma_start3A_153 = tpu.memref_slice %arg24[%add3A_139, %dma_start3A_152] : memref<10240x128xf32, #tpu.memory_space<vmem_shared>> -> memref<32x128xf32, #tpu.memory_space<vmem_shared>>
      tpu.enqueue_dma source(%dma_start3A_153 : memref<32x128xf32, #tpu.memory_space<vmem_shared>>) target(%dma_start3A_151 : memref<32x128xf32, #tpu.memory_space<hbm>>) target_semaphore(%run_scoped3A : memref<!tpu.dma_semaphore, #tpu.memory_space<semaphore_mem>>)
      %dma_wait3A = arith.constant 0 : i32
      %dma_wait3A_154 = tpu.memref_slice %arg9[%arg0, %add3A_141, %dma_wait3A] : memref<2x10240x128xf32, #tpu.memory_space<hbm>> -> memref<1x32x128xf32, #tpu.memory_space<hbm>>
      %dma_wait3A_155 = tpu.memref_squeeze %dma_wait3A_154 : memref<1x32x128xf32, #tpu.memory_space<hbm>> -> memref<32x128xf32, #tpu.memory_space<hbm>>
      %dma_wait3A_156 = arith.constant 0 : i32
      %dma_wait3A_157 = tpu.memref_slice %arg24[%add3A_139, %dma_wait3A_156] : memref<10240x128xf32, #tpu.memory_space<vmem_shared>> -> memref<32x128xf32, #tpu.memory_space<vmem_shared>>
      tpu.wait_dma2 semaphore(%run_scoped3A : memref<!tpu.dma_semaphore, #tpu.memory_space<semaphore_mem>>) src(%dma_wait3A_157 : memref<32x128xf32, #tpu.memory_space<vmem_shared>>) dst(%dma_wait3A_155 : memref<32x128xf32, #tpu.memory_space<hbm>>)
      tpu.yield
    }) : () -> ()
    %add3A_142 = arith.constant 608 : i32
    %add3A_143 = arith.addi %mul3A_12, %add3A_142 : i32
    %add3A_144 = arith.constant 608 : i32
    %add3A_145 = arith.addi %mul3A_12, %add3A_144 : i32
    "tpu.region"() ({
      %run_scoped3A = tpu.sem_alloc : memref<!tpu.dma_semaphore, #tpu.memory_space<semaphore_mem>>
      %dma_start3A = arith.constant 0 : i32
      %dma_start3A_150 = tpu.memref_slice %arg9[%arg0, %add3A_145, %dma_start3A] : memref<2x10240x128xf32, #tpu.memory_space<hbm>> -> memref<1x32x128xf32, #tpu.memory_space<hbm>>
      %dma_start3A_151 = tpu.memref_squeeze %dma_start3A_150 : memref<1x32x128xf32, #tpu.memory_space<hbm>> -> memref<32x128xf32, #tpu.memory_space<hbm>>
      %dma_start3A_152 = arith.constant 0 : i32
      %dma_start3A_153 = tpu.memref_slice %arg24[%add3A_143, %dma_start3A_152] : memref<10240x128xf32, #tpu.memory_space<vmem_shared>> -> memref<32x128xf32, #tpu.memory_space<vmem_shared>>
      tpu.enqueue_dma source(%dma_start3A_153 : memref<32x128xf32, #tpu.memory_space<vmem_shared>>) target(%dma_start3A_151 : memref<32x128xf32, #tpu.memory_space<hbm>>) target_semaphore(%run_scoped3A : memref<!tpu.dma_semaphore, #tpu.memory_space<semaphore_mem>>)
      %dma_wait3A = arith.constant 0 : i32
      %dma_wait3A_154 = tpu.memref_slice %arg9[%arg0, %add3A_145, %dma_wait3A] : memref<2x10240x128xf32, #tpu.memory_space<hbm>> -> memref<1x32x128xf32, #tpu.memory_space<hbm>>
      %dma_wait3A_155 = tpu.memref_squeeze %dma_wait3A_154 : memref<1x32x128xf32, #tpu.memory_space<hbm>> -> memref<32x128xf32, #tpu.memory_space<hbm>>
      %dma_wait3A_156 = arith.constant 0 : i32
      %dma_wait3A_157 = tpu.memref_slice %arg24[%add3A_143, %dma_wait3A_156] : memref<10240x128xf32, #tpu.memory_space<vmem_shared>> -> memref<32x128xf32, #tpu.memory_space<vmem_shared>>
      tpu.wait_dma2 semaphore(%run_scoped3A : memref<!tpu.dma_semaphore, #tpu.memory_space<semaphore_mem>>) src(%dma_wait3A_157 : memref<32x128xf32, #tpu.memory_space<vmem_shared>>) dst(%dma_wait3A_155 : memref<32x128xf32, #tpu.memory_space<hbm>>)
      tpu.yield
    }) : () -> ()
    "tpu.region"() ({
      %run_scoped3A = tpu.sem_alloc : memref<!tpu.dma_semaphore, #tpu.memory_space<semaphore_mem>>
      %dma_start3A = arith.constant 0 : i32
      %dma_start3A_150 = tpu.memref_slice %arg10[%arg0, %mul3A_54, %dma_start3A] : memref<2x640x16xf32, #tpu.memory_space<hbm>> -> memref<1x32x16xf32, #tpu.memory_space<hbm>>
      %dma_start3A_151 = tpu.memref_squeeze %dma_start3A_150 : memref<1x32x16xf32, #tpu.memory_space<hbm>> -> memref<32x16xf32, #tpu.memory_space<hbm>>
      %dma_start3A_152 = arith.constant 0 : i32
      %dma_start3A_153 = tpu.memref_slice %arg25[%mul3A_54, %dma_start3A_152] : memref<640x16xf32, #tpu.memory_space<vmem_shared>> -> memref<32x16xf32, #tpu.memory_space<vmem_shared>>
      tpu.enqueue_dma source(%dma_start3A_153 : memref<32x16xf32, #tpu.memory_space<vmem_shared>>) target(%dma_start3A_151 : memref<32x16xf32, #tpu.memory_space<hbm>>) target_semaphore(%run_scoped3A : memref<!tpu.dma_semaphore, #tpu.memory_space<semaphore_mem>>)
      %dma_wait3A = arith.constant 0 : i32
      %dma_wait3A_154 = tpu.memref_slice %arg10[%arg0, %mul3A_54, %dma_wait3A] : memref<2x640x16xf32, #tpu.memory_space<hbm>> -> memref<1x32x16xf32, #tpu.memory_space<hbm>>
      %dma_wait3A_155 = tpu.memref_squeeze %dma_wait3A_154 : memref<1x32x16xf32, #tpu.memory_space<hbm>> -> memref<32x16xf32, #tpu.memory_space<hbm>>
      %dma_wait3A_156 = arith.constant 0 : i32
      %dma_wait3A_157 = tpu.memref_slice %arg25[%mul3A_54, %dma_wait3A_156] : memref<640x16xf32, #tpu.memory_space<vmem_shared>> -> memref<32x16xf32, #tpu.memory_space<vmem_shared>>
      tpu.wait_dma2 semaphore(%run_scoped3A : memref<!tpu.dma_semaphore, #tpu.memory_space<semaphore_mem>>) src(%dma_wait3A_157 : memref<32x16xf32, #tpu.memory_space<vmem_shared>>) dst(%dma_wait3A_155 : memref<32x16xf32, #tpu.memory_space<hbm>>)
      tpu.yield
    }) : () -> ()
    %add3A_146 = arith.constant 32 : i32
    %add3A_147 = arith.addi %mul3A_54, %add3A_146 : i32
    %add3A_148 = arith.constant 32 : i32
    %add3A_149 = arith.addi %mul3A_54, %add3A_148 : i32
    "tpu.region"() ({
      %run_scoped3A = tpu.sem_alloc : memref<!tpu.dma_semaphore, #tpu.memory_space<semaphore_mem>>
      %dma_start3A = arith.constant 0 : i32
      %dma_start3A_150 = tpu.memref_slice %arg10[%arg0, %add3A_149, %dma_start3A] : memref<2x640x16xf32, #tpu.memory_space<hbm>> -> memref<1x8x16xf32, #tpu.memory_space<hbm>>
      %dma_start3A_151 = tpu.memref_squeeze %dma_start3A_150 : memref<1x8x16xf32, #tpu.memory_space<hbm>> -> memref<8x16xf32, #tpu.memory_space<hbm>>
      %dma_start3A_152 = arith.constant 0 : i32
      %dma_start3A_153 = tpu.memref_slice %arg25[%add3A_147, %dma_start3A_152] : memref<640x16xf32, #tpu.memory_space<vmem_shared>> -> memref<8x16xf32, #tpu.memory_space<vmem_shared>>
      tpu.enqueue_dma source(%dma_start3A_153 : memref<8x16xf32, #tpu.memory_space<vmem_shared>>) target(%dma_start3A_151 : memref<8x16xf32, #tpu.memory_space<hbm>>) target_semaphore(%run_scoped3A : memref<!tpu.dma_semaphore, #tpu.memory_space<semaphore_mem>>)
      %dma_wait3A = arith.constant 0 : i32
      %dma_wait3A_154 = tpu.memref_slice %arg10[%arg0, %add3A_149, %dma_wait3A] : memref<2x640x16xf32, #tpu.memory_space<hbm>> -> memref<1x8x16xf32, #tpu.memory_space<hbm>>
      %dma_wait3A_155 = tpu.memref_squeeze %dma_wait3A_154 : memref<1x8x16xf32, #tpu.memory_space<hbm>> -> memref<8x16xf32, #tpu.memory_space<hbm>>
      %dma_wait3A_156 = arith.constant 0 : i32
      %dma_wait3A_157 = tpu.memref_slice %arg25[%add3A_147, %dma_wait3A_156] : memref<640x16xf32, #tpu.memory_space<vmem_shared>> -> memref<8x16xf32, #tpu.memory_space<vmem_shared>>
      tpu.wait_dma2 semaphore(%run_scoped3A : memref<!tpu.dma_semaphore, #tpu.memory_space<semaphore_mem>>) src(%dma_wait3A_157 : memref<8x16xf32, #tpu.memory_space<vmem_shared>>) dst(%dma_wait3A_155 : memref<8x16xf32, #tpu.memory_space<hbm>>)
      tpu.yield
    }) : () -> ()
    return
  }
}

module attributes {stable_mosaic.version = 14 : i64} {
  func.func @_prologue_body(%arg0: memref<10000x128xf32, #tpu.memory_space<vmem>>, %arg1: memref<128x128xf32, #tpu.memory_space<vmem>>, %arg2: memref<1x128xf32, #tpu.memory_space<vmem>>, %arg3: memref<1x128xf32, #tpu.memory_space<vmem>>, %arg4: memref<10000x128xf32, #tpu.memory_space<vmem>>, %arg5: memref<10000x16xf32, #tpu.memory_space<vmem>>, %arg6: memref<10240x16xf32, #tpu.memory_space<vmem>>, %arg7: memref<10240x128xf32, #tpu.memory_space<vmem>>) attributes {dimension_semantics = [], scalar_prefetch = 0 : i64, scratch_operands = 0 : i64, tpu.core_type = #tpu.core_type<tc>} {
    %get3A = arith.constant 0 : index
    %get3A_0 = arith.constant 0 : index
    %get3A_1 = vector.load %arg0[%get3A, %get3A_0] : memref<10000x128xf32, #tpu.memory_space<vmem>>, vector<10000x128xf32>
    %get3A_2 = arith.constant 0 : index
    %get3A_3 = arith.constant 0 : index
    %get3A_4 = vector.load %arg1[%get3A_2, %get3A_3] : memref<128x128xf32, #tpu.memory_space<vmem>>, vector<128x128xf32>
    %dot_general3A = arith.constant dense<0.000000e+00> : vector<10000x128xf32>
    %dot_general3A_5 = tpu.matmul %get3A_1, %get3A_4, %dot_general3A {dimension_numbers = #tpu.dot_dimension_numbers<[1], [0], [0], [1], [0, 0, 1, 1], [], []>, precision = #tpu.contract_precision<fp32>, transpose_lhs_hint = false} : vector<10000x128xf32>, vector<128x128xf32>, vector<10000x128xf32> -> vector<10000x128xf32>
    %swap3A = arith.constant 0 : index
    %swap3A_6 = arith.constant 0 : index
    %swap3A_7 = vector.load %arg4[%swap3A, %swap3A_6] : memref<10000x128xf32, #tpu.memory_space<vmem>>, vector<10000x128xf32>
    tpu.vector_store %arg4[%swap3A, %swap3A_6], %dot_general3A_5 {strides = array<i32>} : memref<10000x128xf32, #tpu.memory_space<vmem>>, vector<10000x128xf32>,
    %get3A_8 = arith.constant 0 : index
    %get3A_9 = arith.constant 0 : index
    %get3A_10 = vector.load %arg2[%get3A_8, %get3A_9] : memref<1x128xf32, #tpu.memory_space<vmem>>, vector<1x128xf32>
    %dot_general3A_11 = arith.constant dense<0.000000e+00> : vector<10000x1xf32>
    %dot_general3A_12 = tpu.matmul %dot_general3A_5, %get3A_10, %dot_general3A_11 {dimension_numbers = #tpu.dot_dimension_numbers<[1], [1], [0], [0], [0, 0, 1, 0], [], []>, precision = #tpu.contract_precision<fp32>, transpose_lhs_hint = false} : vector<10000x128xf32>, vector<1x128xf32>, vector<10000x1xf32> -> vector<10000x1xf32>
    %get3A_13 = arith.constant 0 : index
    %get3A_14 = arith.constant 0 : index
    %get3A_15 = vector.load %arg3[%get3A_13, %get3A_14] : memref<1x128xf32, #tpu.memory_space<vmem>>, vector<1x128xf32>
    %dot_general3A_16 = arith.constant dense<0.000000e+00> : vector<10000x1xf32>
    %dot_general3A_17 = tpu.matmul %dot_general3A_5, %get3A_15, %dot_general3A_16 {dimension_numbers = #tpu.dot_dimension_numbers<[1], [1], [0], [0], [0, 0, 1, 0], [], []>, precision = #tpu.contract_precision<fp32>, transpose_lhs_hint = false} : vector<10000x128xf32>, vector<1x128xf32>, vector<10000x1xf32> -> vector<10000x1xf32>
    %broadcast_in_dim3A = vector.shape_cast %dot_general3A_12 : vector<10000x1xf32> to vector<10000x1xf32>
    %broadcast_in_dim3A_18 = vector.broadcast %broadcast_in_dim3A : vector<10000x1xf32> to vector<10000x16xf32>
    %swap3A_19 = arith.constant 0 : index
    %swap3A_20 = arith.constant 0 : index
    %swap3A_21 = vector.load %arg5[%swap3A_19, %swap3A_20] : memref<10000x16xf32, #tpu.memory_space<vmem>>, vector<10000x16xf32>
    tpu.vector_store %arg5[%swap3A_19, %swap3A_20], %broadcast_in_dim3A_18 {strides = array<i32>} : memref<10000x16xf32, #tpu.memory_space<vmem>>, vector<10000x16xf32>,
    %broadcast_in_dim3A_22 = vector.shape_cast %dot_general3A_17 : vector<10000x1xf32> to vector<10000x1xf32>
    %broadcast_in_dim3A_23 = vector.broadcast %broadcast_in_dim3A_22 : vector<10000x1xf32> to vector<10000x16xf32>
    %swap3A_24 = arith.constant 0 : index
    %swap3A_25 = arith.constant 0 : index
    %swap3A_26 = vector.load %arg6[%swap3A_24, %swap3A_25] : memref<10240x16xf32, #tpu.memory_space<vmem>>, vector<10000x16xf32>
    tpu.vector_store %arg6[%swap3A_24, %swap3A_25], %broadcast_in_dim3A_23 {strides = array<i32>} : memref<10240x16xf32, #tpu.memory_space<vmem>>, vector<10000x16xf32>,
    %broadcast_in_dim3A_27 = arith.constant 0.000000e+00 : f32
    %broadcast_in_dim3A_28 = vector.broadcast %broadcast_in_dim3A_27 : f32 to vector<240x16xf32>
    %swap3A_29 = arith.constant 10000 : index
    %swap3A_30 = arith.constant 0 : index
    %swap3A_31 = vector.load %arg6[%swap3A_29, %swap3A_30] : memref<10240x16xf32, #tpu.memory_space<vmem>>, vector<240x16xf32>
    tpu.vector_store %arg6[%swap3A_29, %swap3A_30], %broadcast_in_dim3A_28 {strides = array<i32>} : memref<10240x16xf32, #tpu.memory_space<vmem>>, vector<240x16xf32>,
    %swap3A_32 = arith.constant 0 : index
    %swap3A_33 = arith.constant 0 : index
    %swap3A_34 = vector.load %arg7[%swap3A_32, %swap3A_33] : memref<10240x128xf32, #tpu.memory_space<vmem>>, vector<10000x128xf32>
    tpu.vector_store %arg7[%swap3A_32, %swap3A_33], %get3A_1 {strides = array<i32>} : memref<10240x128xf32, #tpu.memory_space<vmem>>, vector<10000x128xf32>,
    %broadcast_in_dim3A_35 = arith.constant 0.000000e+00 : f32
    %broadcast_in_dim3A_36 = vector.broadcast %broadcast_in_dim3A_35 : f32 to vector<240x128xf32>
    %swap3A_37 = arith.constant 10000 : index
    %swap3A_38 = arith.constant 0 : index
    %swap3A_39 = vector.load %arg7[%swap3A_37, %swap3A_38] : memref<10240x128xf32, #tpu.memory_space<vmem>>, vector<240x128xf32>
    tpu.vector_store %arg7[%swap3A_37, %swap3A_38], %broadcast_in_dim3A_36 {strides = array<i32>} : memref<10240x128xf32, #tpu.memory_space<vmem>>, vector<240x128xf32>,
    return
  }
}

module attributes {stable_mosaic.version = 14 : i64} {
  func.func @_epilogue_body(%arg0: memref<2x10240x128xf32, #tpu.memory_space<vmem>>, %arg1: memref<2x10240x1xf32, #tpu.memory_space<vmem>>, %arg2: memref<1x128xf32, #tpu.memory_space<vmem>>, %arg3: memref<10000x128xf32, #tpu.memory_space<vmem>>) attributes {dimension_semantics = [], scalar_prefetch = 0 : i64, scratch_operands = 0 : i64, tpu.core_type = #tpu.core_type<tc>} {
    %get3A = arith.constant 0 : index
    %get3A_0 = arith.constant 0 : index
    %get3A_1 = arith.constant 0 : index
    %get3A_2 = vector.load %arg0[%get3A, %get3A_0, %get3A_1] : memref<2x10240x128xf32, #tpu.memory_space<vmem>>, vector<1x10000x128xf32>
    %get3A_3 = vector.shape_cast %get3A_2 : vector<1x10000x128xf32> to vector<10000x128xf32>
    %get3A_4 = arith.constant 1 : index
    %get3A_5 = arith.constant 0 : index
    %get3A_6 = arith.constant 0 : index
    %get3A_7 = vector.load %arg0[%get3A_4, %get3A_5, %get3A_6] : memref<2x10240x128xf32, #tpu.memory_space<vmem>>, vector<1x10000x128xf32>
    %get3A_8 = vector.shape_cast %get3A_7 : vector<1x10000x128xf32> to vector<10000x128xf32>
    %add3A = arith.addf %get3A_3, %get3A_8 : vector<10000x128xf32>
    %get3A_9 = arith.constant 0 : index
    %get3A_10 = arith.constant 0 : index
    %get3A_11 = arith.constant 0 : index
    %get3A_12 = vector.load %arg1[%get3A_9, %get3A_10, %get3A_11] : memref<2x10240x1xf32, #tpu.memory_space<vmem>>, vector<1x10000x1xf32>
    %get3A_13 = vector.shape_cast %get3A_12 : vector<1x10000x1xf32> to vector<10000x1xf32>
    %get3A_14 = arith.constant 1 : index
    %get3A_15 = arith.constant 0 : index
    %get3A_16 = arith.constant 0 : index
    %get3A_17 = vector.load %arg1[%get3A_14, %get3A_15, %get3A_16] : memref<2x10240x1xf32, #tpu.memory_space<vmem>>, vector<1x10000x1xf32>
    %get3A_18 = vector.shape_cast %get3A_17 : vector<1x10000x1xf32> to vector<10000x1xf32>
    %add3A_19 = arith.addf %get3A_13, %get3A_18 : vector<10000x1xf32>
    %add3A_20 = arith.constant 1.000000e-16 : f32
    %add3A_21 = vector.broadcast %add3A_20 : f32 to vector<10000x1xf32>
    %add3A_22 = arith.addf %add3A_19, %add3A_21 : vector<10000x1xf32>
    %div3A = vector.broadcast %add3A_22 : vector<10000x1xf32> to vector<10000x128xf32>
    %div3A_23 = arith.divf %add3A, %div3A : vector<10000x128xf32>
    %get3A_24 = arith.constant 0 : index
    %get3A_25 = arith.constant 0 : index
    %get3A_26 = vector.load %arg2[%get3A_24, %get3A_25] : memref<1x128xf32, #tpu.memory_space<vmem>>, vector<1x128xf32>
    %add3A_27 = vector.broadcast %get3A_26 : vector<1x128xf32> to vector<10000x128xf32>
    %add3A_28 = arith.addf %div3A_23, %add3A_27 : vector<10000x128xf32>
    %max3A = arith.constant 0.000000e+00 : f32
    %max3A_29 = vector.broadcast %max3A : f32 to vector<10000x128xf32>
    %max3A_30 = arith.maximumf %add3A_28, %max3A_29 : vector<10000x128xf32>
    %swap3A = arith.constant 0 : index
    %swap3A_31 = arith.constant 0 : index
    %swap3A_32 = vector.load %arg3[%swap3A, %swap3A_31] : memref<10000x128xf32, #tpu.memory_space<vmem>>, vector<10000x128xf32>
    tpu.vector_store %arg3[%swap3A, %swap3A_31], %max3A_30 {strides = array<i32>} : memref<10000x128xf32, #tpu.memory_space<vmem>>, vector<10000x128xf32>,
    return
  }
}

</mosaic_0001>

<sc_bundles>
// kernel: kernel.5.cloned.1.call-start
scs
__scs_entry_jumppad:
0x0: {  	(pc) =	sbr.rel $0x88, $3  }
0x1: {  	(tag) =	ssettag $0x0;
	lr =	simm.s32 $0x1  }
0x2: {  	[smem:$0x3F99] =	sst lr;
	_ =	strace $0xD0000000  }
0x3: {  	_ = 	snop  }
0x4: {  	_ = 	snop  }
0x5: {  	_ = 	snop  }
0x6: {  	_ = 	snop  }
0x7: {  	_ = 	snop  }
__scs_overlays_trampoline_lowered:
0x8: {  	[smem:$0x3FA8] =	sst s0  }
0x9: {  	[smem:$0x3FA9] =	sst s1  }
0xa: {  	[smem:$0x3FAA] =	sst s2  }
0xb: {  	[smem:$0x3FAB] =	sst s3  }
0xc: {  	[smem:$0x3FAC] =	sst s4  }
0xd: {  	[smem:$0x3FAD] =	sst s5  }
0xe: {  	[smem:$0x3FAE] =	sst s6  }
0xf: {  	[smem:$0x3FAF] =	sst s7  }
0x10: {  	[smem:$0x3FB0] =	sst s8  }
0x11: {  	[smem:$0x3FB1] =	sst s9;
	s0 =	simm.s32 @!p0 $0x0  }
0x12: {  	s1 =	sld [smem:$0x3F97];
	s0 =	simm.s32 @p0 $0x1  }
0x13: {  	[smem:$0x3FB2] =	sst s0;
	s0 =	simm.s32 @!p1 $0x0  }
0x14: {  	s2 =	sld [smem:$0x3F96];
	s0 =	simm.s32 @p1 $0x1  }
0x15: {  	[smem:$0x3FB3] =	sst s0;
	s0 =	simm.s32 @!p2 $0x0  }
0x16: {  	s3 =	sld [smem:$0x3FDB];
	s0 =	simm.s32 @p2 $0x1  }
0x17: {  	s4 =	simm.s32 $0x1BF5;
	[smem:$0x3FB5] =	sst s0  }
0x18: {  	s0 =	sld [smem:$0x3F98];
	_ =	swait.ge [sflag:s4], $0x0  }
0x19: {  	s7 =	sld [smem:$0x3F99]  }
0x1a: {  	s8 =	sadd.s32 $0xFFFFE003, lr  }
0x1b: {  	s9 =	sadd.s32 $0xFFFFFEF7, lr;
	s5 =	simm.s32 $0xFFFFFFFF;
	p2 =	slt.u32 s8, $0xFFFFF086  }
0x1c: {  	p1 =	slt.u32 s9, $0xF7A;
	s5 =	simm.s32 @!p2 $0x0  }
0x1d: {  	s5 =	simm.s32 @p1 $0x1;
	p0 =	seq.s32 s7, s2  }
0x1e: {  	s7 =	smul.u32 @!p0 $0xF7A, s2;
	p2 =	seq.s32 @!p0 s5, $0x0  }
0x1f: {  	s9 =	smul.u32 $0xF7A, s1;
	s8 =	simm.s32 @!p0 $0x1BF5;
	p2 =	por !p2, p0  }
0x20: {  	[sflag:s8] =	ssyncset.s32 @!p0 $0xFFFFF086;
	s6 =	sadd.s32 @!p0 s3, s7;
	s7 =	simm.s32 @!p0 $0x108  }
0x21: {  	s3 =	sadd.s32 s3, s9;
	s6 =	sadd.s32 @!p0 $0x88, s6;
	s7 =	simm.s32 @p2 $0x1082  }
0x22: {  	[simem:s7], [sflag:s8] =	dma.local @!p0 [hbm:s6], $0xF7A  }
0x23: {  	s9 =	sor.u32 $0xD0000000, s2;
	s6 =	simm.s32 $0x108;
	_ =	swait.ge @!p0 [sflag:s8], $0x0  }
0x24: {  	s3 =	sadd.s32 $0x88, s3;
	s6 =	simm.s32 @!p1 $0x1082;
	[sflag:s4] =	ssyncset.s32 $0xFFFFF086  }
0x25: {  	[simem:s6], [sflag:s4] =	dma.local [hbm:s3], $0xF7A  }
0x26: {  	[smem:$0x3F99] =	sst s1;
	(tag) =	ssettag s2;
	_ =	strace s9  }
0x27: {  	s1 =	sld [smem:$0x3FA9]  }
0x28: {  	s2 =	sld [smem:$0x3FAA]  }
0x29: {  	s4 =	sld [smem:$0x3FAC]  }
0x2a: {  	p0 =	seq.s32 s5, $0x0;
	s5 =	sld [smem:$0x3FAD]  }
0x2b: {  	s6 =	sld [smem:$0x3FAE]  }
0x2c: {  	s7 =	sld [smem:$0x3FAF]  }
0x2d: {  	s3 =	simm.s32 $0x108;
	s8 =	sld [smem:$0x3FB0]  }
0x2e: {  	s3 =	simm.s32 @!p0 $0x1082;
	s9 =	sld [smem:$0x3FB1]  }
0x2f: {  	lr =	sadd.s32 s0, s3;
	s0 =	sld [smem:$0x3FA8]  }
0x30: {  	s3 =	sld [smem:$0x3FAB]  }
0x31: {  	[smem:$0x3FB4] =	sst s10  }
0x32: {  	s10 =	sld [smem:$0x3FB2];
	_ =	sdelay $0x3  }
0x33: {  	p0 =	seq.s32 s10, $0x1;
	s10 =	sld [smem:$0x3FB4];
	_ =	sdelay $0x3  }
0x34: {  	[smem:$0x3FB4] =	sst s10  }
0x35: {  	s10 =	sld [smem:$0x3FB3];
	_ =	sdelay $0x3  }
0x36: {  	p1 =	seq.s32 s10, $0x1;
	s10 =	sld [smem:$0x3FB4];
	_ =	sdelay $0x3  }
0x37: {  	[smem:$0x3FB4] =	sst s10  }
0x38: {  	s10 =	sld [smem:$0x3FB5]  }
0x39: {  	_ = 	snop;
	(pc) =	sbr.ind lr, $3  }
0x3a: {  	_ = 	snop  }
0x3b: {  	_ = 	snop  }
0x3c: {  	p2 =	seq.s32 s10, $0x1;
	s10 =	sld [smem:$0x3FB4]  }
0x3d: {  	_ =	shalt  }
0x3e: {  	_ =	shalt  }
0x3f: {  	_ =	shalt  }
0x40: {  	_ =	shalt  }
0x41: {  	_ =	shalt  }
0x42: {  	_ =	shalt  }
0x43: {  	_ =	shalt  }
0x44: {  	_ =	shalt  }
0x45: {  	_ =	shalt  }
0x46: {  	_ =	shalt  }
0x47: {  	_ =	shalt  }
0x48: {  	_ =	shalt  }
0x49: {  	_ =	shalt  }
0x4a: {  	_ =	shalt  }
0x4b: {  	_ =	shalt  }
0x4c: {  	_ =	shalt  }
0x4d: {  	_ =	shalt  }
0x4e: {  	_ =	shalt  }
0x4f: {  	_ =	shalt  }
0x50: {  	_ =	shalt  }
0x51: {  	_ =	shalt  }
0x52: {  	_ =	shalt  }
0x53: {  	_ =	shalt  }
0x54: {  	_ =	shalt  }
0x55: {  	_ =	shalt  }
0x56: {  	_ =	shalt  }
0x57: {  	_ =	shalt  }
0x58: {  	_ =	shalt  }
0x59: {  	_ =	shalt  }
0x5a: {  	_ =	shalt  }
0x5b: {  	_ =	shalt  }
0x5c: {  	_ =	shalt  }
0x5d: {  	_ =	shalt  }
0x5e: {  	_ =	shalt  }
0x5f: {  	_ =	shalt  }
0x60: {  	_ =	shalt  }
0x61: {  	_ =	shalt  }
0x62: {  	_ =	shalt  }
0x63: {  	_ =	shalt  }
0x64: {  	_ =	shalt  }
0x65: {  	_ =	shalt  }
0x66: {  	_ =	shalt  }
0x67: {  	_ =	shalt  }
0x68: {  	_ =	shalt  }
0x69: {  	_ =	shalt  }
0x6a: {  	_ =	shalt  }
0x6b: {  	_ =	shalt  }
0x6c: {  	_ =	shalt  }
0x6d: {  	_ =	shalt  }
0x6e: {  	_ =	shalt  }
0x6f: {  	_ =	shalt  }
0x70: {  	_ =	shalt  }
0x71: {  	_ =	shalt  }
0x72: {  	_ =	shalt  }
0x73: {  	_ =	shalt  }
0x74: {  	_ =	shalt  }
0x75: {  	_ =	shalt  }
0x76: {  	_ =	shalt  }
0x77: {  	_ =	shalt  }
0x78: {  	_ =	shalt  }
0x79: {  	_ =	shalt  }
0x7a: {  	_ =	shalt  }
0x7b: {  	_ =	shalt  }
0x7c: {  	_ =	shalt  }
0x7d: {  	_ =	shalt  }
0x7e: {  	_ =	shalt  }
0x7f: {  	_ =	shalt  }
0x80: {  	_ =	shalt  }
0x81: {  	_ =	shalt  }
0x82: {  	_ =	shalt  }
0x83: {  	_ =	shalt  }
0x84: {  	_ =	shalt  }
0x85: {  	_ =	shalt  }
0x86: {  	_ =	shalt  }
0x87: {  	_ =	shalt  }
.Lfunc_end0:
.L_simem_size_0:
called_computation_lowered:
.L_overlay_start_0:
0x88: {  	s2 =	sld [smem:$0x3FD9]  }
0x89: {  	s3 =	sld [smem:$0x3FFE];
	_ =	sdelay $0x1  }
0x8a: {  	s1 =	srdreg.scid  }
0x8b: {  	s0 =	sand.u32 $0x1, s1  }
0x8c: {  	s17 =	sshll.u32 s0, $0xA;
	s2 =	sadd.s32 s3, s2  }
0x8d: {  	s2 =	sadd.s32 s2, s17  }
0x8e: {  	[smem:$0x3FC0] =	sst s2  }
0x8f: {  	_ = 	snop  }
0x90: {  	s2 =	sld [smem:$0x3FD0];
	(tm) =	ssettm $0x1  }
0x91: {  	s18 =	sld [smem:$0x3FFB];
	_ =	sdelay $0x3  }
0x92: {  	_ =	strace s18  }
0x93: {  	s3 =	sld [smem:$0x3FFC];
	_ =	sdelay $0x3  }
0x94: {  	_ =	strace s3  }
0x95: {  	s3 =	sld [smem:$0x3FFD];
	_ =	sdelay $0x3  }
0x96: {  	_ =	strace s3  }
0x97: {  	_ =	strace $0x8FFFFFFF  }
0x98: {  	s19 =	sld [smem:$0x3FDB];
	_ =	sdelay $0x1  }
0x99: {  	s4 =	simm.s32 $_scs_section_size  }
0x9a: {  	s5 =	simm.s32 $_size__tile_overlayer_lowered;
	s6 =	simm.s32 $_tile_overlayer_lowered  }
0x9b: {  	s22 =	simm.s32 $0x1BFF;
	s21 =	sshll.u32 s6, $0x1;
	s3 =	sadd.s32 s4, s19  }
0x9c: {  	s7 =	simm.s32 $0x0;
	s20 =	sshll.u32 s5, $0x1;
	s5 =	sadd.s32 s21, s3  }
0x9d: {  	[timem:s7], [sflag:s22] =	dma.local [hbm:s5], s20  }
0x9e: {  	_ =	swait.ge [sflag:s22], s20  }
0x9f: {  	s4 =	ssub.s32 $0x0, s20;
	[sflag:s22] =	ssyncset.done $0x0  }
0xa0: {  	[sflag:s22] =	ssyncadd.s32 s4;
	_ =	sdelay $0x1  }
0xa1: {  	s23 =	simm.s32 $0x1B8B  }
0xa2: {  	_ =	swait.ge [sflag:s23], $0x1  }
0xa3: {  	[sflag:s23] =	ssyncset.done $0x0  }
0xa4: {  	s25 =	simm.s32 $0x1B8E;
	s24 =	sld [smem:$0x3FFE];
	[sflag:s23] =	ssyncadd.s32 $0xFFFFFFFF  }
0xa5: {  	s26 =	simm.s32 $execute0_lowered;
	[smem:$0x3FD2] =	sst s25  }
0xa6: {  	s5 =	sshll.u32 s26, $0x1;
	_ =	strace $0x80000046;
	[dreg:$0x1] =	wrdreg $0xFFFFFFFF  }
0xa7: {  	s28 =	simm.s32 $_size_execute0_lowered;
	s3 =	sadd.s32 s3, s5;
	[dreg:$0x0] =	wrdreg $0x0  }
0xa8: {  	s5 =	sshll.u32 s28, $0x1;
	[dreg:$0x2] =	wrdreg s3  }
0xa9: {  	[dreg:$0x3] =	wrdreg s5  }
0xaa: {  	[dreg:$0x4] =	wrdreg $0xC0  }
0xab: {  	_ =	task [dreg:s7], $0x5FFFF  }
0xac: {  	[dreg:$0x1] =	wrdreg $0xFFFFFFFF  }
0xad: {  	[dreg:$0x0] =	wrdreg $0x60  }
0xae: {  	[dreg:$0x2] =	wrdreg s24  }
0xaf: {  	[dreg:$0x3] =	wrdreg s2  }
0xb0: {  	[dreg:$0x4] =	wrdreg $0x47800  }
0xb1: {  	[dreg:$0x5] =	wrdreg $0x187800  }
0xb2: {  	[dreg:$0x6] =	wrdreg $0x9  }
0xb3: {  	_ =	task.clear_ibuf [dreg:s7], $0x7FFFF;
	_ =	strace $0x90000046  }
0xb4: {  	s29 =	simm.s32 $0x9;
	_ =	strace $0x80000048  }
0xb5: {  	_ =	swait.ge [sflag:s29], $0x1  }
0xb6: {  	[sflag:s29] =	ssyncadd.s32 $0xFFFFFFFF  }
0xb7: {  	_ =	strace $0x90000048  }
0xb8: {  	_ =	sfence  }
0xb9: {  	s30 =	sld [smem:$0x0];
	_ =	sdelay $0x2  }
0xba: {  	s31 =	sshll.u32 s1, $0xD;
	s1 =	sshrl.u32 s1, $0x2  }
0xbb: {  	s3 =	sand.u32 $0x4000, s31;
	s1 =	sadd.s32 s1, s30  }
0xbc: {  	s0 =	sor.u32 s3, s0;
	s1 =	sshll.u32 s1, $0x11  }
0xbd: {  	s0 =	sor.u32 s1, s0  }
0xbe: {  	s0 =	sadd.s32 $0x8F2B, s0  }
0xbf: {  	[sflag:s0] =	ssyncadd.remote.s32 $0x1  }
0xc0: {  	_ =	sfence.sel $0xFFFF  }
0xc1: {  	[dreg:$0x0] =	wrdreg $0xFFFFFFFF;
	(pc) =	sbr.abs _section_cstart, $3  }
0xc2: {  	[dreg:$0x1] =	wrdreg $0xFFFFFFFF  }
0xc3: {  	_ =	task.clear_ibuf [dreg:s7], $0x2FFFF;
	_ =	strace $0x9FFFFFFF  }
0xc4: {  	(tm) =	ssettm $0x7FFFFFFF  }
0xc5: {  	_ =	shalt  }
tec
execute0_lowered:
.L_overlay_start_1:
0x0: {  	(tag) =	ssettag $0x1  }
0x1: {  	s0 =	srdreg.scid;
	s2 =	rddreg [dreg:$0x0];
	s18 =	simm.s32 $0x0  }
0x2: {  	s1 =	stileid.u32;
	s5 =	simm.s32 $0x0;
	[dreg:$0x5] =	wrdreg s18  }
0x3: {  	s0 =	sand.u32 $0x1, s0;
	s3 =	smul.u32 $0x14000, s1;
	[smem:$0x7FF] =	sst s5  }
0x4: {  	s1 =	sadd.s32 $0x47800, s2;
	s4 =	ssub.s32 $0x2, s0;
	s16 =	smul.u32 $0x140000, s0  }
0x5: {  	s19 =	sshrl.u32 s4, $0x1;
	s20 =	sor.u32 $0x1000, s3;
	s6 =	sor.u32 $0x2000, s3  }
0x6: {  	s7 =	sor.u32 $0x3000, s3;
	s8 =	sadd.s32 $0x4000, s3;
	s9 =	sadd.s32 $0x5000, s3  }
0x7: {  	s10 =	sadd.s32 $0x6000, s3;
	s11 =	sadd.s32 $0x7000, s3;
	s12 =	sadd.s32 $0x8000, s3  }
0x8: {  	s13 =	sadd.s32 $0x9000, s3;
	s4 =	ssub.s32 s4, s19;
	[smem:$0x7E8] =	sst s20  }
0x9: {  	s14 =	sadd.s32 s3, s16;
	s15 =	sadd.s32 s16, s20;
	s17 =	sadd.s32 s16, s6  }
0xa: {  	s26 =	sadd.s32 s16, s7;
	s28 =	sadd.s32 s16, s8;
	s5 =	sadd.s32 s16, s9  }
0xb: {  	s20 =	sadd.s32 s16, s10;
	[smem:$0x7F9] =	sst s4;
	s14 =	sshrl.u32 s14, $0x3  }
0xc: {  	s22 =	sshrl.u32 s15, $0x3;
	s23 =	sshrl.u32 s17, $0x3;
	s15 =	sshrl.u32 s28, $0x3  }
0xd: {  	s17 =	sshrl.u32 s5, $0x3;
	s4 =	sadd.s32 s16, s13;
	s21 =	sadd.s32 s1, s14  }
0xe: {  	s24 =	sadd.s32 s1, s22;
	s25 =	sadd.s32 s1, s23;
	[dreg:$0x6] =	wrdreg s21  }
0xf: {  	s14 =	sshrl.u32 s26, $0x3;
	s18 =	sadd.s32 s1, s15;
	[dreg:$0x7] =	wrdreg s24  }
0x10: {  	s19 =	sadd.s32 s1, s17;
	s22 =	sadd.s32 s16, s12;
	[dreg:$0x8] =	wrdreg s25  }
0x11: {  	s15 =	sadd.s32 $0xB000, s3;
	s17 =	sshrl.u32 s4, $0x3;
	[dreg:$0xa] =	wrdreg s18  }
0x12: {  	s14 =	sadd.s32 s1, s14;
	[dreg:$0xb] =	wrdreg s19;
	s21 =	sadd.s32 s16, s11  }
0x13: {  	s25 =	sshrl.u32 s22, $0x3;
	s19 =	sadd.s32 s16, s15;
	s5 =	sadd.s32 s1, s17  }
0x14: {  	[dreg:$0x9] =	wrdreg s14;
	s14 =	sshrl.u32 s20, $0x3;
	s28 =	sadd.s32 s1, s25  }
0x15: {  	[dreg:$0xf] =	wrdreg s5;
	s23 =	sadd.s32 s1, s14;
	s14 =	sadd.s32 $0xA000, s3  }
0x16: {  	s24 =	sshrl.u32 s21, $0x3;
	[dreg:$0xe] =	wrdreg s28;
	s18 =	sadd.s32 s16, s14  }
0x17: {  	s26 =	sadd.s32 s1, s24;
	[dreg:$0xc] =	wrdreg s23;
	s18 =	sshrl.u32 s18, $0x3  }
0x18: {  	[dreg:$0xd] =	wrdreg s26;
	s17 =	sadd.s32 s1, s18;
	s18 =	sshrl.u32 s19, $0x3  }
0x19: {  	[dreg:$0x10] =	wrdreg s17;
	s19 =	sadd.s32 s1, s18;
	s17 =	sadd.s32 $0xC000, s3  }
0x1a: {  	s18 =	sadd.s32 $0xD000, s3;
	[dreg:$0x11] =	wrdreg s19;
	s20 =	sadd.s32 s16, s17  }
0x1b: {  	s19 =	sadd.s32 $0xE000, s3;
	s21 =	sadd.s32 s16, s18;
	s20 =	sshrl.u32 s20, $0x3  }
0x1c: {  	s21 =	sshrl.u32 s21, $0x3;
	s22 =	sadd.s32 s16, s19;
	s20 =	sadd.s32 s1, s20  }
0x1d: {  	s21 =	sadd.s32 s1, s21;
	s23 =	sshrl.u32 s22, $0x3;
	[dreg:$0x12] =	wrdreg s20  }
0x1e: {  	[dreg:$0x13] =	wrdreg s21;
	s24 =	sadd.s32 s1, s23;
	s20 =	sadd.s32 $0xF000, s3  }
0x1f: {  	s21 =	sadd.s32 $0x10000, s3;
	[dreg:$0x14] =	wrdreg s24;
	s25 =	sadd.s32 s16, s20  }
0x20: {  	s24 =	sadd.s32 $0x11000, s3;
	s23 =	sadd.s32 s16, s21;
	s22 =	sshrl.u32 s25, $0x3  }
0x21: {  	s23 =	sshrl.u32 s23, $0x3;
	s25 =	sadd.s32 s16, s24;
	s26 =	sadd.s32 s1, s22  }
0x22: {  	s28 =	sadd.s32 s1, s23;
	s5 =	sshrl.u32 s25, $0x3;
	[dreg:$0x15] =	wrdreg s26  }
0x23: {  	[dreg:$0x16] =	wrdreg s28;
	s23 =	sadd.s32 s1, s5  }
0x24: {  	s26 =	sadd.s32 $0x12000, s3;
	s28 =	sadd.s32 $0x13000, s3;
	s5 =	stileid.u32  }
0x25: {  	[dreg:$0x17] =	wrdreg s23;
	s25 =	sadd.s32 s16, s26;
	s16 =	sadd.s32 s16, s28  }
0x26: {  	s4 =	smul.u32 $0x280, s5;
	s23 =	rddreg [dreg:$0x2];
	s22 =	sshrl.u32 s25, $0x3  }
0x27: {  	s16 =	sshrl.u32 s16, $0x3;
	s25 =	smul.u32 $0x2800, s0;
	s22 =	sadd.s32 s1, s22  }
0x28: {  	s30 =	sadd.s32 $0x46E00, s2;
	s1 =	sadd.s32 s1, s16;
	[dreg:$0x18] =	wrdreg s22  }
0x29: {  	[dreg:$0x19] =	wrdreg s1;
	s1 =	sadd.s32 $0x200, s4;
	s16 =	sadd.s32 s4, s25  }
0x2a: {  	s22 =	rddreg [dreg:$0x1];
	s16 =	sshrl.u32 s16, $0x3;
	s29 =	sadd.s32 s25, s1  }
0x2b: {  	s25 =	rddreg [dreg:$0x3];
	s29 =	sshrl.u32 s29, $0x3;
	s16 =	sadd.s32 s30, s16  }
0x2c: {  	[dreg:$0x1a] =	wrdreg s16;
	s16 =	sadd.s32 s30, s29  }
0x2d: {  	[dreg:$0x1b] =	wrdreg s16;
	s16 =	sshll.u32 s0, $0x4;
	s0 =	sadd.s32 $0x46C00, s2  }
0x2e: {  	s3 =	sadd.s32 s3, s23;
	_ =	strace $0x80000047;
	[dreg:$0x1c] =	wrdreg s0  }
0x2f: {  	s6 =	sadd.s32 s6, s23;
	[dreg:$0x1d] =	wrdreg s3  }
0x30: {  	s1 =	sadd.s32 s1, s25;
	[dreg:$0x1f] =	wrdreg s6  }
0x31: {  	s21 =	sadd.s32 s21, s23;
	[smem:$0x7F8] =	sst s1  }
0x32: {  	s24 =	sadd.s32 s24, s23;
	[smem:$0x7FB] =	sst s21  }
0x33: {  	s26 =	sadd.s32 s26, s23;
	[smem:$0x7FC] =	sst s24  }
0x34: {  	[smem:$0x7FD] =	sst s26  }
0x35: {  	s16 =	sor.u32 s5, s16;
	s6 =	sadd.s32 s8, s23;
	s5 =	sld [smem:$0x7E8]  }
0x36: {  	s8 =	sadd.s32 s10, s23;
	[smem:$0x7EA] =	sst s6  }
0x37: {  	s10 =	sadd.s32 s12, s23;
	[smem:$0x7EC] =	sst s8  }
0x38: {  	s12 =	sadd.s32 s14, s23;
	[smem:$0x7EE] =	sst s10  }
0x39: {  	s14 =	sadd.s32 s17, s23;
	[smem:$0x7F0] =	sst s12  }
0x3a: {  	s17 =	sadd.s32 s19, s23;
	[smem:$0x7F2] =	sst s14  }
0x3b: {  	s31 =	sadd.s32 $0x2DE00, s2;
	s19 =	sadd.s32 s28, s23;
	[smem:$0x7F4] =	sst s17  }
0x3c: {  	s29 =	sadd.s32 $0xE00, s2;
	s30 =	sadd.s32 $0x28E00, s2;
	[smem:$0x7F6] =	sst s19  }
0x3d: {  	s0 =	sadd.s32 $0x3CE00, s2;
	s28 =	sld [smem:$0x7F9];
	s3 =	sadd.s32 s5, s23  }
0x3e: {  	s2 =	sadd.s32 $0x33000, s2;
	s5 =	sadd.s32 s7, s23;
	[dreg:$0x1e] =	wrdreg s3  }
0x3f: {  	s6 =	simm.s32 $0x4460;
	s7 =	sadd.s32 s9, s23;
	[smem:$0x7E9] =	sst s5  }
0x40: {  	s8 =	simm.s32 $0x60;
	s9 =	sadd.s32 s11, s23;
	[smem:$0x7EB] =	sst s7  }
0x41: {  	s10 =	simm.s32 $0x1060;
	s11 =	sadd.s32 s13, s23;
	[smem:$0x7ED] =	sst s9  }
0x42: {  	s12 =	simm.s32 $0x2060;
	s13 =	sadd.s32 s15, s23;
	[smem:$0x7EF] =	sst s11  }
0x43: {  	s14 =	simm.s32 $0x2;
	s15 =	sadd.s32 s18, s23;
	[smem:$0x7F1] =	sst s13  }
0x44: {  	s17 =	simm.s32 $0x4760;
	s18 =	sadd.s32 s20, s23;
	[smem:$0x7F3] =	sst s15  }
0x45: {  	s20 =	sadd.s32 s4, s25;
	s1 =	smax.u32 s28, $0x1;
	[smem:$0x7F5] =	sst s18  }
0x46: {  	v0 =	vlaneseq.u32;
	s4 =	simm.s32 $0x3060;
	[smem:$0x7F7] =	sst s20;
	s3 =	smul.u32 $0x2720, s16  }
0x47: {  	v0 =	vmul.u32 $0x10, v0;
	[smem:$0x7FA] =	sst s1;
	s5 =	simm.s32 $0x4;
	s7 =	simm.s32 $0x20  }
0x48: {  	s9 =	simm.s32 $0x4060;
	s11 =	simm.s32 $0x4260;
	s13 =	simm.s32 $0x1  }
0x49: {  	v1 =	vimm.f32 $0.0e+00;
	v2 =	vor.u32 $0x100, v0;
	s15 =	simm.s32 $0x3;
	s16 =	simm.s32 $0x4660;
	s18 =	simm.s32 $0x40  }
.LBB2_1:
0x4a: {  	s1 =	simm.s32 $0x0;
	s19 =	simm.s32 $0x200  }
.LBB2_2:
0x4b: {  	p0 =	sne.s32 s19, $0x3E00;
	[tilespmem:s1+$0x30D0] =	vst v1  }
0x4c: {  	[tilespmem:s1+$0x3060] =	vst v1  }
0x4d: {  	[tilespmem:s1+$0x3070] =	vst v1  }
.Ltmp0:
0x4e: {  	[tilespmem:s1+$0x3080] =	vst v1;
	(pc) =	sbr.rel @p0 .LBB2_2-.Ltmp0, $4  }
0x4f: {  	[tilespmem:s1+$0x3090] =	vst v1  }
0x50: {  	[tilespmem:s1+$0x30A0] =	vst v1  }
0x51: {  	[tilespmem:s1+$0x30B0] =	vst v1  }
0x52: {  	[tilespmem:s1+$0x30C0] =	vst v1;
	s1 =	sshra.s32 s19, $0x2;
	s19 =	sadd.s32 $0x200, s19  }
0x53: {  	[tilespmem:s1+$0x30D0] =	vst v1  }
0x54: {  	[tilespmem:s1+$0x3060] =	vst v1  }
0x55: {  	[tilespmem:s1+$0x3070] =	vst v1  }
0x56: {  	[tilespmem:s1+$0x3080] =	vst v1  }
0x57: {  	[tilespmem:s1+$0x3090] =	vst v1  }
0x58: {  	[tilespmem:s1+$0x30A0] =	vst v1  }
0x59: {  	[tilespmem:s1+$0x30B0] =	vst v1  }
0x5a: {  	[tilespmem:s1+$0x30C0] =	vst v1  }
0x5b: {  	[tilespmem:$0x4460] =	vst v1  }
0x5c: {  	[tilespmem:$0x4470] =	vst v1  }
0x5d: {  	[tilespmem:$0x4480] =	vst v1  }
0x5e: {  	[tilespmem:$0x4490] =	vst v1  }
0x5f: {  	[tilespmem:$0x44A0] =	vst v1  }
0x60: {  	[tilespmem:$0x44B0] =	vst v1  }
0x61: {  	[tilespmem:$0x44C0] =	vst v1  }
0x62: {  	[tilespmem:$0x44D0] =	vst v1  }
0x63: {  	[tilespmem:$0x44E0] =	vst v1  }
0x64: {  	[tilespmem:$0x44F0] =	vst v1  }
0x65: {  	[tilespmem:$0x4500] =	vst v1  }
0x66: {  	[tilespmem:$0x4510] =	vst v1  }
0x67: {  	[tilespmem:$0x4520] =	vst v1  }
0x68: {  	[tilespmem:$0x4530] =	vst v1  }
0x69: {  	[tilespmem:$0x4540] =	vst v1  }
0x6a: {  	[tilespmem:$0x4550] =	vst v1  }
0x6b: {  	[tilespmem:$0x4560] =	vst v1  }
0x6c: {  	[tilespmem:$0x4570] =	vst v1  }
0x6d: {  	[tilespmem:$0x4580] =	vst v1  }
0x6e: {  	[tilespmem:$0x4590] =	vst v1  }
0x6f: {  	[tilespmem:$0x45A0] =	vst v1  }
0x70: {  	[tilespmem:$0x45B0] =	vst v1  }
0x71: {  	[tilespmem:$0x45C0] =	vst v1  }
0x72: {  	[tilespmem:$0x45D0] =	vst v1  }
0x73: {  	[tilespmem:$0x45E0] =	vst v1  }
0x74: {  	[tilespmem:$0x45F0] =	vst v1  }
0x75: {  	[tilespmem:$0x4600] =	vst v1  }
0x76: {  	[tilespmem:$0x4610] =	vst v1  }
0x77: {  	[tilespmem:$0x4620] =	vst v1  }
0x78: {  	[tilespmem:$0x4630] =	vst v1  }
0x79: {  	[tilespmem:$0x4640] =	vst v1  }
0x7a: {  	s20 =	rddreg [dreg:$0x1d];
	[tilespmem:$0x4650] =	vst v1  }
0x7b: {  	[spmem:s20] =	stream.linear.scatter [tilespmem:s4], [sflag:$0x4], $0x1000, $0x38;
	[tilespmem:$0x18A00] =	vst v63  }
0x7c: {  	_ =	swait.ge [sflag:s5], $0x1000  }
0x7d: {  	[sflag:s5] =	ssyncset.done $0x0  }
0x7e: {  	s28 =	rddreg [dreg:$0x1e];
	[sflag:s5] =	ssyncadd.s32 $0xFFFFF000  }
0x7f: {  	[spmem:s28] =	stream.linear.scatter [tilespmem:s4], [sflag:$0x4], $0x1000, $0x38;
	[tilespmem:$0x18A00] =	vst v63  }
0x80: {  	_ =	swait.ge [sflag:s5], $0x1000  }
0x81: {  	[sflag:s5] =	ssyncset.done $0x0  }
0x82: {  	s19 =	rddreg [dreg:$0x1f];
	[sflag:s5] =	ssyncadd.s32 $0xFFFFF000  }
0x83: {  	[spmem:s19] =	stream.linear.scatter [tilespmem:s4], [sflag:$0x4], $0x1000, $0x38;
	[tilespmem:$0x18A00] =	vst v63  }
0x84: {  	_ =	swait.ge [sflag:s5], $0x1000  }
0x85: {  	s20 =	sld [smem:$0x7E9]  }
0x86: {  	[sflag:s5] =	ssyncset.done $0x0  }
0x87: {  	[sflag:s5] =	ssyncadd.s32 $0xFFFFF000  }
0x88: {  	[spmem:s20] =	stream.linear.scatter [tilespmem:s4], [sflag:$0x4], $0x1000, $0x38;
	[tilespmem:$0x18A00] =	vst v63  }
0x89: {  	_ =	swait.ge [sflag:s5], $0x1000  }
0x8a: {  	s28 =	sld [smem:$0x7EA]  }
0x8b: {  	[sflag:s5] =	ssyncset.done $0x0  }
0x8c: {  	[sflag:s5] =	ssyncadd.s32 $0xFFFFF000  }
0x8d: {  	[spmem:s28] =	stream.linear.scatter [tilespmem:s4], [sflag:$0x4], $0x1000, $0x38;
	[tilespmem:$0x18A00] =	vst v63  }
0x8e: {  	_ =	swait.ge [sflag:s5], $0x1000  }
0x8f: {  	s19 =	sld [smem:$0x7EB]  }
0x90: {  	[sflag:s5] =	ssyncset.done $0x0  }
0x91: {  	[sflag:s5] =	ssyncadd.s32 $0xFFFFF000  }
0x92: {  	[spmem:s19] =	stream.linear.scatter [tilespmem:s4], [sflag:$0x4], $0x1000, $0x38;
	[tilespmem:$0x18A00] =	vst v63  }
0x93: {  	_ =	swait.ge [sflag:s5], $0x1000  }
0x94: {  	s20 =	sld [smem:$0x7EC]  }
0x95: {  	[sflag:s5] =	ssyncset.done $0x0  }
0x96: {  	[sflag:s5] =	ssyncadd.s32 $0xFFFFF000  }
0x97: {  	[spmem:s20] =	stream.linear.scatter [tilespmem:s4], [sflag:$0x4], $0x1000, $0x38;
	[tilespmem:$0x18A00] =	vst v63  }
0x98: {  	_ =	swait.ge [sflag:s5], $0x1000  }
0x99: {  	s28 =	sld [smem:$0x7ED]  }
0x9a: {  	[sflag:s5] =	ssyncset.done $0x0  }
0x9b: {  	[sflag:s5] =	ssyncadd.s32 $0xFFFFF000  }
0x9c: {  	[spmem:s28] =	stream.linear.scatter [tilespmem:s4], [sflag:$0x4], $0x1000, $0x38;
	[tilespmem:$0x18A00] =	vst v63  }
0x9d: {  	_ =	swait.ge [sflag:s5], $0x1000  }
0x9e: {  	s19 =	sld [smem:$0x7EE]  }
0x9f: {  	[sflag:s5] =	ssyncset.done $0x0  }
0xa0: {  	[sflag:s5] =	ssyncadd.s32 $0xFFFFF000  }
0xa1: {  	[spmem:s19] =	stream.linear.scatter [tilespmem:s4], [sflag:$0x4], $0x1000, $0x38;
	[tilespmem:$0x18A00] =	vst v63  }
0xa2: {  	_ =	swait.ge [sflag:s5], $0x1000  }
0xa3: {  	s20 =	sld [smem:$0x7EF]  }
0xa4: {  	[sflag:s5] =	ssyncset.done $0x0  }
0xa5: {  	[sflag:s5] =	ssyncadd.s32 $0xFFFFF000  }
0xa6: {  	[spmem:s20] =	stream.linear.scatter [tilespmem:s4], [sflag:$0x4], $0x1000, $0x38;
	[tilespmem:$0x18A00] =	vst v63  }
0xa7: {  	_ =	swait.ge [sflag:s5], $0x1000  }
0xa8: {  	s28 =	sld [smem:$0x7F0]  }
0xa9: {  	[sflag:s5] =	ssyncset.done $0x0  }
0xaa: {  	[sflag:s5] =	ssyncadd.s32 $0xFFFFF000  }
0xab: {  	[spmem:s28] =	stream.linear.scatter [tilespmem:s4], [sflag:$0x4], $0x1000, $0x38;
	[tilespmem:$0x18A00] =	vst v63  }
0xac: {  	_ =	swait.ge [sflag:s5], $0x1000  }
0xad: {  	s19 =	sld [smem:$0x7F1]  }
0xae: {  	[sflag:s5] =	ssyncset.done $0x0  }
0xaf: {  	[sflag:s5] =	ssyncadd.s32 $0xFFFFF000  }
0xb0: {  	[spmem:s19] =	stream.linear.scatter [tilespmem:s4], [sflag:$0x4], $0x1000, $0x38;
	[tilespmem:$0x18A00] =	vst v63  }
0xb1: {  	_ =	swait.ge [sflag:s5], $0x1000  }
0xb2: {  	s20 =	sld [smem:$0x7F2]  }
0xb3: {  	[sflag:s5] =	ssyncset.done $0x0  }
0xb4: {  	[sflag:s5] =	ssyncadd.s32 $0xFFFFF000  }
0xb5: {  	[spmem:s20] =	stream.linear.scatter [tilespmem:s4], [sflag:$0x4], $0x1000, $0x38;
	[tilespmem:$0x18A00] =	vst v63  }
0xb6: {  	_ =	swait.ge [sflag:s5], $0x1000  }
0xb7: {  	s28 =	sld [smem:$0x7F3]  }
0xb8: {  	[sflag:s5] =	ssyncset.done $0x0  }
0xb9: {  	[sflag:s5] =	ssyncadd.s32 $0xFFFFF000  }
0xba: {  	[spmem:s28] =	stream.linear.scatter [tilespmem:s4], [sflag:$0x4], $0x1000, $0x38;
	[tilespmem:$0x18A00] =	vst v63  }
0xbb: {  	_ =	swait.ge [sflag:s5], $0x1000  }
0xbc: {  	s19 =	sld [smem:$0x7F4]  }
0xbd: {  	[sflag:s5] =	ssyncset.done $0x0  }
0xbe: {  	[sflag:s5] =	ssyncadd.s32 $0xFFFFF000  }
0xbf: {  	[spmem:s19] =	stream.linear.scatter [tilespmem:s4], [sflag:$0x4], $0x1000, $0x38;
	[tilespmem:$0x18A00] =	vst v63  }
0xc0: {  	_ =	swait.ge [sflag:s5], $0x1000  }
0xc1: {  	s20 =	sld [smem:$0x7F5]  }
0xc2: {  	[sflag:s5] =	ssyncset.done $0x0  }
0xc3: {  	[sflag:s5] =	ssyncadd.s32 $0xFFFFF000  }
0xc4: {  	[spmem:s20] =	stream.linear.scatter [tilespmem:s4], [sflag:$0x4], $0x1000, $0x38;
	[tilespmem:$0x18A00] =	vst v63  }
0xc5: {  	_ =	swait.ge [sflag:s5], $0x1000  }
0xc6: {  	[sflag:s5] =	ssyncset.done $0x0  }
0xc7: {  	[sflag:s5] =	ssyncadd.s32 $0xFFFFF000  }
0xc8: {  	[spmem:s21] =	stream.linear.scatter [tilespmem:s4], [sflag:$0x4], $0x1000, $0x38;
	[tilespmem:$0x18A00] =	vst v63  }
0xc9: {  	_ =	swait.ge [sflag:s5], $0x1000  }
0xca: {  	[sflag:s5] =	ssyncset.done $0x0  }
0xcb: {  	[sflag:s5] =	ssyncadd.s32 $0xFFFFF000  }
0xcc: {  	[spmem:s24] =	stream.linear.scatter [tilespmem:s4], [sflag:$0x4], $0x1000, $0x38;
	[tilespmem:$0x18A00] =	vst v63  }
0xcd: {  	_ =	swait.ge [sflag:s5], $0x1000  }
0xce: {  	[sflag:s5] =	ssyncset.done $0x0  }
0xcf: {  	[sflag:s5] =	ssyncadd.s32 $0xFFFFF000  }
0xd0: {  	[spmem:s26] =	stream.linear.scatter [tilespmem:s4], [sflag:$0x4], $0x1000, $0x38;
	[tilespmem:$0x18A00] =	vst v63  }
0xd1: {  	_ =	swait.ge [sflag:s5], $0x1000  }
0xd2: {  	s21 =	sld [smem:$0x7F6]  }
0xd3: {  	[sflag:s5] =	ssyncset.done $0x0  }
0xd4: {  	[sflag:s5] =	ssyncadd.s32 $0xFFFFF000  }
0xd5: {  	[spmem:s21] =	stream.linear.scatter [tilespmem:s4], [sflag:$0x4], $0x1000, $0x38;
	[tilespmem:$0x18A00] =	vst v63  }
0xd6: {  	_ =	swait.ge [sflag:s5], $0x1000  }
0xd7: {  	s24 =	sld [smem:$0x7F7]  }
0xd8: {  	[sflag:s5] =	ssyncset.done $0x0  }
0xd9: {  	[sflag:s5] =	ssyncadd.s32 $0xFFFFF000  }
0xda: {  	[spmem:s24] =	stream.linear.scatter [tilespmem:s6], [sflag:$0x4], $0x200, $0x38;
	[tilespmem:$0x18A00] =	vst v63  }
0xdb: {  	_ =	swait.ge [sflag:s5], $0x200  }
0xdc: {  	s26 =	sld [smem:$0x7F8]  }
0xdd: {  	[sflag:s5] =	ssyncset.done $0x0  }
0xde: {  	[sflag:s5] =	ssyncadd.s32 $0xFFFFFE00  }
0xdf: {  	[spmem:s26] =	stream.linear.scatter [tilespmem:s6], [sflag:$0x4], $0x80, $0x38;
	[tilespmem:$0x18A00] =	vst v63  }
0xe0: {  	_ =	swait.ge [sflag:s5], $0x80  }
0xe1: {  	s19 =	simm.s32 $0x0;
	[sflag:s5] =	ssyncset.done $0x0  }
0xe2: {  	s20 =	simm.s32 $0x4770;
	s28 =	rddreg [dreg:$0x1c];
	[sflag:s5] =	ssyncadd.s32 $0xFFFFFF80  }
0xe3: {  	[tilespmem:s20], [sflag:$0x4] =	stream.linear.gather [hbm4b:s28+s19], $0x10, $0x38;
	[tilespmem:$0x18A00] =	vst v63  }
0xe4: {  	_ =	swait.ge [sflag:s5], $0x10  }
0xe5: {  	[sflag:s5] =	ssyncset.done $0x0  }
0xe6: {  	[sflag:s5] =	ssyncadd.s32 $0xFFFFFFF0  }
0xe7: {  	s20 =	simm.s32 $0x0;
	v3 =	vld [tilespmem:$0x4770];
	[bflag:$0x0] =	sbarrier.arrive $0xFFFF  }
.LBB2_4:
0xe8: {  	s1 =	sshll.u32 s20, $0x5  }
0xe9: {  	s1 =	sadd.s32 s3, s1  }
0xea: {  	s1 =	sshrl.u32 s1, $0x3  }
0xeb: {  	s21 =	sadd.s32 s0, s1  }
0xec: {  	[tilespmem:s19], [sflag:$0x4] =	stream.linear.gather [hbm4b:s21+s19], $0x20, $0x38;
	[tilespmem:$0x18A00] =	vst v63  }
0xed: {  	_ =	swait.ge [sflag:s5], $0x20  }
0xee: {  	[sflag:s5] =	ssyncset.done $0x0  }
0xef: {  	s1 =	sadd.s32 s2, s1;
	[sflag:s5] =	ssyncadd.s32 $0xFFFFFFE0  }
0xf0: {  	[tilespmem:s7], [sflag:$0x4] =	stream.linear.gather [hbm4b:s1+s19], $0x20, $0x38;
	[tilespmem:$0x18A00] =	vst v63  }
0xf1: {  	_ =	swait.ge [sflag:s5], $0x20  }
0xf2: {  	[sflag:s5] =	ssyncset.done $0x0  }
0xf3: {  	[sflag:s5] =	ssyncadd.s32 $0xFFFFFFE0  }
0xf4: {  	[tilespmem:s8], [sflag:$0x1] =	stream.indirect.gather [hbm4b:s29+s7], $0x80, s19, s7, $0xb8;
	[tilespmem:$0x18A00] =	vst v63  }
0xf5: {  	_ = 	snop  }
0xf6: {  	[tilespmem:s9], [sflag:$0x1] =	stream.indirect.gather [hbm4b:s30+s7], $0x10, s19, s7, $0xb8;
	[tilespmem:$0x18A00] =	vst v63  }
0xf7: {  	_ = 	snop  }
0xf8: {  	[tilespmem:s10], [sflag:$0x2] =	stream.indirect.gather [hbm4b:s29+s7], $0x80, s7, s7, $0xb8;
	[tilespmem:$0x18A00] =	vst v63  }
0xf9: {  	_ = 	snop  }
0xfa: {  	[tilespmem:s11], [sflag:$0x2] =	stream.indirect.gather [hbm4b:s31+s7], $0x10, s7, s7, $0xb8;
	[tilespmem:$0x18A00] =	vst v63  }
0xfb: {  	_ = 	snop  }
0xfc: {  	[tilespmem:s12], [sflag:$0x3] =	stream.indirect.gather [hbm4b:s22+s7], $0x80, s19, s7, $0xb8;
	[tilespmem:$0x18A00] =	vst v63  }
0xfd: {  	_ =	swait.ge [sflag:s13], $0x1000  }
0xfe: {  	[sflag:s13] =	ssyncset.done $0x0  }
0xff: {  	[sflag:s13] =	ssyncadd.s32 $0xFFFFF000  }
0x100: {  	_ =	swait.ge [sflag:s13], $0x200  }
0x101: {  	[sflag:s13] =	ssyncset.done $0x0  }
0x102: {  	[sflag:s13] =	ssyncadd.s32 $0xFFFFFE00  }
0x103: {  	_ =	swait.ge [sflag:s14], $0x1000  }
0x104: {  	[sflag:s14] =	ssyncset.done $0x0  }
0x105: {  	[sflag:s14] =	ssyncadd.s32 $0xFFFFF000  }
0x106: {  	_ =	swait.ge [sflag:s14], $0x200  }
0x107: {  	[sflag:s14] =	ssyncset.done $0x0  }
0x108: {  	[sflag:s14] =	ssyncadd.s32 $0xFFFFFE00  }
0x109: {  	_ =	swait.ge [sflag:s15], $0x1000  }
0x10a: {  	[sflag:s15] =	ssyncset.done $0x0  }
0x10b: {  	s21 =	simm.s32 $0x10A0;
	[sflag:s15] =	ssyncadd.s32 $0xFFFFF000  }
0x10c: {  	s24 =	simm.s32 $0xA0;
	v4 =	vld [tilespmem:s21+$0xFFFFFFC0]  }
0x10d: {  	v5 =	vld [tilespmem:s24+$0xFFFFFFC0]  }
0x10e: {  	v6 =	vld [tilespmem:s24+$0xFFFFFFD0]  }
0x10f: {  	s26 =	simm.s32 $0x0;
	s1 =	simm.s32 $0x1;
	v7 =	vld [tilespmem:s21+$0xFFFFFFD0]  }
.LBB2_5:
0x110: {  	p0 =	sne.s32 s1, $0xF;
	v8 =	vld [tilespmem:s24+$0xFFFFFFE0]  }
0x111: {  	v9 =	vld [tilespmem:s21+$0xFFFFFFE0]  }
0x112: {  	v10 =	vld [tilespmem:s24+$0xFFFFFFF0]  }
0x113: {  	v11 =	vld [tilespmem:s21+$0xFFFFFFF0]  }
0x114: {  	v4 =	vsub.f32 v5, v4;
	v5 =	vsub.f32 v6, v7;
	v6 =	vld [tilespmem:s24+$0x0]  }
0x115: {  	v7 =	vld [tilespmem:s21+$0x0]  }
0x116: {  	v4 =	vmul.f32 v4, v4;
	v5 =	vmul.f32 v5, v5;
	v8 =	vsub.f32 v8, v9;
	v9 =	vld [tilespmem:s24+$0x10]  }
0x117: {  	v12 =	vld [tilespmem:s21+$0x10]  }
0x118: {  	v4 =	vadd.f32 v5, v4;
	v5 =	vmul.f32 v8, v8;
	v8 =	vsub.f32 v10, v11;
	v10 =	vld [tilespmem:s24+$0x20]  }
0x119: {  	v11 =	vld [tilespmem:s21+$0x20]  }
0x11a: {  	v4 =	vadd.f32 v5, v4;
	v5 =	vmul.f32 v8, v8;
	v6 =	vsub.f32 v6, v7;
	v7 =	vld [tilespmem:s24+$0x30]  }
0x11b: {  	v13 =	vmov s26;
	s26 =	smov.u32 s1;
	v8 =	vld [tilespmem:s21+$0x30]  }
0x11c: {  	v4 =	vadd.f32 v5, v4;
	v5 =	vmul.f32 v6, v6;
	v6 =	vsub.f32 v9, v12  }
0x11d: {  	v9 =	vand.u32 $0xF, v13  }
0x11e: {  	v4 =	vadd.f32 v5, v4;
	v5 =	vmul.f32 v6, v6;
	v6 =	vsub.f32 v10, v11  }
0x11f: {  	v9 =	vbroadcast v9, $0x0  }
0x120: {  	v4 =	vadd.f32 v5, v4;
	v5 =	vmul.f32 v6, v6;
	v6 =	vsub.f32 v7, v8  }
0x121: {  	v7 =	vor.u32 v0, v9  }
0x122: {  	v4 =	vadd.f32 v5, v4;
	v5 =	vmul.f32 v6, v6;
	_ =	sdelay $0x1  }
0x123: {  	v4 =	vadd.f32 v5, v4;
	_ =	sdelay $0x1  }
.Ltmp1:
0x124: {  	s21 =	sadd.s32 $0x80, s21;
	[tilespmem:v7+s16+$0x0] =	vst.idx.msk $0xffff, v4;
	(pc) =	sbr.rel @p0 .LBB2_5-.Ltmp1, $4  }
0x125: {  	s24 =	sadd.s32 $0x80, s24;
	v4 =	vld [tilespmem:s21+$0xFFFFFFC0]  }
0x126: {  	v5 =	vld [tilespmem:s24+$0xFFFFFFC0]  }
0x127: {  	v6 =	vld [tilespmem:s24+$0xFFFFFFD0]  }
0x128: {  	s1 =	sadd.s32 $0x1, s1;
	v7 =	vld [tilespmem:s21+$0xFFFFFFD0]  }
0x129: {  	v8 =	vld [tilespmem:s24+$0xFFFFFFE0]  }
0x12a: {  	v9 =	vld [tilespmem:s21+$0xFFFFFFE0]  }
0x12b: {  	v10 =	vld [tilespmem:s24+$0xFFFFFFF0]  }
0x12c: {  	v11 =	vld [tilespmem:s21+$0xFFFFFFF0]  }
0x12d: {  	v4 =	vsub.f32 v5, v4;
	v5 =	vsub.f32 v6, v7;
	v6 =	vld [tilespmem:s24+$0x0]  }
0x12e: {  	v7 =	vld [tilespmem:s21+$0x0]  }
0x12f: {  	v60 =	vld [tilespmem:s24+$0x10];
	v4 =	vmul.f32 v4, v4;
	v8 =	vsub.f32 v8, v9;
	v5 =	vmul.f32 v5, v5  }
0x130: {  	v12 =	vld [tilespmem:s21+$0x10]  }
0x131: {  	v61 =	vld [tilespmem:s24+$0x20];
	v4 =	vadd.f32 v5, v4;
	v5 =	vmul.f32 v8, v8;
	v8 =	vsub.f32 v10, v11  }
0x132: {  	v62 =	vld [tilespmem:s21+$0x20]  }
0x133: {  	v6 =	vsub.f32 v6, v7;
	v7 =	vld [tilespmem:s24+$0x30];
	v4 =	vadd.f32 v5, v4;
	v5 =	vmul.f32 v8, v8  }
0x134: {  	v13 =	vmov s26;
	v8 =	vld [tilespmem:s21+$0x30]  }
0x135: {  	v4 =	vadd.f32 v5, v4;
	v5 =	vmul.f32 v6, v6;
	v6 =	vsub.f32 v60, v12  }
0x136: {  	v63 =	vand.u32 $0xF, v13  }
0x137: {  	v4 =	vadd.f32 v5, v4;
	v5 =	vmul.f32 v6, v6;
	v6 =	vsub.f32 v61, v62  }
0x138: {  	v9 =	vbroadcast v63, $0x0  }
0x139: {  	v4 =	vadd.f32 v5, v4;
	v5 =	vmul.f32 v6, v6;
	v6 =	vsub.f32 v7, v8  }
0x13a: {  	v7 =	vor.u32 v0, v9  }
0x13b: {  	v4 =	vadd.f32 v5, v4;
	v5 =	vmul.f32 v6, v6;
	_ =	sdelay $0x1  }
0x13c: {  	v4 =	vadd.f32 v5, v4;
	_ =	sdelay $0x1  }
0x13d: {  	[tilespmem:v7+s16+$0x0] =	vst.idx.msk $0xffff, v4  }
0x13e: {  	v4 =	vld [tilespmem:$0x4660]  }
0x13f: {  	v5 =	vld [tilespmem:$0x4670];
	_ =	sdelay $0x1  }
0x140: {  	v6 =	vld [tilespmem:$0x4680];
	_ =	sdelay $0x1  }
0x141: {  	v7 =	vld [tilespmem:$0x4690]  }
0x142: {  	v4 =	vadd.f32 v5, v4  }
0x143: {  	v5 =	vld [tilespmem:$0x46A0]  }
0x144: {  	v4 =	vadd.f32 v6, v4  }
0x145: {  	v6 =	vld [tilespmem:$0x46B0]  }
0x146: {  	v4 =	vadd.f32 v7, v4  }
0x147: {  	v7 =	vld [tilespmem:$0x46C0]  }
0x148: {  	v4 =	vadd.f32 v5, v4  }
0x149: {  	v5 =	vld [tilespmem:$0x46D0]  }
0x14a: {  	v4 =	vadd.f32 v6, v4  }
0x14b: {  	v6 =	vld [tilespmem:$0x46E0]  }
0x14c: {  	v4 =	vadd.f32 v7, v4  }
0x14d: {  	v7 =	vld [tilespmem:$0x46F0]  }
0x14e: {  	v4 =	vadd.f32 v5, v4  }
0x14f: {  	v5 =	vld [tilespmem:$0x4700]  }
0x150: {  	v4 =	vadd.f32 v6, v4  }
0x151: {  	v6 =	vld [tilespmem:$0x4710]  }
0x152: {  	v4 =	vadd.f32 v7, v4  }
0x153: {  	v7 =	vld [tilespmem:$0x4720]  }
0x154: {  	v4 =	vadd.f32 v5, v4  }
0x155: {  	v5 =	vld [tilespmem:$0x4730]  }
0x156: {  	v4 =	vadd.f32 v6, v4  }
0x157: {  	v6 =	vld [tilespmem:$0x4740]  }
0x158: {  	v4 =	vadd.f32 v7, v4  }
0x159: {  	v7 =	vld [tilespmem:$0x4750]  }
0x15a: {  	v4 =	vadd.f32 v5, v4;
	_ =	sdelay $0x1  }
0x15b: {  	v4 =	vadd.f32 v6, v4;
	_ =	sdelay $0x1  }
0x15c: {  	v4 =	vadd.f32 v7, v4;
	_ =	sdelay $0x1  }
0x15d: {  	v4 =	vadd.f32 $1.000000020e-16, v4;
	_ =	sdelay $0x1  }
0x15e: {  	v5 =	vshra.s32 v4, $0x1;
	v6 =	vmul.f32 $5.000000000e-01, v4  }
0x15f: {  	v5 =	vsub.s32 $0x5F3759DF, v5  }
0x160: {  	v7 =	vmul.f32 v5, v6;
	_ =	sdelay $0x1  }
0x161: {  	v7 =	vmul.f32 v5, v7;
	_ =	sdelay $0x1  }
0x162: {  	v7 =	vsub.f32 $1.500000000e+00, v7;
	_ =	sdelay $0x1  }
0x163: {  	v5 =	vmul.f32 v5, v7;
	_ =	sdelay $0x1  }
0x164: {  	v7 =	vmul.f32 v5, v6;
	_ =	sdelay $0x1  }
0x165: {  	v7 =	vmul.f32 v7, v5;
	_ =	sdelay $0x1  }
0x166: {  	v7 =	vsub.f32 $1.500000000e+00, v7;
	_ =	sdelay $0x1  }
0x167: {  	v5 =	vmul.f32 v7, v5;
	_ =	sdelay $0x1  }
0x168: {  	v6 =	vmul.f32 v5, v6;
	_ =	sdelay $0x1  }
0x169: {  	v6 =	vmul.f32 v6, v5;
	_ =	sdelay $0x1  }
0x16a: {  	v6 =	vsub.f32 $1.500000000e+00, v6;
	_ =	sdelay $0x1  }
0x16b: {  	v5 =	vmul.f32 v6, v5;
	_ =	sdelay $0x1  }
0x16c: {  	v4 =	vmul.f32 v5, v4;
	_ =	sdelay $0x1  }
0x16d: {  	v4 =	vsub.f32 $0.0e+00, v4;
	_ =	sdelay $0x1  }
0x16e: {  	v4 =	vmul.f32 $1.442695020e+00, v4;
	_ =	sdelay $0x1  }
0x16f: {  	(erf) = vpow2.f32 v4;
	_ =	sdelay $0x3  }
0x170: {  	v5 =	vld.idx.msk [tilespmem:v0+s11+$0x0], $0xffff  }
0x171: {  	v4 =	vld.idx.msk [tilespmem:v0+s9+$0x0], $0xffff;
	_ =	sdelay $0x3  }
0x172: {  	v6 =	vpop (erf)  }
0x173: {  	v4 =	vadd.f32 v5, v4;
	v5 =	vmul.f32 v6, v3;
	_ =	sdelay $0x1  }
0x174: {  	v4 =	vadd.f32 v5, v4;
	_ =	sdelay $0x1  }
0x175: {  	v5 =	vmul.f32 $2.000000030e-01, v4  }
0x176: {  	vm0 =	vge.f32 v4, $0.0e+00  }
0x177: {  	v4 =	vsel vm0, v4, v5  }
0x178: {  	v4 =	vmul.f32 $1.442695020e+00, v4;
	_ =	sdelay $0x1  }
0x179: {  	v5 =	vld [tilespmem:$0x20];
	(erf) = vpow2.f32 v4;
	_ =	sdelay $0x4  }
0x17a: {  	v4 =	vand.u32 $0xF, v5  }
0x17b: {  	v4 =	vor.u32 v0, v4  }
0x17c: {  	s21 =	simm.s32 $0x0  }
0x17d: {  	v6 =	vmov s21  }
0x17e: {  	v7 =	vpop (erf)  }
0x17f: {  	[tilespmem:$0x4760] =	vst v7  }
0x180: {  	[tilespmem:v4+s6+$0x0] =	vst.idx.msk $0xffff, v7;
	v4 =	vshrl.u32 v5, $0x4  }
0x181: {  	[tilespmem:$0x40] =	vst v4  }
0x182: {  	s28 =	simm.s32 $0x20A0;
	v4 =	vld.idx.msk [tilespmem:v6+s17+$0x0], $0xffff  }
0x183: {  	v5 =	vld [tilespmem:s28+$0xFFFFFFC0];
	_ =	sdelay $0x4  }
0x184: {  	v5 =	vmul.f32 v5, v4  }
0x185: {  	s24 =	simm.s32 $0x30A0  }
0x186: {  	[tilespmem:s24+$0xFFFFFFC0] =	vst v5  }
0x187: {  	v5 =	vld [tilespmem:s28+$0xFFFFFFD0];
	_ =	sdelay $0x4  }
0x188: {  	v5 =	vmul.f32 v5, v4;
	_ =	sdelay $0x1  }
0x189: {  	[tilespmem:s24+$0xFFFFFFD0] =	vst v5  }
0x18a: {  	v5 =	vld [tilespmem:s28+$0xFFFFFFE0];
	_ =	sdelay $0x4  }
0x18b: {  	v5 =	vmul.f32 v5, v4;
	_ =	sdelay $0x1  }
0x18c: {  	[tilespmem:s24+$0xFFFFFFE0] =	vst v5  }
0x18d: {  	v5 =	vld [tilespmem:s28+$0xFFFFFFF0];
	_ =	sdelay $0x4  }
0x18e: {  	v5 =	vmul.f32 v5, v4;
	_ =	sdelay $0x1  }
0x18f: {  	[tilespmem:s24+$0xFFFFFFF0] =	vst v5  }
0x190: {  	v5 =	vld [tilespmem:s28+$0x0];
	_ =	sdelay $0x4  }
0x191: {  	v5 =	vmul.f32 v5, v4;
	_ =	sdelay $0x1  }
0x192: {  	[tilespmem:s24+$0x0] =	vst v5  }
0x193: {  	v5 =	vld [tilespmem:s28+$0x10];
	_ =	sdelay $0x4  }
0x194: {  	v5 =	vmul.f32 v5, v4;
	_ =	sdelay $0x1  }
0x195: {  	[tilespmem:s24+$0x10] =	vst v5  }
0x196: {  	v5 =	vld [tilespmem:s28+$0x20];
	_ =	sdelay $0x4  }
0x197: {  	v5 =	vmul.f32 v5, v4;
	_ =	sdelay $0x1  }
0x198: {  	[tilespmem:s24+$0x20] =	vst v5  }
0x199: {  	v6 =	vld [tilespmem:s28+$0x30];
	_ =	sdelay $0x1  }
0x19a: {  	s26 =	simm.s32 $0x1  }
0x19b: {  	s1 =	simm.s32 $0x2;
	v5 =	vmov s26  }
.LBB2_7:
0x19c: {  	p0 =	sne.s32 s1, $0xF  }
0x19d: {  	v4 =	vmul.f32 v6, v4;
	_ =	sdelay $0x1  }
0x19e: {  	[tilespmem:s24+$0x30] =	vst v4  }
0x19f: {  	s28 =	sadd.s32 $0x80, s28;
	v4 =	vld.idx.msk [tilespmem:v5+s17+$0x0], $0xffff  }
0x1a0: {  	v5 =	vld [tilespmem:s28+$0xFFFFFFC0];
	_ =	sdelay $0x4  }
0x1a1: {  	v5 =	vmul.f32 v5, v4  }
0x1a2: {  	s24 =	sadd.s32 $0x80, s24  }
0x1a3: {  	[tilespmem:s24+$0xFFFFFFC0] =	vst v5  }
0x1a4: {  	v5 =	vld [tilespmem:s28+$0xFFFFFFD0];
	_ =	sdelay $0x4  }
0x1a5: {  	v5 =	vmul.f32 v5, v4;
	_ =	sdelay $0x1  }
0x1a6: {  	[tilespmem:s24+$0xFFFFFFD0] =	vst v5  }
0x1a7: {  	v5 =	vld [tilespmem:s28+$0xFFFFFFE0];
	_ =	sdelay $0x4  }
0x1a8: {  	v5 =	vmul.f32 v5, v4;
	_ =	sdelay $0x1  }
0x1a9: {  	[tilespmem:s24+$0xFFFFFFE0] =	vst v5  }
0x1aa: {  	v5 =	vld [tilespmem:s28+$0xFFFFFFF0];
	_ =	sdelay $0x4  }
0x1ab: {  	v5 =	vmul.f32 v5, v4;
	_ =	sdelay $0x1  }
0x1ac: {  	[tilespmem:s24+$0xFFFFFFF0] =	vst v5  }
0x1ad: {  	v5 =	vld [tilespmem:s28+$0x0];
	_ =	sdelay $0x4  }
0x1ae: {  	v5 =	vmul.f32 v5, v4;
	_ =	sdelay $0x1  }
0x1af: {  	[tilespmem:s24+$0x0] =	vst v5  }
0x1b0: {  	v5 =	vld [tilespmem:s28+$0x10];
	_ =	sdelay $0x4  }
0x1b1: {  	v5 =	vmul.f32 v5, v4;
	_ =	sdelay $0x1  }
0x1b2: {  	[tilespmem:s24+$0x10] =	vst v5  }
0x1b3: {  	v5 =	vld [tilespmem:s28+$0x20];
	_ =	sdelay $0x4  }
0x1b4: {  	v5 =	vmul.f32 v5, v4;
	_ =	sdelay $0x1  }
.Ltmp2:
0x1b5: {  	[tilespmem:s24+$0x20] =	vst v5;
	(pc) =	sbr.rel @p0 .LBB2_7-.Ltmp2, $2  }
0x1b6: {  	v6 =	vld [tilespmem:s28+$0x30];
	_ =	sdelay $0x2  }
0x1b7: {  	v5 =	vmov s1;
	s1 =	sadd.s32 $0x1, s1  }
0x1b8: {  	_ = 	snop  }
0x1b9: {  	v4 =	vmul.f32 v6, v4;
	_ =	sdelay $0x1  }
0x1ba: {  	[tilespmem:s24+$0x30] =	vst v4  }
0x1bb: {  	s1 =	sadd.s32 $0x80, s28;
	v4 =	vld.idx.msk [tilespmem:v5+s17+$0x0], $0xffff  }
0x1bc: {  	v5 =	vld [tilespmem:s1+$0xFFFFFFC0];
	_ =	sdelay $0x4  }
0x1bd: {  	v5 =	vmul.f32 v5, v4  }
0x1be: {  	s24 =	sadd.s32 $0x80, s24  }
0x1bf: {  	[tilespmem:s24+$0xFFFFFFC0] =	vst v5  }
0x1c0: {  	v5 =	vld [tilespmem:s1+$0xFFFFFFD0];
	_ =	sdelay $0x4  }
0x1c1: {  	v5 =	vmul.f32 v5, v4;
	_ =	sdelay $0x1  }
0x1c2: {  	[tilespmem:s24+$0xFFFFFFD0] =	vst v5  }
0x1c3: {  	v5 =	vld [tilespmem:s1+$0xFFFFFFE0];
	_ =	sdelay $0x4  }
0x1c4: {  	v5 =	vmul.f32 v5, v4;
	_ =	sdelay $0x1  }
0x1c5: {  	[tilespmem:s24+$0xFFFFFFE0] =	vst v5  }
0x1c6: {  	v5 =	vld [tilespmem:s1+$0xFFFFFFF0];
	_ =	sdelay $0x4  }
0x1c7: {  	v5 =	vmul.f32 v5, v4;
	_ =	sdelay $0x1  }
0x1c8: {  	[tilespmem:s24+$0xFFFFFFF0] =	vst v5  }
0x1c9: {  	v5 =	vld [tilespmem:s1+$0x0];
	_ =	sdelay $0x4  }
0x1ca: {  	v5 =	vmul.f32 v5, v4;
	_ =	sdelay $0x1  }
0x1cb: {  	[tilespmem:s24+$0x0] =	vst v5  }
0x1cc: {  	v5 =	vld [tilespmem:s1+$0x10];
	_ =	sdelay $0x4  }
0x1cd: {  	v5 =	vmul.f32 v5, v4;
	_ =	sdelay $0x1  }
0x1ce: {  	[tilespmem:s24+$0x10] =	vst v5  }
0x1cf: {  	v5 =	vld [tilespmem:s1+$0x20];
	_ =	sdelay $0x4  }
0x1d0: {  	v5 =	vmul.f32 v5, v4;
	_ =	sdelay $0x1  }
0x1d1: {  	[tilespmem:s24+$0x20] =	vst v5  }
0x1d2: {  	v5 =	vld [tilespmem:s1+$0x30];
	_ =	sdelay $0x4  }
0x1d3: {  	v4 =	vmul.f32 v5, v4;
	_ =	sdelay $0x1  }
0x1d4: {  	[tilespmem:s24+$0x30] =	vst v4;
	s24 =	simm.s32 $0x18D0  }
0x1d5: {  	s28 =	simm.s32 $0x8D0;
	v4 =	vld [tilespmem:s24+$0xFFFFFF90]  }
0x1d6: {  	v5 =	vld [tilespmem:s28+$0xFFFFFF90]  }
0x1d7: {  	v6 =	vld [tilespmem:s28+$0xFFFFFFA0]  }
0x1d8: {  	v7 =	vld [tilespmem:s24+$0xFFFFFFA0]  }
.LBB2_9:
0x1d9: {  	p0 =	sne.s32 s26, $0xF;
	v8 =	vld [tilespmem:s28+$0xFFFFFFB0]  }
0x1da: {  	v9 =	vld [tilespmem:s24+$0xFFFFFFB0]  }
0x1db: {  	v10 =	vld [tilespmem:s28+$0xFFFFFFC0]  }
0x1dc: {  	v11 =	vld [tilespmem:s24+$0xFFFFFFC0]  }
0x1dd: {  	v4 =	vsub.f32 v5, v4;
	v5 =	vsub.f32 v6, v7;
	v6 =	vld [tilespmem:s28+$0xFFFFFFD0]  }
0x1de: {  	v7 =	vld [tilespmem:s24+$0xFFFFFFD0]  }
0x1df: {  	v4 =	vmul.f32 v4, v4;
	v5 =	vmul.f32 v5, v5;
	v8 =	vsub.f32 v8, v9;
	v9 =	vld [tilespmem:s28+$0xFFFFFFE0]  }
0x1e0: {  	v12 =	vld [tilespmem:s24+$0xFFFFFFE0]  }
0x1e1: {  	v4 =	vadd.f32 v5, v4;
	v5 =	vmul.f32 v8, v8;
	v8 =	vsub.f32 v10, v11;
	v10 =	vld [tilespmem:s28+$0xFFFFFFF0]  }
0x1e2: {  	v11 =	vld [tilespmem:s24+$0xFFFFFFF0]  }
0x1e3: {  	v4 =	vadd.f32 v5, v4;
	v5 =	vmul.f32 v8, v8;
	v6 =	vsub.f32 v6, v7;
	v7 =	vld [tilespmem:s28+$0x0]  }
0x1e4: {  	v13 =	vmov s21;
	s21 =	smov.u32 s26;
	v8 =	vld [tilespmem:s24+$0x0]  }
0x1e5: {  	v4 =	vadd.f32 v5, v4;
	v5 =	vmul.f32 v6, v6;
	v6 =	vsub.f32 v9, v12  }
0x1e6: {  	v9 =	vand.u32 $0xF, v13  }
0x1e7: {  	v4 =	vadd.f32 v5, v4;
	v5 =	vmul.f32 v6, v6;
	v6 =	vsub.f32 v10, v11  }
0x1e8: {  	v9 =	vbroadcast v9, $0x0  }
0x1e9: {  	v4 =	vadd.f32 v5, v4;
	v5 =	vmul.f32 v6, v6;
	v6 =	vsub.f32 v7, v8  }
0x1ea: {  	v7 =	vor.u32 v0, v9  }
0x1eb: {  	v4 =	vadd.f32 v5, v4;
	v5 =	vmul.f32 v6, v6;
	_ =	sdelay $0x1  }
0x1ec: {  	v4 =	vadd.f32 v5, v4;
	_ =	sdelay $0x1  }
.Ltmp3:
0x1ed: {  	s24 =	sadd.s32 $0x80, s24;
	[tilespmem:v7+s16+$0x0] =	vst.idx.msk $0xffff, v4;
	(pc) =	sbr.rel @p0 .LBB2_9-.Ltmp3, $4  }
0x1ee: {  	s28 =	sadd.s32 $0x80, s28;
	v4 =	vld [tilespmem:s24+$0xFFFFFF90]  }
0x1ef: {  	v5 =	vld [tilespmem:s28+$0xFFFFFF90]  }
0x1f0: {  	v6 =	vld [tilespmem:s28+$0xFFFFFFA0]  }
0x1f1: {  	s26 =	sadd.s32 $0x1, s26;
	v7 =	vld [tilespmem:s24+$0xFFFFFFA0]  }
0x1f2: {  	v8 =	vld [tilespmem:s28+$0xFFFFFFB0]  }
0x1f3: {  	v9 =	vld [tilespmem:s24+$0xFFFFFFB0]  }
0x1f4: {  	v10 =	vld [tilespmem:s28+$0xFFFFFFC0]  }
0x1f5: {  	v11 =	vld [tilespmem:s24+$0xFFFFFFC0]  }
0x1f6: {  	v4 =	vsub.f32 v5, v4;
	v5 =	vsub.f32 v6, v7;
	v6 =	vld [tilespmem:s28+$0xFFFFFFD0]  }
0x1f7: {  	v7 =	vld [tilespmem:s24+$0xFFFFFFD0]  }
0x1f8: {  	v60 =	vld [tilespmem:s28+$0xFFFFFFE0];
	v4 =	vmul.f32 v4, v4;
	v8 =	vsub.f32 v8, v9;
	v5 =	vmul.f32 v5, v5  }
0x1f9: {  	v12 =	vld [tilespmem:s24+$0xFFFFFFE0]  }
0x1fa: {  	v61 =	vld [tilespmem:s28+$0xFFFFFFF0];
	v4 =	vadd.f32 v5, v4;
	v5 =	vmul.f32 v8, v8;
	v8 =	vsub.f32 v10, v11  }
0x1fb: {  	v62 =	vld [tilespmem:s24+$0xFFFFFFF0]  }
0x1fc: {  	v6 =	vsub.f32 v6, v7;
	v7 =	vld [tilespmem:s28+$0x0];
	v4 =	vadd.f32 v5, v4;
	v5 =	vmul.f32 v8, v8  }
0x1fd: {  	v13 =	vmov s21;
	v8 =	vld [tilespmem:s24+$0x0]  }
0x1fe: {  	v4 =	vadd.f32 v5, v4;
	v5 =	vmul.f32 v6, v6;
	v6 =	vsub.f32 v60, v12  }
0x1ff: {  	v63 =	vand.u32 $0xF, v13  }
0x200: {  	v4 =	vadd.f32 v5, v4;
	v5 =	vmul.f32 v6, v6;
	v6 =	vsub.f32 v61, v62  }
0x201: {  	v9 =	vbroadcast v63, $0x0  }
0x202: {  	v4 =	vadd.f32 v5, v4;
	v5 =	vmul.f32 v6, v6;
	v6 =	vsub.f32 v7, v8  }
0x203: {  	v7 =	vor.u32 v0, v9  }
0x204: {  	v4 =	vadd.f32 v5, v4;
	v5 =	vmul.f32 v6, v6;
	_ =	sdelay $0x1  }
0x205: {  	v4 =	vadd.f32 v5, v4;
	_ =	sdelay $0x1  }
0x206: {  	[tilespmem:v7+s16+$0x0] =	vst.idx.msk $0xffff, v4  }
0x207: {  	v4 =	vld [tilespmem:$0x4660]  }
0x208: {  	v5 =	vld [tilespmem:$0x4670];
	_ =	sdelay $0x1  }
0x209: {  	v6 =	vld [tilespmem:$0x4680];
	_ =	sdelay $0x1  }
0x20a: {  	v7 =	vld [tilespmem:$0x4690]  }
0x20b: {  	v4 =	vadd.f32 v5, v4  }
0x20c: {  	v5 =	vld [tilespmem:$0x46A0]  }
0x20d: {  	v4 =	vadd.f32 v6, v4  }
0x20e: {  	v6 =	vld [tilespmem:$0x46B0]  }
0x20f: {  	v4 =	vadd.f32 v7, v4  }
0x210: {  	v7 =	vld [tilespmem:$0x46C0]  }
0x211: {  	v4 =	vadd.f32 v5, v4  }
0x212: {  	v5 =	vld [tilespmem:$0x46D0]  }
0x213: {  	v4 =	vadd.f32 v6, v4  }
0x214: {  	v6 =	vld [tilespmem:$0x46E0]  }
0x215: {  	v4 =	vadd.f32 v7, v4  }
0x216: {  	v7 =	vld [tilespmem:$0x46F0]  }
0x217: {  	v4 =	vadd.f32 v5, v4  }
0x218: {  	v5 =	vld [tilespmem:$0x4700]  }
0x219: {  	v4 =	vadd.f32 v6, v4  }
0x21a: {  	v6 =	vld [tilespmem:$0x4710]  }
0x21b: {  	v4 =	vadd.f32 v7, v4  }
0x21c: {  	v7 =	vld [tilespmem:$0x4720]  }
0x21d: {  	v4 =	vadd.f32 v5, v4  }
0x21e: {  	v5 =	vld [tilespmem:$0x4730]  }
0x21f: {  	v4 =	vadd.f32 v6, v4  }
0x220: {  	v6 =	vld [tilespmem:$0x4740]  }
0x221: {  	v4 =	vadd.f32 v7, v4  }
0x222: {  	v7 =	vld [tilespmem:$0x4750]  }
0x223: {  	v4 =	vadd.f32 v5, v4;
	_ =	sdelay $0x1  }
0x224: {  	v4 =	vadd.f32 v6, v4;
	_ =	sdelay $0x1  }
0x225: {  	v4 =	vadd.f32 v7, v4;
	_ =	sdelay $0x1  }
0x226: {  	v4 =	vadd.f32 $1.000000020e-16, v4;
	_ =	sdelay $0x1  }
0x227: {  	v5 =	vshra.s32 v4, $0x1;
	v6 =	vmul.f32 $5.000000000e-01, v4  }
0x228: {  	v5 =	vsub.s32 $0x5F3759DF, v5  }
0x229: {  	v7 =	vmul.f32 v5, v6;
	_ =	sdelay $0x1  }
0x22a: {  	v7 =	vmul.f32 v5, v7;
	_ =	sdelay $0x1  }
0x22b: {  	v7 =	vsub.f32 $1.500000000e+00, v7;
	_ =	sdelay $0x1  }
0x22c: {  	v5 =	vmul.f32 v5, v7;
	_ =	sdelay $0x1  }
0x22d: {  	v7 =	vmul.f32 v5, v6;
	_ =	sdelay $0x1  }
0x22e: {  	v7 =	vmul.f32 v7, v5;
	_ =	sdelay $0x1  }
0x22f: {  	v7 =	vsub.f32 $1.500000000e+00, v7;
	_ =	sdelay $0x1  }
0x230: {  	v5 =	vmul.f32 v7, v5;
	_ =	sdelay $0x1  }
0x231: {  	v6 =	vmul.f32 v5, v6;
	_ =	sdelay $0x1  }
0x232: {  	v6 =	vmul.f32 v6, v5;
	_ =	sdelay $0x1  }
0x233: {  	v6 =	vsub.f32 $1.500000000e+00, v6;
	_ =	sdelay $0x1  }
0x234: {  	v5 =	vmul.f32 v6, v5;
	_ =	sdelay $0x1  }
0x235: {  	v4 =	vmul.f32 v5, v4;
	_ =	sdelay $0x1  }
0x236: {  	v4 =	vsub.f32 $0.0e+00, v4;
	_ =	sdelay $0x1  }
0x237: {  	v4 =	vmul.f32 $1.442695020e+00, v4;
	_ =	sdelay $0x1  }
0x238: {  	(erf) = vpow2.f32 v4;
	_ =	sdelay $0x3  }
0x239: {  	v5 =	vld.idx.msk [tilespmem:v2+s11+$0x0], $0xffff  }
0x23a: {  	v4 =	vld.idx.msk [tilespmem:v2+s9+$0x0], $0xffff;
	_ =	sdelay $0x3  }
0x23b: {  	v6 =	vpop (erf)  }
0x23c: {  	v4 =	vadd.f32 v5, v4;
	v5 =	vmul.f32 v6, v3;
	_ =	sdelay $0x1  }
0x23d: {  	v4 =	vadd.f32 v5, v4;
	_ =	sdelay $0x1  }
0x23e: {  	v5 =	vmul.f32 $2.000000030e-01, v4  }
0x23f: {  	vm0 =	vge.f32 v4, $0.0e+00  }
0x240: {  	v4 =	vsel vm0, v4, v5  }
0x241: {  	v4 =	vmul.f32 $1.442695020e+00, v4;
	_ =	sdelay $0x1  }
0x242: {  	v5 =	vld [tilespmem:$0x30];
	(erf) = vpow2.f32 v4;
	_ =	sdelay $0x4  }
0x243: {  	v4 =	vand.u32 $0xF, v5  }
0x244: {  	v4 =	vor.u32 v2, v4  }
0x245: {  	s1 =	simm.s32 $0x0  }
0x246: {  	v6 =	vmov s1  }
0x247: {  	v7 =	vpop (erf)  }
0x248: {  	[tilespmem:$0x4760] =	vst v7  }
0x249: {  	[tilespmem:v4+s6+$0x0] =	vst.idx.msk $0xffff, v7;
	v4 =	vshrl.u32 v5, $0x4  }
0x24a: {  	[tilespmem:$0x50] =	vst v4  }
0x24b: {  	s21 =	simm.s32 $0x28D0;
	v4 =	vld.idx.msk [tilespmem:v6+s17+$0x0], $0xffff  }
0x24c: {  	v5 =	vld [tilespmem:s21+$0xFFFFFF90];
	_ =	sdelay $0x4  }
0x24d: {  	v5 =	vmul.f32 v5, v4  }
0x24e: {  	s26 =	simm.s32 $0x38D0  }
0x24f: {  	[tilespmem:s26+$0xFFFFFF90] =	vst v5  }
0x250: {  	v5 =	vld [tilespmem:s21+$0xFFFFFFA0];
	_ =	sdelay $0x4  }
0x251: {  	v5 =	vmul.f32 v5, v4;
	_ =	sdelay $0x1  }
0x252: {  	[tilespmem:s26+$0xFFFFFFA0] =	vst v5  }
0x253: {  	v5 =	vld [tilespmem:s21+$0xFFFFFFB0];
	_ =	sdelay $0x4  }
0x254: {  	v5 =	vmul.f32 v5, v4;
	_ =	sdelay $0x1  }
0x255: {  	[tilespmem:s26+$0xFFFFFFB0] =	vst v5  }
0x256: {  	v5 =	vld [tilespmem:s21+$0xFFFFFFC0];
	_ =	sdelay $0x4  }
0x257: {  	v5 =	vmul.f32 v5, v4;
	_ =	sdelay $0x1  }
0x258: {  	[tilespmem:s26+$0xFFFFFFC0] =	vst v5  }
0x259: {  	v5 =	vld [tilespmem:s21+$0xFFFFFFD0];
	_ =	sdelay $0x4  }
0x25a: {  	v5 =	vmul.f32 v5, v4;
	_ =	sdelay $0x1  }
0x25b: {  	[tilespmem:s26+$0xFFFFFFD0] =	vst v5  }
0x25c: {  	v5 =	vld [tilespmem:s21+$0xFFFFFFE0];
	_ =	sdelay $0x4  }
0x25d: {  	v5 =	vmul.f32 v5, v4;
	_ =	sdelay $0x1  }
0x25e: {  	[tilespmem:s26+$0xFFFFFFE0] =	vst v5  }
0x25f: {  	v5 =	vld [tilespmem:s21+$0xFFFFFFF0];
	_ =	sdelay $0x4  }
0x260: {  	v5 =	vmul.f32 v5, v4;
	_ =	sdelay $0x1  }
0x261: {  	[tilespmem:s26+$0xFFFFFFF0] =	vst v5  }
0x262: {  	v6 =	vld [tilespmem:s21+$0x0];
	_ =	sdelay $0x1  }
0x263: {  	s28 =	simm.s32 $0x1  }
0x264: {  	s24 =	simm.s32 $0x2;
	v5 =	vmov s28  }
.LBB2_11:
0x265: {  	p0 =	sne.s32 s24, $0xF  }
0x266: {  	v4 =	vmul.f32 v6, v4;
	_ =	sdelay $0x1  }
0x267: {  	[tilespmem:s26+$0x0] =	vst v4  }
0x268: {  	s21 =	sadd.s32 $0x80, s21;
	v4 =	vld.idx.msk [tilespmem:v5+s17+$0x0], $0xffff  }
0x269: {  	v5 =	vld [tilespmem:s21+$0xFFFFFF90];
	_ =	sdelay $0x4  }
0x26a: {  	v5 =	vmul.f32 v5, v4  }
0x26b: {  	s26 =	sadd.s32 $0x80, s26  }
0x26c: {  	[tilespmem:s26+$0xFFFFFF90] =	vst v5  }
0x26d: {  	v5 =	vld [tilespmem:s21+$0xFFFFFFA0];
	_ =	sdelay $0x4  }
0x26e: {  	v5 =	vmul.f32 v5, v4;
	_ =	sdelay $0x1  }
0x26f: {  	[tilespmem:s26+$0xFFFFFFA0] =	vst v5  }
0x270: {  	v5 =	vld [tilespmem:s21+$0xFFFFFFB0];
	_ =	sdelay $0x4  }
0x271: {  	v5 =	vmul.f32 v5, v4;
	_ =	sdelay $0x1  }
0x272: {  	[tilespmem:s26+$0xFFFFFFB0] =	vst v5  }
0x273: {  	v5 =	vld [tilespmem:s21+$0xFFFFFFC0];
	_ =	sdelay $0x4  }
0x274: {  	v5 =	vmul.f32 v5, v4;
	_ =	sdelay $0x1  }
0x275: {  	[tilespmem:s26+$0xFFFFFFC0] =	vst v5  }
0x276: {  	v5 =	vld [tilespmem:s21+$0xFFFFFFD0];
	_ =	sdelay $0x4  }
0x277: {  	v5 =	vmul.f32 v5, v4;
	_ =	sdelay $0x1  }
0x278: {  	[tilespmem:s26+$0xFFFFFFD0] =	vst v5  }
0x279: {  	v5 =	vld [tilespmem:s21+$0xFFFFFFE0];
	_ =	sdelay $0x4  }
0x27a: {  	v5 =	vmul.f32 v5, v4;
	_ =	sdelay $0x1  }
0x27b: {  	[tilespmem:s26+$0xFFFFFFE0] =	vst v5  }
0x27c: {  	v5 =	vld [tilespmem:s21+$0xFFFFFFF0];
	_ =	sdelay $0x4  }
0x27d: {  	v5 =	vmul.f32 v5, v4;
	_ =	sdelay $0x1  }
.Ltmp4:
0x27e: {  	[tilespmem:s26+$0xFFFFFFF0] =	vst v5;
	(pc) =	sbr.rel @p0 .LBB2_11-.Ltmp4, $2  }
0x27f: {  	v6 =	vld [tilespmem:s21+$0x0];
	_ =	sdelay $0x2  }
0x280: {  	v5 =	vmov s24;
	s24 =	sadd.s32 $0x1, s24  }
0x281: {  	_ = 	snop  }
0x282: {  	v4 =	vmul.f32 v6, v4;
	_ =	sdelay $0x1  }
0x283: {  	[tilespmem:s26+$0x0] =	vst v4  }
0x284: {  	s1 =	sadd.s32 $0x80, s21;
	v4 =	vld.idx.msk [tilespmem:v5+s17+$0x0], $0xffff  }
0x285: {  	v5 =	vld [tilespmem:s1+$0xFFFFFF90];
	_ =	sdelay $0x4  }
0x286: {  	v5 =	vmul.f32 v5, v4  }
0x287: {  	s28 =	sadd.s32 $0x80, s26  }
0x288: {  	[tilespmem:s28+$0xFFFFFF90] =	vst v5  }
0x289: {  	v5 =	vld [tilespmem:s1+$0xFFFFFFA0];
	_ =	sdelay $0x4  }
0x28a: {  	v5 =	vmul.f32 v5, v4;
	_ =	sdelay $0x1  }
0x28b: {  	[tilespmem:s28+$0xFFFFFFA0] =	vst v5  }
0x28c: {  	v5 =	vld [tilespmem:s1+$0xFFFFFFB0];
	_ =	sdelay $0x4  }
0x28d: {  	v5 =	vmul.f32 v5, v4;
	_ =	sdelay $0x1  }
0x28e: {  	[tilespmem:s28+$0xFFFFFFB0] =	vst v5  }
0x28f: {  	v5 =	vld [tilespmem:s1+$0xFFFFFFC0];
	_ =	sdelay $0x4  }
0x290: {  	v5 =	vmul.f32 v5, v4;
	_ =	sdelay $0x1  }
0x291: {  	[tilespmem:s28+$0xFFFFFFC0] =	vst v5  }
0x292: {  	v5 =	vld [tilespmem:s1+$0xFFFFFFD0];
	_ =	sdelay $0x4  }
0x293: {  	v5 =	vmul.f32 v5, v4;
	_ =	sdelay $0x1  }
0x294: {  	[tilespmem:s28+$0xFFFFFFD0] =	vst v5  }
0x295: {  	v5 =	vld [tilespmem:s1+$0xFFFFFFE0];
	_ =	sdelay $0x4  }
0x296: {  	v5 =	vmul.f32 v5, v4;
	_ =	sdelay $0x1  }
0x297: {  	[tilespmem:s28+$0xFFFFFFE0] =	vst v5  }
0x298: {  	v5 =	vld [tilespmem:s1+$0xFFFFFFF0];
	_ =	sdelay $0x4  }
0x299: {  	v5 =	vmul.f32 v5, v4;
	_ =	sdelay $0x1  }
0x29a: {  	[tilespmem:s28+$0xFFFFFFF0] =	vst v5  }
0x29b: {  	v5 =	vld [tilespmem:s1+$0x0];
	_ =	sdelay $0x4  }
0x29c: {  	v4 =	vmul.f32 v5, v4;
	_ =	sdelay $0x1  }
0x29d: {  	[tilespmem:s28+$0x0] =	vst v4  }
0x29e: {  	[spmem:s23] =	stream.indirect.scatter.add.f32 [tilespmem:s4], [sflag:$0x4], $0x80, s7, s7, $0xb8;
	[tilespmem:$0x18A00] =	vst v63  }
0x29f: {  	_ =	swait.ge [sflag:s5], $0x1000  }
0x2a0: {  	[sflag:s5] =	ssyncset.done $0x0  }
0x2a1: {  	[sflag:s5] =	ssyncadd.s32 $0xFFFFF000  }
0x2a2: {  	[spmem:s25] =	stream.indirect.scatter.add.f32 [tilespmem:s6], [sflag:$0x4], $0x10, s18, s7, $0xb8;
	[tilespmem:$0x18A00] =	vst v63  }
0x2a3: {  	_ =	swait.ge [sflag:s5], $0x200  }
0x2a4: {  	[sflag:s5] =	ssyncset.done $0x0  }
0x2a5: {  	[sflag:s5] =	ssyncadd.s32 $0xFFFFFE00  }
0x2a6: {  	[tilespmem:$0x4460] =	vst v1  }
0x2a7: {  	[tilespmem:$0x4470] =	vst v1  }
0x2a8: {  	[tilespmem:$0x4480] =	vst v1  }
0x2a9: {  	[tilespmem:$0x4490] =	vst v1  }
0x2aa: {  	[tilespmem:$0x44A0] =	vst v1  }
0x2ab: {  	[tilespmem:$0x44B0] =	vst v1  }
0x2ac: {  	[tilespmem:$0x44C0] =	vst v1  }
0x2ad: {  	[tilespmem:$0x44D0] =	vst v1  }
0x2ae: {  	[tilespmem:$0x44E0] =	vst v1  }
0x2af: {  	[tilespmem:$0x44F0] =	vst v1  }
0x2b0: {  	[tilespmem:$0x4500] =	vst v1  }
0x2b1: {  	[tilespmem:$0x4510] =	vst v1  }
0x2b2: {  	[tilespmem:$0x4520] =	vst v1  }
0x2b3: {  	[tilespmem:$0x4530] =	vst v1  }
0x2b4: {  	[tilespmem:$0x4540] =	vst v1  }
0x2b5: {  	[tilespmem:$0x4550] =	vst v1  }
0x2b6: {  	[tilespmem:$0x4560] =	vst v1  }
0x2b7: {  	[tilespmem:$0x4570] =	vst v1  }
0x2b8: {  	[tilespmem:$0x4580] =	vst v1  }
0x2b9: {  	[tilespmem:$0x4590] =	vst v1  }
0x2ba: {  	[tilespmem:$0x45A0] =	vst v1  }
0x2bb: {  	[tilespmem:$0x45B0] =	vst v1  }
0x2bc: {  	[tilespmem:$0x45C0] =	vst v1  }
0x2bd: {  	[tilespmem:$0x45D0] =	vst v1  }
0x2be: {  	[tilespmem:$0x45E0] =	vst v1  }
0x2bf: {  	s20 =	sadd.s32 $0x1, s20;
	[tilespmem:$0x45F0] =	vst v1  }
0x2c0: {  	p0 =	sne.s32 s20, $0x139;
	[tilespmem:$0x4600] =	vst v1  }
.Ltmp5:
0x2c1: {  	[tilespmem:$0x4610] =	vst v1;
	(pc) =	sbr.rel @p0 .LBB2_4-.Ltmp5, $4  }
0x2c2: {  	[tilespmem:$0x4620] =	vst v1  }
0x2c3: {  	[tilespmem:$0x4630] =	vst v1  }
0x2c4: {  	[tilespmem:$0x4640] =	vst v1  }
0x2c5: {  	[tilespmem:$0x4650] =	vst v1  }
0x2c6: {  	s1 =	stileid.u32;
	[bflag:$0x0] =	sbarrier.arrive $0xFFFF  }
0x2c7: {  	s1 =	sshll.u32 s1, $0x6;
	s24 =	rddreg [dreg:$0x1d]  }
0x2c8: {  	s20 =	rddreg [dreg:$0x6];
	s19 =	sor.u32 $0x1C04, s1;
	s1 =	sshrl.u32 s24, $0x3  }
0x2c9: {  	[hbm:s20], [sflag:s19] =	dma.local [spmem:s1], $0x200  }
0x2ca: {  	_ =	swait.ge [sflag:s5], $0x200  }
0x2cb: {  	[sflag:s5] =	ssyncset.done $0x0;
	s26 =	rddreg [dreg:$0x1e]  }
0x2cc: {  	s28 =	rddreg [dreg:$0x7];
	[sflag:s5] =	ssyncadd.s32 $0xFFFFFE00;
	s1 =	sshrl.u32 s26, $0x3  }
0x2cd: {  	[hbm:s28], [sflag:s19] =	dma.local [spmem:s1], $0x200  }
0x2ce: {  	_ =	swait.ge [sflag:s5], $0x200  }
0x2cf: {  	[sflag:s5] =	ssyncset.done $0x0;
	s21 =	rddreg [dreg:$0x1f]  }
0x2d0: {  	s24 =	rddreg [dreg:$0x8];
	[sflag:s5] =	ssyncadd.s32 $0xFFFFFE00;
	s1 =	sshrl.u32 s21, $0x3  }
0x2d1: {  	[hbm:s24], [sflag:s19] =	dma.local [spmem:s1], $0x200  }
0x2d2: {  	_ =	swait.ge [sflag:s5], $0x200  }
0x2d3: {  	s26 =	sld [smem:$0x7E9];
	_ =	sdelay $0x1  }
0x2d4: {  	[sflag:s5] =	ssyncset.done $0x0  }
0x2d5: {  	s28 =	rddreg [dreg:$0x9];
	[sflag:s5] =	ssyncadd.s32 $0xFFFFFE00;
	s1 =	sshrl.u32 s26, $0x3  }
0x2d6: {  	[hbm:s28], [sflag:s19] =	dma.local [spmem:s1], $0x200  }
0x2d7: {  	_ =	swait.ge [sflag:s5], $0x200  }
0x2d8: {  	s21 =	sld [smem:$0x7EA];
	_ =	sdelay $0x1  }
0x2d9: {  	[sflag:s5] =	ssyncset.done $0x0  }
0x2da: {  	s24 =	rddreg [dreg:$0xa];
	[sflag:s5] =	ssyncadd.s32 $0xFFFFFE00;
	s1 =	sshrl.u32 s21, $0x3  }
0x2db: {  	[hbm:s24], [sflag:s19] =	dma.local [spmem:s1], $0x200  }
0x2dc: {  	_ =	swait.ge [sflag:s5], $0x200  }
0x2dd: {  	s26 =	sld [smem:$0x7EB];
	_ =	sdelay $0x1  }
0x2de: {  	[sflag:s5] =	ssyncset.done $0x0  }
0x2df: {  	s28 =	rddreg [dreg:$0xb];
	[sflag:s5] =	ssyncadd.s32 $0xFFFFFE00;
	s1 =	sshrl.u32 s26, $0x3  }
0x2e0: {  	[hbm:s28], [sflag:s19] =	dma.local [spmem:s1], $0x200  }
0x2e1: {  	_ =	swait.ge [sflag:s5], $0x200  }
0x2e2: {  	s21 =	sld [smem:$0x7EC];
	_ =	sdelay $0x1  }
0x2e3: {  	[sflag:s5] =	ssyncset.done $0x0  }
0x2e4: {  	s24 =	rddreg [dreg:$0xc];
	[sflag:s5] =	ssyncadd.s32 $0xFFFFFE00;
	s1 =	sshrl.u32 s21, $0x3  }
0x2e5: {  	[hbm:s24], [sflag:s19] =	dma.local [spmem:s1], $0x200  }
0x2e6: {  	_ =	swait.ge [sflag:s5], $0x200  }
0x2e7: {  	s26 =	sld [smem:$0x7ED];
	_ =	sdelay $0x1  }
0x2e8: {  	[sflag:s5] =	ssyncset.done $0x0  }
0x2e9: {  	s28 =	rddreg [dreg:$0xd];
	[sflag:s5] =	ssyncadd.s32 $0xFFFFFE00;
	s1 =	sshrl.u32 s26, $0x3  }
0x2ea: {  	[hbm:s28], [sflag:s19] =	dma.local [spmem:s1], $0x200  }
0x2eb: {  	_ =	swait.ge [sflag:s5], $0x200  }
0x2ec: {  	s21 =	sld [smem:$0x7EE];
	_ =	sdelay $0x1  }
0x2ed: {  	[sflag:s5] =	ssyncset.done $0x0  }
0x2ee: {  	s24 =	rddreg [dreg:$0xe];
	[sflag:s5] =	ssyncadd.s32 $0xFFFFFE00;
	s1 =	sshrl.u32 s21, $0x3  }
0x2ef: {  	[hbm:s24], [sflag:s19] =	dma.local [spmem:s1], $0x200  }
0x2f0: {  	_ =	swait.ge [sflag:s5], $0x200  }
0x2f1: {  	s26 =	sld [smem:$0x7EF];
	_ =	sdelay $0x1  }
0x2f2: {  	[sflag:s5] =	ssyncset.done $0x0  }
0x2f3: {  	s28 =	rddreg [dreg:$0xf];
	[sflag:s5] =	ssyncadd.s32 $0xFFFFFE00;
	s1 =	sshrl.u32 s26, $0x3  }
0x2f4: {  	[hbm:s28], [sflag:s19] =	dma.local [spmem:s1], $0x200  }
0x2f5: {  	_ =	swait.ge [sflag:s5], $0x200  }
0x2f6: {  	s21 =	sld [smem:$0x7F0];
	_ =	sdelay $0x1  }
0x2f7: {  	[sflag:s5] =	ssyncset.done $0x0  }
0x2f8: {  	s24 =	rddreg [dreg:$0x10];
	[sflag:s5] =	ssyncadd.s32 $0xFFFFFE00;
	s1 =	sshrl.u32 s21, $0x3  }
0x2f9: {  	[hbm:s24], [sflag:s19] =	dma.local [spmem:s1], $0x200  }
0x2fa: {  	_ =	swait.ge [sflag:s5], $0x200  }
0x2fb: {  	s26 =	sld [smem:$0x7F1];
	_ =	sdelay $0x1  }
0x2fc: {  	[sflag:s5] =	ssyncset.done $0x0  }
0x2fd: {  	s28 =	rddreg [dreg:$0x11];
	[sflag:s5] =	ssyncadd.s32 $0xFFFFFE00;
	s1 =	sshrl.u32 s26, $0x3  }
0x2fe: {  	[hbm:s28], [sflag:s19] =	dma.local [spmem:s1], $0x200  }
0x2ff: {  	_ =	swait.ge [sflag:s5], $0x200  }
0x300: {  	s21 =	sld [smem:$0x7F2];
	_ =	sdelay $0x1  }
0x301: {  	[sflag:s5] =	ssyncset.done $0x0  }
0x302: {  	s24 =	rddreg [dreg:$0x12];
	[sflag:s5] =	ssyncadd.s32 $0xFFFFFE00;
	s1 =	sshrl.u32 s21, $0x3  }
0x303: {  	[hbm:s24], [sflag:s19] =	dma.local [spmem:s1], $0x200  }
0x304: {  	_ =	swait.ge [sflag:s5], $0x200  }
0x305: {  	s26 =	sld [smem:$0x7F3];
	_ =	sdelay $0x1  }
0x306: {  	[sflag:s5] =	ssyncset.done $0x0  }
0x307: {  	s28 =	rddreg [dreg:$0x13];
	[sflag:s5] =	ssyncadd.s32 $0xFFFFFE00;
	s1 =	sshrl.u32 s26, $0x3  }
0x308: {  	[hbm:s28], [sflag:s19] =	dma.local [spmem:s1], $0x200  }
0x309: {  	_ =	swait.ge [sflag:s5], $0x200  }
0x30a: {  	s21 =	sld [smem:$0x7F4];
	_ =	sdelay $0x1  }
0x30b: {  	[sflag:s5] =	ssyncset.done $0x0  }
0x30c: {  	s24 =	rddreg [dreg:$0x14];
	[sflag:s5] =	ssyncadd.s32 $0xFFFFFE00;
	s1 =	sshrl.u32 s21, $0x3  }
0x30d: {  	[hbm:s24], [sflag:s19] =	dma.local [spmem:s1], $0x200  }
0x30e: {  	_ =	swait.ge [sflag:s5], $0x200  }
0x30f: {  	s26 =	sld [smem:$0x7F5];
	_ =	sdelay $0x1  }
0x310: {  	[sflag:s5] =	ssyncset.done $0x0  }
0x311: {  	s28 =	rddreg [dreg:$0x15];
	[sflag:s5] =	ssyncadd.s32 $0xFFFFFE00;
	s1 =	sshrl.u32 s26, $0x3  }
0x312: {  	[hbm:s28], [sflag:s19] =	dma.local [spmem:s1], $0x200  }
0x313: {  	_ =	swait.ge [sflag:s5], $0x200  }
0x314: {  	s21 =	sld [smem:$0x7FB];
	_ =	sdelay $0x1  }
0x315: {  	[sflag:s5] =	ssyncset.done $0x0  }
0x316: {  	s24 =	rddreg [dreg:$0x16];
	[sflag:s5] =	ssyncadd.s32 $0xFFFFFE00;
	s20 =	sshrl.u32 s21, $0x3  }
0x317: {  	[hbm:s24], [sflag:s19] =	dma.local [spmem:s20], $0x200  }
0x318: {  	_ =	swait.ge [sflag:s5], $0x200  }
0x319: {  	s24 =	sld [smem:$0x7FC];
	_ =	sdelay $0x1  }
0x31a: {  	[sflag:s5] =	ssyncset.done $0x0  }
0x31b: {  	s28 =	rddreg [dreg:$0x17];
	[sflag:s5] =	ssyncadd.s32 $0xFFFFFE00;
	s26 =	sshrl.u32 s24, $0x3  }
0x31c: {  	[hbm:s28], [sflag:s19] =	dma.local [spmem:s26], $0x200  }
0x31d: {  	_ =	swait.ge [sflag:s5], $0x200  }
0x31e: {  	s26 =	sld [smem:$0x7FD];
	_ =	sdelay $0x1  }
0x31f: {  	[sflag:s5] =	ssyncset.done $0x0  }
0x320: {  	s28 =	rddreg [dreg:$0x18];
	[sflag:s5] =	ssyncadd.s32 $0xFFFFFE00;
	s20 =	sshrl.u32 s26, $0x3  }
0x321: {  	[hbm:s28], [sflag:s19] =	dma.local [spmem:s20], $0x200  }
0x322: {  	_ =	swait.ge [sflag:s5], $0x200  }
0x323: {  	s20 =	sld [smem:$0x7F6];
	_ =	sdelay $0x1  }
0x324: {  	[sflag:s5] =	ssyncset.done $0x0  }
0x325: {  	s28 =	rddreg [dreg:$0x19];
	[sflag:s5] =	ssyncadd.s32 $0xFFFFFE00;
	s1 =	sshrl.u32 s20, $0x3  }
0x326: {  	[hbm:s28], [sflag:s19] =	dma.local [spmem:s1], $0x200  }
0x327: {  	_ =	swait.ge [sflag:s5], $0x200  }
0x328: {  	s20 =	sld [smem:$0x7F7];
	_ =	sdelay $0x1  }
0x329: {  	[sflag:s5] =	ssyncset.done $0x0  }
0x32a: {  	s28 =	rddreg [dreg:$0x1a];
	[sflag:s5] =	ssyncadd.s32 $0xFFFFFE00;
	s1 =	sshrl.u32 s20, $0x3  }
0x32b: {  	[hbm:s28], [sflag:s19] =	dma.local [spmem:s1], $0x40  }
0x32c: {  	_ =	swait.ge [sflag:s5], $0x40  }
0x32d: {  	s20 =	sld [smem:$0x7F8];
	_ =	sdelay $0x1  }
0x32e: {  	[sflag:s5] =	ssyncset.done $0x0  }
0x32f: {  	s28 =	rddreg [dreg:$0x1b];
	[sflag:s5] =	ssyncadd.s32 $0xFFFFFFC0;
	s1 =	sshrl.u32 s20, $0x3  }
0x330: {  	[hbm:s28], [sflag:s19] =	dma.local [spmem:s1], $0x10  }
0x331: {  	_ =	swait.ge [sflag:s5], $0x10  }
0x332: {  	s28 =	sld [smem:$0x7FA]  }
0x333: {  	s20 =	rddreg [dreg:$0x5]  }
0x334: {  	s1 =	sadd.s32 $0x1, s20  }
0x335: {  	p0 =	sne.s32 s1, s28  }
.Ltmp6:
0x336: {  	_ = 	snop;
	(pc) =	sbr.rel @p0 .LBB2_1-.Ltmp6, $3  }
0x337: {  	_ =	sdelay $0x1  }
0x338: {  	[sflag:s5] =	ssyncset.done $0x0  }
0x339: {  	[sflag:s5] =	ssyncadd.s32 $0xFFFFFFF0;
	[dreg:$0x5] =	wrdreg s1  }
0x33a: {  	_ =	sfence.sel $0x180000  }
0x33b: {  	[bflag:$0x0] =	sbarrier.arrive $0xFFFF  }
0x33c: {  	_ =	strace $0x90000047  }
0x33d: {  	s0 =	stileid.u32;
	[bflag:$0x2] =	sbarrier.arrive $0xFFFF  }
0x33e: {  	p0 =	sne.s32 s0, $0x0;
	s0 =	rddreg [dreg:$0x4]  }
0x33f: {  	s0 =	sadd.s32 @!p0 $0x100000, s0  }
0x340: {  	[sflag:s0] =	ssyncadd.tile.s32 @!p0 $0x1;
	_ =	shalt  }
.Lfunc_end2:
_tile_overlayer_lowered:
.L_overlay_start_2:
0x341: {  	(tag) =	ssettag $0x2  }
0x342: {  	s0 =	rddreg [dreg:$0x0];
	s2 =	stileid.u32  }
0x343: {  	s1 =	rddreg [dreg:$0x1];
	p0 =	sne.s32 s2, $0x0  }
0x344: {  	s3 =	rddreg [dreg:$0x2];
	[bflag:$0x3] =	sbarrier.arrive $0xFFFF;
	s2 =	simm.s32 @!p0 $0x1C04  }
0x345: {  	[timem:s3], [sflag:s2] =	dma.local @!p0 [hbm:s0], s1  }
0x346: {  	s0 =	simm.s32 @!p0 $0x4  }
0x347: {  	_ =	swait.ge @!p0 [sflag:s0], s1  }
0x348: {  	s1 =	ssub.s32 @!p0 $0x0, s1;
	[sflag:s0] =	ssyncset.done @!p0 $0x0  }
0x349: {  	[sflag:s0] =	ssyncadd.s32 @!p0 s1  }
0x34a: {  	[bflag:$0x3] =	sbarrier.arrive $0xFFFF  }
0x34b: {  	_ =	shalt  }

</sc_bundles>
